<compile_context>
chip_gen: v7x
topology: tpu7x:2x2x1
jax: 0.10.2.dev20260603
libtpu: 0.0.44.dev20260713+nightly
codegen_flags: <defaults>
</compile_context>

<pallas_src>
import functools

import jax
import jax.numpy as jnp
from jax import lax
from jax.experimental import pallas as pl
from jax.experimental.pallas import tpu as pltpu
from jax.experimental.pallas import tpu_sc as plsc

_N = 10000
_E = 320000
_D_IN = 128
_D_H = 64

_NC = 2
_NS = 16
_NW = _NC * _NS
_CHUNK = 128
_TOT_CH = _E // _CHUNK
_CPT_LO = _TOT_CH // _NW
_HI_W = _TOT_CH - _CPT_LO * _NW
_CPT_HI = _CPT_LO + 1
_R = 10112
_RPT = _R // _NS
_DEPTH = 4


def _sc_mesh():
    return plsc.VectorSubcoreMesh(core_axis_name="c", subcore_axis_name="s",
                                  num_cores=_NC, num_subcores=_NS)


def _sc_agg_body(with_count, *refs):
    if with_count:
        (tbl, src2, dst2, zrows, zrows8, ones, aggp, cntp,
         agg_sh, cnt_sh, sidx2, didx2, ones_v, csem,
         *bufs) = refs
    else:
        (tbl, src2, dst2, zrows, aggp,
         agg_sh, sidx2, didx2, *bufs) = refs
    rows = bufs[:_DEPTH]
    gsems = bufs[_DEPTH:2 * _DEPTH]
    ssems = bufs[2 * _DEPTH:]
    c = lax.axis_index("c")
    s = lax.axis_index("s")
    w = c * _NS + s
    rbase = s * _RPT
    count = jnp.where(w < _HI_W, _CPT_HI, _CPT_LO)
    base = w * _CPT_LO + jnp.minimum(w, _HI_W)

    pltpu.sync_copy(zrows, agg_sh.at[pl.ds(rbase, _RPT)])
    if with_count:
        pltpu.sync_copy(zrows8, cnt_sh.at[pl.ds(rbase, _RPT)])
        pltpu.sync_copy(ones, ones_v)

    @pl.when(w < _HI_W)
    def _():
        pltpu.sync_copy(src2.at[pl.ds(base, _CPT_HI)],
                        sidx2.at[pl.ds(0, _CPT_HI)])
        pltpu.sync_copy(dst2.at[pl.ds(base, _CPT_HI)],
                        didx2.at[pl.ds(0, _CPT_HI)])

    @pl.when(w >= _HI_W)
    def _():
        pltpu.sync_copy(src2.at[pl.ds(base, _CPT_LO)],
                        sidx2.at[pl.ds(0, _CPT_LO)])
        pltpu.sync_copy(dst2.at[pl.ds(base, _CPT_LO)],
                        didx2.at[pl.ds(0, _CPT_LO)])

    plsc.subcore_barrier()

    for m in range(_DEPTH - 1):
        pltpu.async_copy(tbl.at[sidx2.at[m]], rows[m], gsems[m])

    def step(j, carry):
        for m in range(_DEPTH):
            @pl.when(j % _DEPTH == m)
            def _(m=m):
                pltpu.make_async_copy(tbl.at[sidx2.at[j]], rows[m],
                                      gsems[m]).wait()
                pltpu.async_copy(rows[m], agg_sh.at[didx2.at[j]], ssems[m],
                                 add=True)
                if with_count:
                    pltpu.async_copy(ones_v, cnt_sh.at[didx2.at[j]], csem,
                                     add=True)

                    @pl.when(j >= _DEPTH)
                    def _():
                        pltpu.make_async_copy(ones_v,
                                              cnt_sh.at[didx2.at[0]],
                                              csem).wait()
                nxt = j + _DEPTH - 1
                b = (m + _DEPTH - 1) % _DEPTH

                @pl.when(nxt < count)
                def _():
                    @pl.when(j >= 1)
                    def _():
                        pltpu.make_async_copy(rows[b],
                                              agg_sh.at[didx2.at[0]],
                                              ssems[b]).wait()

                    pltpu.async_copy(tbl.at[sidx2.at[nxt]], rows[b],
                                     gsems[b])
        return carry

    lax.fori_loop(0, count, step, 0)

    for m in range(_DEPTH):
        pltpu.make_async_copy(rows[m], agg_sh.at[didx2.at[0]],
                              ssems[m]).wait()
    if with_count:
        for _ in range(_DEPTH):
            pltpu.make_async_copy(ones_v, cnt_sh.at[didx2.at[0]],
                                  csem).wait()
    plsc.subcore_barrier()

    pltpu.sync_copy(agg_sh.at[pl.ds(rbase, _RPT)],
                    aggp.at[c, pl.ds(rbase, _RPT)])
    if with_count:
        pltpu.sync_copy(cnt_sh.at[pl.ds(rbase, _RPT)],
                        cntp.at[c, pl.ds(rbase, _RPT)])


def _sc_aggregate1(p1, src2, dst2, zrows, zrows8, ones):
    fn = pl.kernel(
        functools.partial(_sc_agg_body, True),
        out_type=(
            jax.ShapeDtypeStruct((_NC, _R, _D_H), jnp.float32),
            jax.ShapeDtypeStruct((_NC, _R, 8), jnp.float32),
        ),
        mesh=_sc_mesh(),
        compiler_params=pltpu.CompilerParams(use_tc_tiling_on_sc=False),
        scratch_types=[
            pltpu.VMEM_SHARED((_R, _D_H), jnp.float32),
            pltpu.VMEM_SHARED((_R, 8), jnp.float32),
            pltpu.VMEM((_CPT_HI, _CHUNK), jnp.int32),
            pltpu.VMEM((_CPT_HI, _CHUNK), jnp.int32),
            pltpu.VMEM((_CHUNK, 8), jnp.float32),
            pltpu.SemaphoreType.DMA,
        ] + [pltpu.VMEM((_CHUNK, _D_H), jnp.float32)] * _DEPTH
          + [pltpu.SemaphoreType.DMA] * (2 * _DEPTH),
    )
    return fn(p1, src2, dst2, zrows, zrows8, ones)


def _sc_aggregate2(p2, src2, dst2, zrows8):
    fn = pl.kernel(
        functools.partial(_sc_agg_body, False),
        out_type=jax.ShapeDtypeStruct((_NC, _R, 8), jnp.float32),
        mesh=_sc_mesh(),
        compiler_params=pltpu.CompilerParams(use_tc_tiling_on_sc=False),
        scratch_types=[
            pltpu.VMEM_SHARED((_R, 8), jnp.float32),
            pltpu.VMEM((_CPT_HI, _CHUNK), jnp.int32),
            pltpu.VMEM((_CPT_HI, _CHUNK), jnp.int32),
        ] + [pltpu.VMEM((_CHUNK, 8), jnp.float32)] * _DEPTH
          + [pltpu.SemaphoreType.DMA] * (2 * _DEPTH),
    )
    return fn(p2, src2, dst2, zrows8)


def _tc_proj1_body(x_ref, wl_ref, wr_ref, b_ref, p_ref, r_ref):
    x = x_ref[...]
    p_ref[...] = jnp.dot(x, wl_ref[...], preferred_element_type=jnp.float32)
    r_ref[...] = (jnp.dot(x, wr_ref[...], preferred_element_type=jnp.float32)
                  + b_ref[...])


def _tc_mid_body(a_ref, c_ref, r1_ref, wl_ref, wr_ref,
                 b_ref, p2_ref, r2_ref):
    cnt = jnp.maximum(c_ref[0, :, :1] + c_ref[1, :, :1], 1.0)
    h = jnp.maximum((a_ref[0] + a_ref[1]) / cnt + r1_ref[...], 0.0)
    p2_ref[...] = jnp.dot(h, wl_ref[...], preferred_element_type=jnp.float32)
    r2_ref[...] = (jnp.dot(h, wr_ref[...], preferred_element_type=jnp.float32)
                   + b_ref[...])


def _tc_out_body(a_ref, c_ref, r2_ref, o_ref):
    cnt = jnp.maximum(c_ref[0, :, :1] + c_ref[1, :, :1], 1.0)
    o_ref[...] = (a_ref[0] + a_ref[1]) / cnt + r2_ref[...]


def kernel(x, edge_index, W1_l, W1_r, b1, W2_l, W2_r, b2):
    src2 = edge_index[0].reshape(_TOT_CH, _CHUNK)
    dst2 = edge_index[1].reshape(_TOT_CH, _CHUNK)
    xp = jnp.zeros((_R, _D_IN), jnp.float32).at[:_N].set(x)
    zrows = jnp.zeros((_RPT, _D_H), jnp.float32)
    zrows8 = jnp.zeros((_RPT, 8), jnp.float32)
    ones = jnp.ones((_CHUNK, 8), jnp.float32)

    p1, r1 = pl.pallas_call(
        _tc_proj1_body,
        out_shape=(
            jax.ShapeDtypeStruct((_R, _D_H), jnp.float32),
            jax.ShapeDtypeStruct((_R, _D_H), jnp.float32),
        ),
    )(xp, W1_l.T, W1_r.T, b1[None, :])

    aggp, cntp = _sc_aggregate1(p1, src2, dst2, zrows, zrows8, ones)

    w2l8 = jnp.zeros((_D_H, 8), jnp.float32).at[:, :2].set(W2_l.T)
    w2r8 = jnp.zeros((_D_H, 8), jnp.float32).at[:, :2].set(W2_r.T)
    b2_8 = jnp.zeros((1, 8), jnp.float32).at[0, :2].set(b2)
    p2, r2 = pl.pallas_call(
        _tc_mid_body,
        out_shape=(
            jax.ShapeDtypeStruct((_R, 8), jnp.float32),
            jax.ShapeDtypeStruct((_R, 8), jnp.float32),
        ),
    )(aggp, cntp, r1, w2l8, w2r8, b2_8)

    agg2p = _sc_aggregate2(p2, src2, dst2, zrows8)

    out8 = pl.pallas_call(
        _tc_out_body,
        out_shape=jax.ShapeDtypeStruct((_R, 8), jnp.float32),
    )(agg2p, cntp, r2)

    return out8[:_N, :2]

# --- scband reference (transcript-rebuilt; emitter-appended) ---
"""Pipeline reference for scband-graph-sage-21096879358044 (READ-ONLY COPY).

The authoritative reference and input builder live on the scoring server;
editing this copy changes nothing except your own understanding.
"""

import jax, jax.numpy as jnp
import numpy as np

N = 10000
E = 320000
D_IN = 128
D_H = 64
D_OUT = 2


def setup_inputs(seed: int = 0) -> dict:
    key = jax.random.key(seed)
    ks = jax.random.split(key, 8)
    x = jax.random.normal(ks[0], (N, D_IN), dtype=jnp.float32)
    edge_index = jax.random.randint(ks[1], (2, E), 0, N, dtype=jnp.int32)
    s1 = 1.0 / np.sqrt(D_IN)
    s2 = 1.0 / np.sqrt(D_H)
    W1_l = jax.random.uniform(ks[2], (D_H, D_IN), jnp.float32, -s1, s1)
    W1_r = jax.random.uniform(ks[3], (D_H, D_IN), jnp.float32, -s1, s1)
    b1 = jax.random.uniform(ks[4], (D_H,), jnp.float32, -s1, s1)
    W2_l = jax.random.uniform(ks[5], (D_OUT, D_H), jnp.float32, -s2, s2)
    W2_r = jax.random.uniform(ks[6], (D_OUT, D_H), jnp.float32, -s2, s2)
    b2 = jax.random.uniform(ks[7], (D_OUT,), jnp.float32, -s2, s2)
    return {"x": x, "edge_index": edge_index, "W1_l": W1_l, "W1_r": W1_r, "b1": b1,
            "W2_l": W2_l, "W2_r": W2_r, "b2": b2}


def _sage_conv(h, src, dst, Wl, Wr, b):
    # message = x_j gathered by source node; aggregate = mean over incoming edges at dst
    msgs = jnp.take(h, src, axis=0)
    agg = jax.ops.segment_sum(msgs, dst, num_segments=N)
    cnt = jax.ops.segment_sum(jnp.ones((src.shape[0],), jnp.float32), dst, num_segments=N)
    mean = agg / jnp.maximum(cnt, 1.0)[:, None]
    # PyG SAGEConv: lin_l(aggregated) + lin_r(root)
    return mean @ Wl.T + b + h @ Wr.T


def reference(x, edge_index, W1_l, W1_r, b1, W2_l, W2_r, b2):
    src = edge_index[0]
    dst = edge_index[1]
    h = jax.nn.relu(_sage_conv(x, src, dst, W1_l, W1_r, b1))
    out = _sage_conv(h, src, dst, W2_l, W2_r, b2)
    return out

if __name__ == "__main__":
    import jax
    _d = setup_inputs()
    print(jax.jit(kernel)(*tuple(_d.values())))

</pallas_src>

<mosaic_0001>
#map = affine_map<(d0, d1) -> (0, 0)>
#map1 = affine_map<(d0, d1) -> (0, 0, 0)>
module attributes {stable_mosaic.version = 14 : i64} {
  func.func @_sc_agg_body(%arg0: i32, %arg1: i32, %arg2: memref<10112x64xf32, #tpu.memory_space<hbm>>, %arg3: memref<2500x128xi32, #tpu.memory_space<hbm>>, %arg4: memref<2500x128xi32, #tpu.memory_space<hbm>>, %arg5: memref<632x64xf32, #tpu.memory_space<hbm>>, %arg6: memref<632x8xf32, #tpu.memory_space<hbm>>, %arg7: memref<128x8xf32, #tpu.memory_space<hbm>>, %arg8: memref<2x10112x64xf32, #tpu.memory_space<hbm>>, %arg9: memref<2x10112x8xf32, #tpu.memory_space<hbm>>, %arg10: memref<10112x64xf32, #tpu.memory_space<vmem_shared>>, %arg11: memref<10112x8xf32, #tpu.memory_space<vmem_shared>>, %arg12: memref<79x128xi32, #tpu.memory_space<vmem>>, %arg13: memref<79x128xi32, #tpu.memory_space<vmem>>, %arg14: memref<128x8xf32, #tpu.memory_space<vmem>>, %arg15: memref<!tpu.dma_semaphore, #tpu.memory_space<semaphore_mem>>, %arg16: memref<128x64xf32, #tpu.memory_space<vmem>>, %arg17: memref<128x64xf32, #tpu.memory_space<vmem>>, %arg18: memref<128x64xf32, #tpu.memory_space<vmem>>, %arg19: memref<128x64xf32, #tpu.memory_space<vmem>>, %arg20: memref<!tpu.dma_semaphore, #tpu.memory_space<semaphore_mem>>, %arg21: memref<!tpu.dma_semaphore, #tpu.memory_space<semaphore_mem>>, %arg22: memref<!tpu.dma_semaphore, #tpu.memory_space<semaphore_mem>>, %arg23: memref<!tpu.dma_semaphore, #tpu.memory_space<semaphore_mem>>, %arg24: memref<!tpu.dma_semaphore, #tpu.memory_space<semaphore_mem>>, %arg25: memref<!tpu.dma_semaphore, #tpu.memory_space<semaphore_mem>>, %arg26: memref<!tpu.dma_semaphore, #tpu.memory_space<semaphore_mem>>, %arg27: memref<!tpu.dma_semaphore, #tpu.memory_space<semaphore_mem>>) attributes {dimension_semantics = [#tpu.dimension_semantics<core_parallel>, #tpu.dimension_semantics<subcore_parallel>], iteration_bounds = array<i64: 2, 16>, scalar_prefetch = 0 : i64, scratch_operands = 18 : i64, tpu.core_type = #tpu.core_type<sc_vector_subcore>, window_params = [{transform_indices = #map}, {transform_indices = #map}, {transform_indices = #map}, {transform_indices = #map}, {transform_indices = #map}, {transform_indices = #map}, {transform_indices = #map1}, {transform_indices = #map1}]} {
    %mul3A = arith.constant 16 : i32
    %mul3A_0 = arith.muli %arg0, %mul3A : i32
    %add3A = arith.addi %mul3A_0, %arg1 : i32
    %mul3A_1 = arith.constant 632 : i32
    %mul3A_2 = arith.muli %arg1, %mul3A_1 : i32
    %lt3A = arith.constant 4 : i32
    %lt3A_3 = arith.cmpi slt, %add3A, %lt3A : i32
    %jit3A = arith.constant 79 : i32
    %jit3A_4 = arith.constant 78 : i32
    %select_n3A = arith.select %lt3A_3, %jit3A, %jit3A_4 : i32
    %mul3A_5 = arith.constant 78 : i32
    %mul3A_6 = arith.muli %add3A, %mul3A_5 : i32
    %min3A = arith.constant 4 : i32
    %min3A_7 = arith.minsi %add3A, %min3A : i32
    %add3A_8 = arith.addi %mul3A_6, %min3A_7 : i32
    "tpu.region"() ({
      %run_scoped3A = tpu.sem_alloc : memref<!tpu.dma_semaphore, #tpu.memory_space<semaphore_mem>>
      %dma_start3A_101 = arith.constant 0 : i32
      %dma_start3A_102 = tpu.memref_slice %arg10[%mul3A_2, %dma_start3A_101] : memref<10112x64xf32, #tpu.memory_space<vmem_shared>> -> memref<632x64xf32, #tpu.memory_space<vmem_shared>>
      tpu.enqueue_dma source(%arg5 : memref<632x64xf32, #tpu.memory_space<hbm>>) target(%dma_start3A_102 : memref<632x64xf32, #tpu.memory_space<vmem_shared>>) target_semaphore(%run_scoped3A : memref<!tpu.dma_semaphore, #tpu.memory_space<semaphore_mem>>)
      %dma_wait3A_103 = arith.constant 0 : i32
      %dma_wait3A_104 = tpu.memref_slice %arg10[%mul3A_2, %dma_wait3A_103] : memref<10112x64xf32, #tpu.memory_space<vmem_shared>> -> memref<632x64xf32, #tpu.memory_space<vmem_shared>>
      tpu.wait_dma2 semaphore(%run_scoped3A : memref<!tpu.dma_semaphore, #tpu.memory_space<semaphore_mem>>) src(%arg5 : memref<632x64xf32, #tpu.memory_space<hbm>>) dst(%dma_wait3A_104 : memref<632x64xf32, #tpu.memory_space<vmem_shared>>)
      tpu.yield
    }) : () -> ()
    "tpu.region"() ({
      %run_scoped3A = tpu.sem_alloc : memref<!tpu.dma_semaphore, #tpu.memory_space<semaphore_mem>>
      %dma_start3A_101 = arith.constant 0 : i32
      %dma_start3A_102 = tpu.memref_slice %arg11[%mul3A_2, %dma_start3A_101] : memref<10112x8xf32, #tpu.memory_space<vmem_shared>> -> memref<632x8xf32, #tpu.memory_space<vmem_shared>>
      tpu.enqueue_dma source(%arg6 : memref<632x8xf32, #tpu.memory_space<hbm>>) target(%dma_start3A_102 : memref<632x8xf32, #tpu.memory_space<vmem_shared>>) target_semaphore(%run_scoped3A : memref<!tpu.dma_semaphore, #tpu.memory_space<semaphore_mem>>)
      %dma_wait3A_103 = arith.constant 0 : i32
      %dma_wait3A_104 = tpu.memref_slice %arg11[%mul3A_2, %dma_wait3A_103] : memref<10112x8xf32, #tpu.memory_space<vmem_shared>> -> memref<632x8xf32, #tpu.memory_space<vmem_shared>>
      tpu.wait_dma2 semaphore(%run_scoped3A : memref<!tpu.dma_semaphore, #tpu.memory_space<semaphore_mem>>) src(%arg6 : memref<632x8xf32, #tpu.memory_space<hbm>>) dst(%dma_wait3A_104 : memref<632x8xf32, #tpu.memory_space<vmem_shared>>)
      tpu.yield
    }) : () -> ()
    "tpu.region"() ({
      %run_scoped3A = tpu.sem_alloc : memref<!tpu.dma_semaphore, #tpu.memory_space<semaphore_mem>>
      tpu.enqueue_dma source(%arg7 : memref<128x8xf32, #tpu.memory_space<hbm>>) target(%arg14 : memref<128x8xf32, #tpu.memory_space<vmem>>) target_semaphore(%run_scoped3A : memref<!tpu.dma_semaphore, #tpu.memory_space<semaphore_mem>>)
      tpu.wait_dma2 semaphore(%run_scoped3A : memref<!tpu.dma_semaphore, #tpu.memory_space<semaphore_mem>>) src(%arg7 : memref<128x8xf32, #tpu.memory_space<hbm>>) dst(%arg14 : memref<128x8xf32, #tpu.memory_space<vmem>>)
      tpu.yield
    }) : () -> ()
    %lt3A_9 = arith.constant 4 : i32
    %lt3A_10 = arith.cmpi slt, %add3A, %lt3A_9 : i32
    %convert_element_type3A = arith.extui %lt3A_10 : i1 to i32
    %cond3A = arith.constant 0 : i32
    %cond3A_11 = arith.cmpi ne, %convert_element_type3A, %cond3A : i32
    scf.if %cond3A_11 {
      "tpu.region"() ({
        %run_scoped3A = tpu.sem_alloc : memref<!tpu.dma_semaphore, #tpu.memory_space<semaphore_mem>>
        %dma_start3A_101 = arith.constant 0 : i32
        %dma_start3A_102 = arith.constant 0 : i32
        %dma_start3A_103 = tpu.memref_slice %arg12[%dma_start3A_101, %dma_start3A_102] : memref<79x128xi32, #tpu.memory_space<vmem>> -> memref<79x128xi32, #tpu.memory_space<vmem>>
        %dma_start3A_104 = arith.constant 0 : i32
        %dma_start3A_105 = tpu.memref_slice %arg3[%add3A_8, %dma_start3A_104] : memref<2500x128xi32, #tpu.memory_space<hbm>> -> memref<79x128xi32, #tpu.memory_space<hbm>>
        %dma_start3A_106 = arith.constant 0 : i32
        %dma_start3A_107 = arith.constant 0 : i32
        %dma_start3A_108 = tpu.memref_slice %arg12[%dma_start3A_106, %dma_start3A_107] : memref<79x128xi32, #tpu.memory_space<vmem>> -> memref<79x128xi32, #tpu.memory_space<vmem>>
        %dma_start3A_109 = arith.constant 0 : i32
        %dma_start3A_110 = tpu.memref_slice %arg3[%add3A_8, %dma_start3A_109] : memref<2500x128xi32, #tpu.memory_space<hbm>> -> memref<79x128xi32, #tpu.memory_space<hbm>>
        tpu.enqueue_dma source(%dma_start3A_110 : memref<79x128xi32, #tpu.memory_space<hbm>>) target(%dma_start3A_108 : memref<79x128xi32, #tpu.memory_space<vmem>>) target_semaphore(%run_scoped3A : memref<!tpu.dma_semaphore, #tpu.memory_space<semaphore_mem>>)
        %dma_wait3A_111 = arith.constant 0 : i32
        %dma_wait3A_112 = arith.constant 0 : i32
        %dma_wait3A_113 = tpu.memref_slice %arg12[%dma_wait3A_111, %dma_wait3A_112] : memref<79x128xi32, #tpu.memory_space<vmem>> -> memref<79x128xi32, #tpu.memory_space<vmem>>
        %dma_wait3A_114 = arith.constant 0 : i32
        %dma_wait3A_115 = tpu.memref_slice %arg3[%add3A_8, %dma_wait3A_114] : memref<2500x128xi32, #tpu.memory_space<hbm>> -> memref<79x128xi32, #tpu.memory_space<hbm>>
        %dma_wait3A_116 = arith.constant 0 : i32
        %dma_wait3A_117 = arith.constant 0 : i32
        %dma_wait3A_118 = tpu.memref_slice %arg12[%dma_wait3A_116, %dma_wait3A_117] : memref<79x128xi32, #tpu.memory_space<vmem>> -> memref<79x128xi32, #tpu.memory_space<vmem>>
        %dma_wait3A_119 = arith.constant 0 : i32
        %dma_wait3A_120 = tpu.memref_slice %arg3[%add3A_8, %dma_wait3A_119] : memref<2500x128xi32, #tpu.memory_space<hbm>> -> memref<79x128xi32, #tpu.memory_space<hbm>>
        tpu.wait_dma2 semaphore(%run_scoped3A : memref<!tpu.dma_semaphore, #tpu.memory_space<semaphore_mem>>) src(%dma_wait3A_120 : memref<79x128xi32, #tpu.memory_space<hbm>>) dst(%dma_wait3A_118 : memref<79x128xi32, #tpu.memory_space<vmem>>)
        tpu.yield
      }) : () -> ()
      "tpu.region"() ({
        %run_scoped3A = tpu.sem_alloc : memref<!tpu.dma_semaphore, #tpu.memory_space<semaphore_mem>>
        %dma_start3A_101 = arith.constant 0 : i32
        %dma_start3A_102 = arith.constant 0 : i32
        %dma_start3A_103 = tpu.memref_slice %arg13[%dma_start3A_101, %dma_start3A_102] : memref<79x128xi32, #tpu.memory_space<vmem>> -> memref<79x128xi32, #tpu.memory_space<vmem>>
        %dma_start3A_104 = arith.constant 0 : i32
        %dma_start3A_105 = tpu.memref_slice %arg4[%add3A_8, %dma_start3A_104] : memref<2500x128xi32, #tpu.memory_space<hbm>> -> memref<79x128xi32, #tpu.memory_space<hbm>>
        %dma_start3A_106 = arith.constant 0 : i32
        %dma_start3A_107 = arith.constant 0 : i32
        %dma_start3A_108 = tpu.memref_slice %arg13[%dma_start3A_106, %dma_start3A_107] : memref<79x128xi32, #tpu.memory_space<vmem>> -> memref<79x128xi32, #tpu.memory_space<vmem>>
        %dma_start3A_109 = arith.constant 0 : i32
        %dma_start3A_110 = tpu.memref_slice %arg4[%add3A_8, %dma_start3A_109] : memref<2500x128xi32, #tpu.memory_space<hbm>> -> memref<79x128xi32, #tpu.memory_space<hbm>>
        tpu.enqueue_dma source(%dma_start3A_110 : memref<79x128xi32, #tpu.memory_space<hbm>>) target(%dma_start3A_108 : memref<79x128xi32, #tpu.memory_space<vmem>>) target_semaphore(%run_scoped3A : memref<!tpu.dma_semaphore, #tpu.memory_space<semaphore_mem>>)
        %dma_wait3A_111 = arith.constant 0 : i32
        %dma_wait3A_112 = arith.constant 0 : i32
        %dma_wait3A_113 = tpu.memref_slice %arg13[%dma_wait3A_111, %dma_wait3A_112] : memref<79x128xi32, #tpu.memory_space<vmem>> -> memref<79x128xi32, #tpu.memory_space<vmem>>
        %dma_wait3A_114 = arith.constant 0 : i32
        %dma_wait3A_115 = tpu.memref_slice %arg4[%add3A_8, %dma_wait3A_114] : memref<2500x128xi32, #tpu.memory_space<hbm>> -> memref<79x128xi32, #tpu.memory_space<hbm>>
        %dma_wait3A_116 = arith.constant 0 : i32
        %dma_wait3A_117 = arith.constant 0 : i32
        %dma_wait3A_118 = tpu.memref_slice %arg13[%dma_wait3A_116, %dma_wait3A_117] : memref<79x128xi32, #tpu.memory_space<vmem>> -> memref<79x128xi32, #tpu.memory_space<vmem>>
        %dma_wait3A_119 = arith.constant 0 : i32
        %dma_wait3A_120 = tpu.memref_slice %arg4[%add3A_8, %dma_wait3A_119] : memref<2500x128xi32, #tpu.memory_space<hbm>> -> memref<79x128xi32, #tpu.memory_space<hbm>>
        tpu.wait_dma2 semaphore(%run_scoped3A : memref<!tpu.dma_semaphore, #tpu.memory_space<semaphore_mem>>) src(%dma_wait3A_120 : memref<79x128xi32, #tpu.memory_space<hbm>>) dst(%dma_wait3A_118 : memref<79x128xi32, #tpu.memory_space<vmem>>)
        tpu.yield
      }) : () -> ()
    } else {
    }
    %ge3A = arith.constant 4 : i32
    %ge3A_12 = arith.cmpi sge, %add3A, %ge3A : i32
    %convert_element_type3A_13 = arith.extui %ge3A_12 : i1 to i32
    %cond3A_14 = arith.constant 0 : i32
    %cond3A_15 = arith.cmpi ne, %convert_element_type3A_13, %cond3A_14 : i32
    scf.if %cond3A_15 {
      "tpu.region"() ({
        %run_scoped3A = tpu.sem_alloc : memref<!tpu.dma_semaphore, #tpu.memory_space<semaphore_mem>>
        %dma_start3A_101 = arith.constant 0 : i32
        %dma_start3A_102 = arith.constant 0 : i32
        %dma_start3A_103 = tpu.memref_slice %arg12[%dma_start3A_101, %dma_start3A_102] : memref<79x128xi32, #tpu.memory_space<vmem>> -> memref<78x128xi32, #tpu.memory_space<vmem>>
        %dma_start3A_104 = arith.constant 0 : i32
        %dma_start3A_105 = tpu.memref_slice %arg3[%add3A_8, %dma_start3A_104] : memref<2500x128xi32, #tpu.memory_space<hbm>> -> memref<78x128xi32, #tpu.memory_space<hbm>>
        %dma_start3A_106 = arith.constant 0 : i32
        %dma_start3A_107 = arith.constant 0 : i32
        %dma_start3A_108 = tpu.memref_slice %arg12[%dma_start3A_106, %dma_start3A_107] : memref<79x128xi32, #tpu.memory_space<vmem>> -> memref<78x128xi32, #tpu.memory_space<vmem>>
        %dma_start3A_109 = arith.constant 0 : i32
        %dma_start3A_110 = tpu.memref_slice %arg3[%add3A_8, %dma_start3A_109] : memref<2500x128xi32, #tpu.memory_space<hbm>> -> memref<78x128xi32, #tpu.memory_space<hbm>>
        tpu.enqueue_dma source(%dma_start3A_110 : memref<78x128xi32, #tpu.memory_space<hbm>>) target(%dma_start3A_108 : memref<78x128xi32, #tpu.memory_space<vmem>>) target_semaphore(%run_scoped3A : memref<!tpu.dma_semaphore, #tpu.memory_space<semaphore_mem>>)
        %dma_wait3A_111 = arith.constant 0 : i32
        %dma_wait3A_112 = arith.constant 0 : i32
        %dma_wait3A_113 = tpu.memref_slice %arg12[%dma_wait3A_111, %dma_wait3A_112] : memref<79x128xi32, #tpu.memory_space<vmem>> -> memref<78x128xi32, #tpu.memory_space<vmem>>
        %dma_wait3A_114 = arith.constant 0 : i32
        %dma_wait3A_115 = tpu.memref_slice %arg3[%add3A_8, %dma_wait3A_114] : memref<2500x128xi32, #tpu.memory_space<hbm>> -> memref<78x128xi32, #tpu.memory_space<hbm>>
        %dma_wait3A_116 = arith.constant 0 : i32
        %dma_wait3A_117 = arith.constant 0 : i32
        %dma_wait3A_118 = tpu.memref_slice %arg12[%dma_wait3A_116, %dma_wait3A_117] : memref<79x128xi32, #tpu.memory_space<vmem>> -> memref<78x128xi32, #tpu.memory_space<vmem>>
        %dma_wait3A_119 = arith.constant 0 : i32
        %dma_wait3A_120 = tpu.memref_slice %arg3[%add3A_8, %dma_wait3A_119] : memref<2500x128xi32, #tpu.memory_space<hbm>> -> memref<78x128xi32, #tpu.memory_space<hbm>>
        tpu.wait_dma2 semaphore(%run_scoped3A : memref<!tpu.dma_semaphore, #tpu.memory_space<semaphore_mem>>) src(%dma_wait3A_120 : memref<78x128xi32, #tpu.memory_space<hbm>>) dst(%dma_wait3A_118 : memref<78x128xi32, #tpu.memory_space<vmem>>)
        tpu.yield
      }) : () -> ()
      "tpu.region"() ({
        %run_scoped3A = tpu.sem_alloc : memref<!tpu.dma_semaphore, #tpu.memory_space<semaphore_mem>>
        %dma_start3A_101 = arith.constant 0 : i32
        %dma_start3A_102 = arith.constant 0 : i32
        %dma_start3A_103 = tpu.memref_slice %arg13[%dma_start3A_101, %dma_start3A_102] : memref<79x128xi32, #tpu.memory_space<vmem>> -> memref<78x128xi32, #tpu.memory_space<vmem>>
        %dma_start3A_104 = arith.constant 0 : i32
        %dma_start3A_105 = tpu.memref_slice %arg4[%add3A_8, %dma_start3A_104] : memref<2500x128xi32, #tpu.memory_space<hbm>> -> memref<78x128xi32, #tpu.memory_space<hbm>>
        %dma_start3A_106 = arith.constant 0 : i32
        %dma_start3A_107 = arith.constant 0 : i32
        %dma_start3A_108 = tpu.memref_slice %arg13[%dma_start3A_106, %dma_start3A_107] : memref<79x128xi32, #tpu.memory_space<vmem>> -> memref<78x128xi32, #tpu.memory_space<vmem>>
        %dma_start3A_109 = arith.constant 0 : i32
        %dma_start3A_110 = tpu.memref_slice %arg4[%add3A_8, %dma_start3A_109] : memref<2500x128xi32, #tpu.memory_space<hbm>> -> memref<78x128xi32, #tpu.memory_space<hbm>>
        tpu.enqueue_dma source(%dma_start3A_110 : memref<78x128xi32, #tpu.memory_space<hbm>>) target(%dma_start3A_108 : memref<78x128xi32, #tpu.memory_space<vmem>>) target_semaphore(%run_scoped3A : memref<!tpu.dma_semaphore, #tpu.memory_space<semaphore_mem>>)
        %dma_wait3A_111 = arith.constant 0 : i32
        %dma_wait3A_112 = arith.constant 0 : i32
        %dma_wait3A_113 = tpu.memref_slice %arg13[%dma_wait3A_111, %dma_wait3A_112] : memref<79x128xi32, #tpu.memory_space<vmem>> -> memref<78x128xi32, #tpu.memory_space<vmem>>
        %dma_wait3A_114 = arith.constant 0 : i32
        %dma_wait3A_115 = tpu.memref_slice %arg4[%add3A_8, %dma_wait3A_114] : memref<2500x128xi32, #tpu.memory_space<hbm>> -> memref<78x128xi32, #tpu.memory_space<hbm>>
        %dma_wait3A_116 = arith.constant 0 : i32
        %dma_wait3A_117 = arith.constant 0 : i32
        %dma_wait3A_118 = tpu.memref_slice %arg13[%dma_wait3A_116, %dma_wait3A_117] : memref<79x128xi32, #tpu.memory_space<vmem>> -> memref<78x128xi32, #tpu.memory_space<vmem>>
        %dma_wait3A_119 = arith.constant 0 : i32
        %dma_wait3A_120 = tpu.memref_slice %arg4[%add3A_8, %dma_wait3A_119] : memref<2500x128xi32, #tpu.memory_space<hbm>> -> memref<78x128xi32, #tpu.memory_space<hbm>>
        tpu.wait_dma2 semaphore(%run_scoped3A : memref<!tpu.dma_semaphore, #tpu.memory_space<semaphore_mem>>) src(%dma_wait3A_120 : memref<78x128xi32, #tpu.memory_space<hbm>>) dst(%dma_wait3A_118 : memref<78x128xi32, #tpu.memory_space<vmem>>)
        tpu.yield
      }) : () -> ()
    } else {
    }
    %barrier3A = arith.constant 0 : index
    tpu.barrier barrier_id(%barrier3A)
    %dma_start3A = arith.constant 0 : i32
    %dma_start3A_16 = arith.constant 0 : i32
    %dma_start3A_17 = tpu.memref_slice %arg12[%dma_start3A, %dma_start3A_16] : memref<79x128xi32, #tpu.memory_space<vmem>> -> memref<1x128xi32, #tpu.memory_space<vmem>>
    %dma_start3A_18 = tpu.memref_squeeze %dma_start3A_17 : memref<1x128xi32, #tpu.memory_space<vmem>> -> memref<128xi32, #tpu.memory_space<vmem>>
    %dma_start3A_19 = arith.constant 0 : i32
    %dma_start3A_20 = arith.constant 0 : i32
    %dma_start3A_21 = tpu.memref_slice %arg2[%dma_start3A_19, %dma_start3A_20] : memref<10112x64xf32, #tpu.memory_space<hbm>> -> memref<10112x64xf32, #tpu.memory_space<hbm>>
    tpu.enqueue_indirect_dma source(%dma_start3A_21 : memref<10112x64xf32, #tpu.memory_space<hbm>>) target(%arg16 : memref<128x64xf32, #tpu.memory_space<vmem>>) offsets(%dma_start3A_18 : memref<128xi32, #tpu.memory_space<vmem>>) semaphore(%arg20 : memref<!tpu.dma_semaphore, #tpu.memory_space<semaphore_mem>>)
    %dma_start3A_22 = arith.constant 1 : i32
    %dma_start3A_23 = arith.constant 0 : i32
    %dma_start3A_24 = tpu.memref_slice %arg12[%dma_start3A_22, %dma_start3A_23] : memref<79x128xi32, #tpu.memory_space<vmem>> -> memref<1x128xi32, #tpu.memory_space<vmem>>
    %dma_start3A_25 = tpu.memref_squeeze %dma_start3A_24 : memref<1x128xi32, #tpu.memory_space<vmem>> -> memref<128xi32, #tpu.memory_space<vmem>>
    %dma_start3A_26 = arith.constant 0 : i32
    %dma_start3A_27 = arith.constant 0 : i32
    %dma_start3A_28 = tpu.memref_slice %arg2[%dma_start3A_26, %dma_start3A_27] : memref<10112x64xf32, #tpu.memory_space<hbm>> -> memref<10112x64xf32, #tpu.memory_space<hbm>>
    tpu.enqueue_indirect_dma source(%dma_start3A_28 : memref<10112x64xf32, #tpu.memory_space<hbm>>) target(%arg17 : memref<128x64xf32, #tpu.memory_space<vmem>>) offsets(%dma_start3A_25 : memref<128xi32, #tpu.memory_space<vmem>>) semaphore(%arg21 : memref<!tpu.dma_semaphore, #tpu.memory_space<semaphore_mem>>)
    %dma_start3A_29 = arith.constant 2 : i32
    %dma_start3A_30 = arith.constant 0 : i32
    %dma_start3A_31 = tpu.memref_slice %arg12[%dma_start3A_29, %dma_start3A_30] : memref<79x128xi32, #tpu.memory_space<vmem>> -> memref<1x128xi32, #tpu.memory_space<vmem>>
    %dma_start3A_32 = tpu.memref_squeeze %dma_start3A_31 : memref<1x128xi32, #tpu.memory_space<vmem>> -> memref<128xi32, #tpu.memory_space<vmem>>
    %dma_start3A_33 = arith.constant 0 : i32
    %dma_start3A_34 = arith.constant 0 : i32
    %dma_start3A_35 = tpu.memref_slice %arg2[%dma_start3A_33, %dma_start3A_34] : memref<10112x64xf32, #tpu.memory_space<hbm>> -> memref<10112x64xf32, #tpu.memory_space<hbm>>
    tpu.enqueue_indirect_dma source(%dma_start3A_35 : memref<10112x64xf32, #tpu.memory_space<hbm>>) target(%arg18 : memref<128x64xf32, #tpu.memory_space<vmem>>) offsets(%dma_start3A_32 : memref<128xi32, #tpu.memory_space<vmem>>) semaphore(%arg22 : memref<!tpu.dma_semaphore, #tpu.memory_space<semaphore_mem>>)
    %while3A = arith.constant 0 : i32
    %while3A_36 = arith.constant 0 : i32
    %while3A_37 = arith.subi %select_n3A, %while3A_36 : i32
    %while3A_38 = arith.addi %while3A_36, %while3A_37 : i32
    %while3A_39 = arith.constant 1 : i32
    %while3A_40 = arith.divsi %while3A_37, %while3A_39 : i32
    %while3A_41 = arith.muli %while3A_40, %while3A_39 : i32
    %while3A_42 = arith.addi %while3A_36, %while3A_41 : i32
    %while3A_43 = arith.constant 1 : i32
    scf.for %while3A_101 = %while3A_36 to %while3A_42 step %while3A_43  : i32 {
      %jit3A_102 = arith.constant 4 : i32
      %eq3A = arith.constant 0 : i32
      %eq3A_103 = arith.cmpi eq, %jit3A_102, %eq3A : i32
      %jit3A_104 = arith.constant 1 : i32
      %select_n3A_105 = arith.select %eq3A_103, %jit3A_104, %jit3A_102 : i32
      %rem3A = arith.remsi %while3A_101, %select_n3A_105 : i32
      %ne3A = arith.constant 0 : i32
      %ne3A_106 = arith.cmpi ne, %rem3A, %ne3A : i32
      %lt3A_107 = arith.constant 0 : i32
      %lt3A_108 = arith.cmpi slt, %rem3A, %lt3A_107 : i32
      %lt3A_109 = arith.constant 0 : i32
      %lt3A_110 = arith.cmpi slt, %select_n3A_105, %lt3A_109 : i32
      %ne3A_111 = arith.xori %lt3A_108, %lt3A_110 : i1
      %and3A = arith.andi %ne3A_111, %ne3A_106 : i1
      %add3A_112 = arith.addi %rem3A, %select_n3A_105 : i32
      %select_n3A_113 = arith.select %and3A, %add3A_112, %rem3A : i32
      %eq3A_114 = arith.constant 0 : i32
      %eq3A_115 = arith.cmpi eq, %select_n3A_113, %eq3A_114 : i32
      %convert_element_type3A_116 = arith.extui %eq3A_115 : i1 to i32
      %cond3A_117 = arith.constant 0 : i32
      %cond3A_118 = arith.cmpi ne, %convert_element_type3A_116, %cond3A_117 : i32
      scf.if %cond3A_118 {
        %dma_wait3A_182 = arith.constant 0 : i32
        %dma_wait3A_183 = tpu.memref_slice %arg12[%while3A_101, %dma_wait3A_182] : memref<79x128xi32, #tpu.memory_space<vmem>> -> memref<1x128xi32, #tpu.memory_space<vmem>>
        %dma_wait3A_184 = tpu.memref_squeeze %dma_wait3A_183 : memref<1x128xi32, #tpu.memory_space<vmem>> -> memref<128xi32, #tpu.memory_space<vmem>>
        %dma_wait3A_185 = arith.constant 0 : i32
        %dma_wait3A_186 = arith.constant 0 : i32
        %dma_wait3A_187 = tpu.memref_slice %arg2[%dma_wait3A_185, %dma_wait3A_186] : memref<10112x64xf32, #tpu.memory_space<hbm>> -> memref<10112x64xf32, #tpu.memory_space<hbm>>
        tpu.wait_indirect_dma semaphore(%arg20 : memref<!tpu.dma_semaphore, #tpu.memory_space<semaphore_mem>>) src(%dma_wait3A_187 : memref<10112x64xf32, #tpu.memory_space<hbm>>) dst(%arg16 : memref<128x64xf32, #tpu.memory_space<vmem>>)
        %dma_start3A_188 = arith.constant 0 : i32
        %dma_start3A_189 = tpu.memref_slice %arg13[%while3A_101, %dma_start3A_188] : memref<79x128xi32, #tpu.memory_space<vmem>> -> memref<1x128xi32, #tpu.memory_space<vmem>>
        %dma_start3A_190 = tpu.memref_squeeze %dma_start3A_189 : memref<1x128xi32, #tpu.memory_space<vmem>> -> memref<128xi32, #tpu.memory_space<vmem>>
        %dma_start3A_191 = arith.constant 0 : i32
        %dma_start3A_192 = arith.constant 0 : i32
        %dma_start3A_193 = tpu.memref_slice %arg10[%dma_start3A_191, %dma_start3A_192] : memref<10112x64xf32, #tpu.memory_space<vmem_shared>> -> memref<10112x64xf32, #tpu.memory_space<vmem_shared>>
        tpu.enqueue_indirect_dma source(%arg16 : memref<128x64xf32, #tpu.memory_space<vmem>>) target(%dma_start3A_193 : memref<10112x64xf32, #tpu.memory_space<vmem_shared>>) offsets(%dma_start3A_190 : memref<128xi32, #tpu.memory_space<vmem>>) semaphore(%arg24 : memref<!tpu.dma_semaphore, #tpu.memory_space<semaphore_mem>>) {add = true}
        %dma_start3A_194 = arith.constant 0 : i32
        %dma_start3A_195 = tpu.memref_slice %arg13[%while3A_101, %dma_start3A_194] : memref<79x128xi32, #tpu.memory_space<vmem>> -> memref<1x128xi32, #tpu.memory_space<vmem>>
        %dma_start3A_196 = tpu.memref_squeeze %dma_start3A_195 : memref<1x128xi32, #tpu.memory_space<vmem>> -> memref<128xi32, #tpu.memory_space<vmem>>
        %dma_start3A_197 = arith.constant 0 : i32
        %dma_start3A_198 = arith.constant 0 : i32
        %dma_start3A_199 = tpu.memref_slice %arg11[%dma_start3A_197, %dma_start3A_198] : memref<10112x8xf32, #tpu.memory_space<vmem_shared>> -> memref<10112x8xf32, #tpu.memory_space<vmem_shared>>
        tpu.enqueue_indirect_dma source(%arg14 : memref<128x8xf32, #tpu.memory_space<vmem>>) target(%dma_start3A_199 : memref<10112x8xf32, #tpu.memory_space<vmem_shared>>) offsets(%dma_start3A_196 : memref<128xi32, #tpu.memory_space<vmem>>) semaphore(%arg15 : memref<!tpu.dma_semaphore, #tpu.memory_space<semaphore_mem>>) {add = true}
        %ge3A_200 = arith.constant 4 : i32
        %ge3A_201 = arith.cmpi sge, %while3A_101, %ge3A_200 : i32
        %convert_element_type3A_202 = arith.extui %ge3A_201 : i1 to i32
        %cond3A_203 = arith.constant 0 : i32
        %cond3A_204 = arith.cmpi ne, %convert_element_type3A_202, %cond3A_203 : i32
        scf.if %cond3A_204 {
          %dma_wait3A_212 = arith.constant 0 : i32
          %dma_wait3A_213 = arith.constant 0 : i32
          %dma_wait3A_214 = tpu.memref_slice %arg13[%dma_wait3A_212, %dma_wait3A_213] : memref<79x128xi32, #tpu.memory_space<vmem>> -> memref<1x128xi32, #tpu.memory_space<vmem>>
          %dma_wait3A_215 = tpu.memref_squeeze %dma_wait3A_214 : memref<1x128xi32, #tpu.memory_space<vmem>> -> memref<128xi32, #tpu.memory_space<vmem>>
          %dma_wait3A_216 = arith.constant 0 : i32
          %dma_wait3A_217 = arith.constant 0 : i32
          %dma_wait3A_218 = tpu.memref_slice %arg11[%dma_wait3A_216, %dma_wait3A_217] : memref<10112x8xf32, #tpu.memory_space<vmem_shared>> -> memref<10112x8xf32, #tpu.memory_space<vmem_shared>>
          tpu.wait_indirect_dma semaphore(%arg15 : memref<!tpu.dma_semaphore, #tpu.memory_space<semaphore_mem>>) src(%arg14 : memref<128x8xf32, #tpu.memory_space<vmem>>) dst(%dma_wait3A_218 : memref<10112x8xf32, #tpu.memory_space<vmem_shared>>)
        } else {
        }
        %add3A_205 = arith.constant 4 : i32
        %add3A_206 = arith.addi %while3A_101, %add3A_205 : i32
        %sub3A = arith.constant 1 : i32
        %sub3A_207 = arith.subi %add3A_206, %sub3A : i32
        %lt3A_208 = arith.cmpi slt, %sub3A_207, %select_n3A : i32
        %convert_element_type3A_209 = arith.extui %lt3A_208 : i1 to i32
        %cond3A_210 = arith.constant 0 : i32
        %cond3A_211 = arith.cmpi ne, %convert_element_type3A_209, %cond3A_210 : i32
        scf.if %cond3A_211 {
          %ge3A_212 = arith.constant 1 : i32
          %ge3A_213 = arith.cmpi sge, %while3A_101, %ge3A_212 : i32
          %convert_element_type3A_214 = arith.extui %ge3A_213 : i1 to i32
          %cond3A_215 = arith.constant 0 : i32
          %cond3A_216 = arith.cmpi ne, %convert_element_type3A_214, %cond3A_215 : i32
          scf.if %cond3A_216 {
            %dma_wait3A_223 = arith.constant 0 : i32
            %dma_wait3A_224 = arith.constant 0 : i32
            %dma_wait3A_225 = tpu.memref_slice %arg13[%dma_wait3A_223, %dma_wait3A_224] : memref<79x128xi32, #tpu.memory_space<vmem>> -> memref<1x128xi32, #tpu.memory_space<vmem>>
            %dma_wait3A_226 = tpu.memref_squeeze %dma_wait3A_225 : memref<1x128xi32, #tpu.memory_space<vmem>> -> memref<128xi32, #tpu.memory_space<vmem>>
            %dma_wait3A_227 = arith.constant 0 : i32
            %dma_wait3A_228 = arith.constant 0 : i32
            %dma_wait3A_229 = tpu.memref_slice %arg10[%dma_wait3A_227, %dma_wait3A_228] : memref<10112x64xf32, #tpu.memory_space<vmem_shared>> -> memref<10112x64xf32, #tpu.memory_space<vmem_shared>>
            tpu.wait_indirect_dma semaphore(%arg27 : memref<!tpu.dma_semaphore, #tpu.memory_space<semaphore_mem>>) src(%arg19 : memref<128x64xf32, #tpu.memory_space<vmem>>) dst(%dma_wait3A_229 : memref<10112x64xf32, #tpu.memory_space<vmem_shared>>)
          } else {
          }
          %dma_start3A_217 = arith.constant 0 : i32
          %dma_start3A_218 = tpu.memref_slice %arg12[%sub3A_207, %dma_start3A_217] : memref<79x128xi32, #tpu.memory_space<vmem>> -> memref<1x128xi32, #tpu.memory_space<vmem>>
          %dma_start3A_219 = tpu.memref_squeeze %dma_start3A_218 : memref<1x128xi32, #tpu.memory_space<vmem>> -> memref<128xi32, #tpu.memory_space<vmem>>
          %dma_start3A_220 = arith.constant 0 : i32
          %dma_start3A_221 = arith.constant 0 : i32
          %dma_start3A_222 = tpu.memref_slice %arg2[%dma_start3A_220, %dma_start3A_221] : memref<10112x64xf32, #tpu.memory_space<hbm>> -> memref<10112x64xf32, #tpu.memory_space<hbm>>
          tpu.enqueue_indirect_dma source(%dma_start3A_222 : memref<10112x64xf32, #tpu.memory_space<hbm>>) target(%arg19 : memref<128x64xf32, #tpu.memory_space<vmem>>) offsets(%dma_start3A_219 : memref<128xi32, #tpu.memory_space<vmem>>) semaphore(%arg23 : memref<!tpu.dma_semaphore, #tpu.memory_space<semaphore_mem>>)
        } else {
        }
      } else {
      }
      %jit3A_119 = arith.constant 4 : i32
      %eq3A_120 = arith.constant 0 : i32
      %eq3A_121 = arith.cmpi eq, %jit3A_119, %eq3A_120 : i32
      %jit3A_122 = arith.constant 1 : i32
      %select_n3A_123 = arith.select %eq3A_121, %jit3A_122, %jit3A_119 : i32
      %rem3A_124 = arith.remsi %while3A_101, %select_n3A_123 : i32
      %ne3A_125 = arith.constant 0 : i32
      %ne3A_126 = arith.cmpi ne, %rem3A_124, %ne3A_125 : i32
      %lt3A_127 = arith.constant 0 : i32
      %lt3A_128 = arith.cmpi slt, %rem3A_124, %lt3A_127 : i32
      %lt3A_129 = arith.constant 0 : i32
      %lt3A_130 = arith.cmpi slt, %select_n3A_123, %lt3A_129 : i32
      %ne3A_131 = arith.xori %lt3A_128, %lt3A_130 : i1
      %and3A_132 = arith.andi %ne3A_131, %ne3A_126 : i1
      %add3A_133 = arith.addi %rem3A_124, %select_n3A_123 : i32
      %select_n3A_134 = arith.select %and3A_132, %add3A_133, %rem3A_124 : i32
      %eq3A_135 = arith.constant 1 : i32
      %eq3A_136 = arith.cmpi eq, %select_n3A_134, %eq3A_135 : i32
      %convert_element_type3A_137 = arith.extui %eq3A_136 : i1 to i32
      %cond3A_138 = arith.constant 0 : i32
      %cond3A_139 = arith.cmpi ne, %convert_element_type3A_137, %cond3A_138 : i32
      scf.if %cond3A_139 {
        %dma_wait3A_182 = arith.constant 0 : i32
        %dma_wait3A_183 = tpu.memref_slice %arg12[%while3A_101, %dma_wait3A_182] : memref<79x128xi32, #tpu.memory_space<vmem>> -> memref<1x128xi32, #tpu.memory_space<vmem>>
        %dma_wait3A_184 = tpu.memref_squeeze %dma_wait3A_183 : memref<1x128xi32, #tpu.memory_space<vmem>> -> memref<128xi32, #tpu.memory_space<vmem>>
        %dma_wait3A_185 = arith.constant 0 : i32
        %dma_wait3A_186 = arith.constant 0 : i32
        %dma_wait3A_187 = tpu.memref_slice %arg2[%dma_wait3A_185, %dma_wait3A_186] : memref<10112x64xf32, #tpu.memory_space<hbm>> -> memref<10112x64xf32, #tpu.memory_space<hbm>>
        tpu.wait_indirect_dma semaphore(%arg21 : memref<!tpu.dma_semaphore, #tpu.memory_space<semaphore_mem>>) src(%dma_wait3A_187 : memref<10112x64xf32, #tpu.memory_space<hbm>>) dst(%arg17 : memref<128x64xf32, #tpu.memory_space<vmem>>)
        %dma_start3A_188 = arith.constant 0 : i32
        %dma_start3A_189 = tpu.memref_slice %arg13[%while3A_101, %dma_start3A_188] : memref<79x128xi32, #tpu.memory_space<vmem>> -> memref<1x128xi32, #tpu.memory_space<vmem>>
        %dma_start3A_190 = tpu.memref_squeeze %dma_start3A_189 : memref<1x128xi32, #tpu.memory_space<vmem>> -> memref<128xi32, #tpu.memory_space<vmem>>
        %dma_start3A_191 = arith.constant 0 : i32
        %dma_start3A_192 = arith.constant 0 : i32
        %dma_start3A_193 = tpu.memref_slice %arg10[%dma_start3A_191, %dma_start3A_192] : memref<10112x64xf32, #tpu.memory_space<vmem_shared>> -> memref<10112x64xf32, #tpu.memory_space<vmem_shared>>
        tpu.enqueue_indirect_dma source(%arg17 : memref<128x64xf32, #tpu.memory_space<vmem>>) target(%dma_start3A_193 : memref<10112x64xf32, #tpu.memory_space<vmem_shared>>) offsets(%dma_start3A_190 : memref<128xi32, #tpu.memory_space<vmem>>) semaphore(%arg25 : memref<!tpu.dma_semaphore, #tpu.memory_space<semaphore_mem>>) {add = true}
        %dma_start3A_194 = arith.constant 0 : i32
        %dma_start3A_195 = tpu.memref_slice %arg13[%while3A_101, %dma_start3A_194] : memref<79x128xi32, #tpu.memory_space<vmem>> -> memref<1x128xi32, #tpu.memory_space<vmem>>
        %dma_start3A_196 = tpu.memref_squeeze %dma_start3A_195 : memref<1x128xi32, #tpu.memory_space<vmem>> -> memref<128xi32, #tpu.memory_space<vmem>>
        %dma_start3A_197 = arith.constant 0 : i32
        %dma_start3A_198 = arith.constant 0 : i32
        %dma_start3A_199 = tpu.memref_slice %arg11[%dma_start3A_197, %dma_start3A_198] : memref<10112x8xf32, #tpu.memory_space<vmem_shared>> -> memref<10112x8xf32, #tpu.memory_space<vmem_shared>>
        tpu.enqueue_indirect_dma source(%arg14 : memref<128x8xf32, #tpu.memory_space<vmem>>) target(%dma_start3A_199 : memref<10112x8xf32, #tpu.memory_space<vmem_shared>>) offsets(%dma_start3A_196 : memref<128xi32, #tpu.memory_space<vmem>>) semaphore(%arg15 : memref<!tpu.dma_semaphore, #tpu.memory_space<semaphore_mem>>) {add = true}
        %ge3A_200 = arith.constant 4 : i32
        %ge3A_201 = arith.cmpi sge, %while3A_101, %ge3A_200 : i32
        %convert_element_type3A_202 = arith.extui %ge3A_201 : i1 to i32
        %cond3A_203 = arith.constant 0 : i32
        %cond3A_204 = arith.cmpi ne, %convert_element_type3A_202, %cond3A_203 : i32
        scf.if %cond3A_204 {
          %dma_wait3A_212 = arith.constant 0 : i32
          %dma_wait3A_213 = arith.constant 0 : i32
          %dma_wait3A_214 = tpu.memref_slice %arg13[%dma_wait3A_212, %dma_wait3A_213] : memref<79x128xi32, #tpu.memory_space<vmem>> -> memref<1x128xi32, #tpu.memory_space<vmem>>
          %dma_wait3A_215 = tpu.memref_squeeze %dma_wait3A_214 : memref<1x128xi32, #tpu.memory_space<vmem>> -> memref<128xi32, #tpu.memory_space<vmem>>
          %dma_wait3A_216 = arith.constant 0 : i32
          %dma_wait3A_217 = arith.constant 0 : i32
          %dma_wait3A_218 = tpu.memref_slice %arg11[%dma_wait3A_216, %dma_wait3A_217] : memref<10112x8xf32, #tpu.memory_space<vmem_shared>> -> memref<10112x8xf32, #tpu.memory_space<vmem_shared>>
          tpu.wait_indirect_dma semaphore(%arg15 : memref<!tpu.dma_semaphore, #tpu.memory_space<semaphore_mem>>) src(%arg14 : memref<128x8xf32, #tpu.memory_space<vmem>>) dst(%dma_wait3A_218 : memref<10112x8xf32, #tpu.memory_space<vmem_shared>>)
        } else {
        }
        %add3A_205 = arith.constant 4 : i32
        %add3A_206 = arith.addi %while3A_101, %add3A_205 : i32
        %sub3A = arith.constant 1 : i32
        %sub3A_207 = arith.subi %add3A_206, %sub3A : i32
        %lt3A_208 = arith.cmpi slt, %sub3A_207, %select_n3A : i32
        %convert_element_type3A_209 = arith.extui %lt3A_208 : i1 to i32
        %cond3A_210 = arith.constant 0 : i32
        %cond3A_211 = arith.cmpi ne, %convert_element_type3A_209, %cond3A_210 : i32
        scf.if %cond3A_211 {
          %ge3A_212 = arith.constant 1 : i32
          %ge3A_213 = arith.cmpi sge, %while3A_101, %ge3A_212 : i32
          %convert_element_type3A_214 = arith.extui %ge3A_213 : i1 to i32
          %cond3A_215 = arith.constant 0 : i32
          %cond3A_216 = arith.cmpi ne, %convert_element_type3A_214, %cond3A_215 : i32
          scf.if %cond3A_216 {
            %dma_wait3A_223 = arith.constant 0 : i32
            %dma_wait3A_224 = arith.constant 0 : i32
            %dma_wait3A_225 = tpu.memref_slice %arg13[%dma_wait3A_223, %dma_wait3A_224] : memref<79x128xi32, #tpu.memory_space<vmem>> -> memref<1x128xi32, #tpu.memory_space<vmem>>
            %dma_wait3A_226 = tpu.memref_squeeze %dma_wait3A_225 : memref<1x128xi32, #tpu.memory_space<vmem>> -> memref<128xi32, #tpu.memory_space<vmem>>
            %dma_wait3A_227 = arith.constant 0 : i32
            %dma_wait3A_228 = arith.constant 0 : i32
            %dma_wait3A_229 = tpu.memref_slice %arg10[%dma_wait3A_227, %dma_wait3A_228] : memref<10112x64xf32, #tpu.memory_space<vmem_shared>> -> memref<10112x64xf32, #tpu.memory_space<vmem_shared>>
            tpu.wait_indirect_dma semaphore(%arg24 : memref<!tpu.dma_semaphore, #tpu.memory_space<semaphore_mem>>) src(%arg16 : memref<128x64xf32, #tpu.memory_space<vmem>>) dst(%dma_wait3A_229 : memref<10112x64xf32, #tpu.memory_space<vmem_shared>>)
          } else {
          }
          %dma_start3A_217 = arith.constant 0 : i32
          %dma_start3A_218 = tpu.memref_slice %arg12[%sub3A_207, %dma_start3A_217] : memref<79x128xi32, #tpu.memory_space<vmem>> -> memref<1x128xi32, #tpu.memory_space<vmem>>
          %dma_start3A_219 = tpu.memref_squeeze %dma_start3A_218 : memref<1x128xi32, #tpu.memory_space<vmem>> -> memref<128xi32, #tpu.memory_space<vmem>>
          %dma_start3A_220 = arith.constant 0 : i32
          %dma_start3A_221 = arith.constant 0 : i32
          %dma_start3A_222 = tpu.memref_slice %arg2[%dma_start3A_220, %dma_start3A_221] : memref<10112x64xf32, #tpu.memory_space<hbm>> -> memref<10112x64xf32, #tpu.memory_space<hbm>>
          tpu.enqueue_indirect_dma source(%dma_start3A_222 : memref<10112x64xf32, #tpu.memory_space<hbm>>) target(%arg16 : memref<128x64xf32, #tpu.memory_space<vmem>>) offsets(%dma_start3A_219 : memref<128xi32, #tpu.memory_space<vmem>>) semaphore(%arg20 : memref<!tpu.dma_semaphore, #tpu.memory_space<semaphore_mem>>)
        } else {
        }
      } else {
      }
      %jit3A_140 = arith.constant 4 : i32
      %eq3A_141 = arith.constant 0 : i32
      %eq3A_142 = arith.cmpi eq, %jit3A_140, %eq3A_141 : i32
      %jit3A_143 = arith.constant 1 : i32
      %select_n3A_144 = arith.select %eq3A_142, %jit3A_143, %jit3A_140 : i32
      %rem3A_145 = arith.remsi %while3A_101, %select_n3A_144 : i32
      %ne3A_146 = arith.constant 0 : i32
      %ne3A_147 = arith.cmpi ne, %rem3A_145, %ne3A_146 : i32
      %lt3A_148 = arith.constant 0 : i32
      %lt3A_149 = arith.cmpi slt, %rem3A_145, %lt3A_148 : i32
      %lt3A_150 = arith.constant 0 : i32
      %lt3A_151 = arith.cmpi slt, %select_n3A_144, %lt3A_150 : i32
      %ne3A_152 = arith.xori %lt3A_149, %lt3A_151 : i1
      %and3A_153 = arith.andi %ne3A_152, %ne3A_147 : i1
      %add3A_154 = arith.addi %rem3A_145, %select_n3A_144 : i32
      %select_n3A_155 = arith.select %and3A_153, %add3A_154, %rem3A_145 : i32
      %eq3A_156 = arith.constant 2 : i32
      %eq3A_157 = arith.cmpi eq, %select_n3A_155, %eq3A_156 : i32
      %convert_element_type3A_158 = arith.extui %eq3A_157 : i1 to i32
      %cond3A_159 = arith.constant 0 : i32
      %cond3A_160 = arith.cmpi ne, %convert_element_type3A_158, %cond3A_159 : i32
      scf.if %cond3A_160 {
        %dma_wait3A_182 = arith.constant 0 : i32
        %dma_wait3A_183 = tpu.memref_slice %arg12[%while3A_101, %dma_wait3A_182] : memref<79x128xi32, #tpu.memory_space<vmem>> -> memref<1x128xi32, #tpu.memory_space<vmem>>
        %dma_wait3A_184 = tpu.memref_squeeze %dma_wait3A_183 : memref<1x128xi32, #tpu.memory_space<vmem>> -> memref<128xi32, #tpu.memory_space<vmem>>
        %dma_wait3A_185 = arith.constant 0 : i32
        %dma_wait3A_186 = arith.constant 0 : i32
        %dma_wait3A_187 = tpu.memref_slice %arg2[%dma_wait3A_185, %dma_wait3A_186] : memref<10112x64xf32, #tpu.memory_space<hbm>> -> memref<10112x64xf32, #tpu.memory_space<hbm>>
        tpu.wait_indirect_dma semaphore(%arg22 : memref<!tpu.dma_semaphore, #tpu.memory_space<semaphore_mem>>) src(%dma_wait3A_187 : memref<10112x64xf32, #tpu.memory_space<hbm>>) dst(%arg18 : memref<128x64xf32, #tpu.memory_space<vmem>>)
        %dma_start3A_188 = arith.constant 0 : i32
        %dma_start3A_189 = tpu.memref_slice %arg13[%while3A_101, %dma_start3A_188] : memref<79x128xi32, #tpu.memory_space<vmem>> -> memref<1x128xi32, #tpu.memory_space<vmem>>
        %dma_start3A_190 = tpu.memref_squeeze %dma_start3A_189 : memref<1x128xi32, #tpu.memory_space<vmem>> -> memref<128xi32, #tpu.memory_space<vmem>>
        %dma_start3A_191 = arith.constant 0 : i32
        %dma_start3A_192 = arith.constant 0 : i32
        %dma_start3A_193 = tpu.memref_slice %arg10[%dma_start3A_191, %dma_start3A_192] : memref<10112x64xf32, #tpu.memory_space<vmem_shared>> -> memref<10112x64xf32, #tpu.memory_space<vmem_shared>>
        tpu.enqueue_indirect_dma source(%arg18 : memref<128x64xf32, #tpu.memory_space<vmem>>) target(%dma_start3A_193 : memref<10112x64xf32, #tpu.memory_space<vmem_shared>>) offsets(%dma_start3A_190 : memref<128xi32, #tpu.memory_space<vmem>>) semaphore(%arg26 : memref<!tpu.dma_semaphore, #tpu.memory_space<semaphore_mem>>) {add = true}
        %dma_start3A_194 = arith.constant 0 : i32
        %dma_start3A_195 = tpu.memref_slice %arg13[%while3A_101, %dma_start3A_194] : memref<79x128xi32, #tpu.memory_space<vmem>> -> memref<1x128xi32, #tpu.memory_space<vmem>>
        %dma_start3A_196 = tpu.memref_squeeze %dma_start3A_195 : memref<1x128xi32, #tpu.memory_space<vmem>> -> memref<128xi32, #tpu.memory_space<vmem>>
        %dma_start3A_197 = arith.constant 0 : i32
        %dma_start3A_198 = arith.constant 0 : i32
        %dma_start3A_199 = tpu.memref_slice %arg11[%dma_start3A_197, %dma_start3A_198] : memref<10112x8xf32, #tpu.memory_space<vmem_shared>> -> memref<10112x8xf32, #tpu.memory_space<vmem_shared>>
        tpu.enqueue_indirect_dma source(%arg14 : memref<128x8xf32, #tpu.memory_space<vmem>>) target(%dma_start3A_199 : memref<10112x8xf32, #tpu.memory_space<vmem_shared>>) offsets(%dma_start3A_196 : memref<128xi32, #tpu.memory_space<vmem>>) semaphore(%arg15 : memref<!tpu.dma_semaphore, #tpu.memory_space<semaphore_mem>>) {add = true}
        %ge3A_200 = arith.constant 4 : i32
        %ge3A_201 = arith.cmpi sge, %while3A_101, %ge3A_200 : i32
        %convert_element_type3A_202 = arith.extui %ge3A_201 : i1 to i32
        %cond3A_203 = arith.constant 0 : i32
        %cond3A_204 = arith.cmpi ne, %convert_element_type3A_202, %cond3A_203 : i32
        scf.if %cond3A_204 {
          %dma_wait3A_212 = arith.constant 0 : i32
          %dma_wait3A_213 = arith.constant 0 : i32
          %dma_wait3A_214 = tpu.memref_slice %arg13[%dma_wait3A_212, %dma_wait3A_213] : memref<79x128xi32, #tpu.memory_space<vmem>> -> memref<1x128xi32, #tpu.memory_space<vmem>>
          %dma_wait3A_215 = tpu.memref_squeeze %dma_wait3A_214 : memref<1x128xi32, #tpu.memory_space<vmem>> -> memref<128xi32, #tpu.memory_space<vmem>>
          %dma_wait3A_216 = arith.constant 0 : i32
          %dma_wait3A_217 = arith.constant 0 : i32
          %dma_wait3A_218 = tpu.memref_slice %arg11[%dma_wait3A_216, %dma_wait3A_217] : memref<10112x8xf32, #tpu.memory_space<vmem_shared>> -> memref<10112x8xf32, #tpu.memory_space<vmem_shared>>
          tpu.wait_indirect_dma semaphore(%arg15 : memref<!tpu.dma_semaphore, #tpu.memory_space<semaphore_mem>>) src(%arg14 : memref<128x8xf32, #tpu.memory_space<vmem>>) dst(%dma_wait3A_218 : memref<10112x8xf32, #tpu.memory_space<vmem_shared>>)
        } else {
        }
        %add3A_205 = arith.constant 4 : i32
        %add3A_206 = arith.addi %while3A_101, %add3A_205 : i32
        %sub3A = arith.constant 1 : i32
        %sub3A_207 = arith.subi %add3A_206, %sub3A : i32
        %lt3A_208 = arith.cmpi slt, %sub3A_207, %select_n3A : i32
        %convert_element_type3A_209 = arith.extui %lt3A_208 : i1 to i32
        %cond3A_210 = arith.constant 0 : i32
        %cond3A_211 = arith.cmpi ne, %convert_element_type3A_209, %cond3A_210 : i32
        scf.if %cond3A_211 {
          %ge3A_212 = arith.constant 1 : i32
          %ge3A_213 = arith.cmpi sge, %while3A_101, %ge3A_212 : i32
          %convert_element_type3A_214 = arith.extui %ge3A_213 : i1 to i32
          %cond3A_215 = arith.constant 0 : i32
          %cond3A_216 = arith.cmpi ne, %convert_element_type3A_214, %cond3A_215 : i32
          scf.if %cond3A_216 {
            %dma_wait3A_223 = arith.constant 0 : i32
            %dma_wait3A_224 = arith.constant 0 : i32
            %dma_wait3A_225 = tpu.memref_slice %arg13[%dma_wait3A_223, %dma_wait3A_224] : memref<79x128xi32, #tpu.memory_space<vmem>> -> memref<1x128xi32, #tpu.memory_space<vmem>>
            %dma_wait3A_226 = tpu.memref_squeeze %dma_wait3A_225 : memref<1x128xi32, #tpu.memory_space<vmem>> -> memref<128xi32, #tpu.memory_space<vmem>>
            %dma_wait3A_227 = arith.constant 0 : i32
            %dma_wait3A_228 = arith.constant 0 : i32
            %dma_wait3A_229 = tpu.memref_slice %arg10[%dma_wait3A_227, %dma_wait3A_228] : memref<10112x64xf32, #tpu.memory_space<vmem_shared>> -> memref<10112x64xf32, #tpu.memory_space<vmem_shared>>
            tpu.wait_indirect_dma semaphore(%arg25 : memref<!tpu.dma_semaphore, #tpu.memory_space<semaphore_mem>>) src(%arg17 : memref<128x64xf32, #tpu.memory_space<vmem>>) dst(%dma_wait3A_229 : memref<10112x64xf32, #tpu.memory_space<vmem_shared>>)
          } else {
          }
          %dma_start3A_217 = arith.constant 0 : i32
          %dma_start3A_218 = tpu.memref_slice %arg12[%sub3A_207, %dma_start3A_217] : memref<79x128xi32, #tpu.memory_space<vmem>> -> memref<1x128xi32, #tpu.memory_space<vmem>>
          %dma_start3A_219 = tpu.memref_squeeze %dma_start3A_218 : memref<1x128xi32, #tpu.memory_space<vmem>> -> memref<128xi32, #tpu.memory_space<vmem>>
          %dma_start3A_220 = arith.constant 0 : i32
          %dma_start3A_221 = arith.constant 0 : i32
          %dma_start3A_222 = tpu.memref_slice %arg2[%dma_start3A_220, %dma_start3A_221] : memref<10112x64xf32, #tpu.memory_space<hbm>> -> memref<10112x64xf32, #tpu.memory_space<hbm>>
          tpu.enqueue_indirect_dma source(%dma_start3A_222 : memref<10112x64xf32, #tpu.memory_space<hbm>>) target(%arg17 : memref<128x64xf32, #tpu.memory_space<vmem>>) offsets(%dma_start3A_219 : memref<128xi32, #tpu.memory_space<vmem>>) semaphore(%arg21 : memref<!tpu.dma_semaphore, #tpu.memory_space<semaphore_mem>>)
        } else {
        }
      } else {
      }
      %jit3A_161 = arith.constant 4 : i32
      %eq3A_162 = arith.constant 0 : i32
      %eq3A_163 = arith.cmpi eq, %jit3A_161, %eq3A_162 : i32
      %jit3A_164 = arith.constant 1 : i32
      %select_n3A_165 = arith.select %eq3A_163, %jit3A_164, %jit3A_161 : i32
      %rem3A_166 = arith.remsi %while3A_101, %select_n3A_165 : i32
      %ne3A_167 = arith.constant 0 : i32
      %ne3A_168 = arith.cmpi ne, %rem3A_166, %ne3A_167 : i32
      %lt3A_169 = arith.constant 0 : i32
      %lt3A_170 = arith.cmpi slt, %rem3A_166, %lt3A_169 : i32
      %lt3A_171 = arith.constant 0 : i32
      %lt3A_172 = arith.cmpi slt, %select_n3A_165, %lt3A_171 : i32
      %ne3A_173 = arith.xori %lt3A_170, %lt3A_172 : i1
      %and3A_174 = arith.andi %ne3A_173, %ne3A_168 : i1
      %add3A_175 = arith.addi %rem3A_166, %select_n3A_165 : i32
      %select_n3A_176 = arith.select %and3A_174, %add3A_175, %rem3A_166 : i32
      %eq3A_177 = arith.constant 3 : i32
      %eq3A_178 = arith.cmpi eq, %select_n3A_176, %eq3A_177 : i32
      %convert_element_type3A_179 = arith.extui %eq3A_178 : i1 to i32
      %cond3A_180 = arith.constant 0 : i32
      %cond3A_181 = arith.cmpi ne, %convert_element_type3A_179, %cond3A_180 : i32
      scf.if %cond3A_181 {
        %dma_wait3A_182 = arith.constant 0 : i32
        %dma_wait3A_183 = tpu.memref_slice %arg12[%while3A_101, %dma_wait3A_182] : memref<79x128xi32, #tpu.memory_space<vmem>> -> memref<1x128xi32, #tpu.memory_space<vmem>>
        %dma_wait3A_184 = tpu.memref_squeeze %dma_wait3A_183 : memref<1x128xi32, #tpu.memory_space<vmem>> -> memref<128xi32, #tpu.memory_space<vmem>>
        %dma_wait3A_185 = arith.constant 0 : i32
        %dma_wait3A_186 = arith.constant 0 : i32
        %dma_wait3A_187 = tpu.memref_slice %arg2[%dma_wait3A_185, %dma_wait3A_186] : memref<10112x64xf32, #tpu.memory_space<hbm>> -> memref<10112x64xf32, #tpu.memory_space<hbm>>
        tpu.wait_indirect_dma semaphore(%arg23 : memref<!tpu.dma_semaphore, #tpu.memory_space<semaphore_mem>>) src(%dma_wait3A_187 : memref<10112x64xf32, #tpu.memory_space<hbm>>) dst(%arg19 : memref<128x64xf32, #tpu.memory_space<vmem>>)
        %dma_start3A_188 = arith.constant 0 : i32
        %dma_start3A_189 = tpu.memref_slice %arg13[%while3A_101, %dma_start3A_188] : memref<79x128xi32, #tpu.memory_space<vmem>> -> memref<1x128xi32, #tpu.memory_space<vmem>>
        %dma_start3A_190 = tpu.memref_squeeze %dma_start3A_189 : memref<1x128xi32, #tpu.memory_space<vmem>> -> memref<128xi32, #tpu.memory_space<vmem>>
        %dma_start3A_191 = arith.constant 0 : i32
        %dma_start3A_192 = arith.constant 0 : i32
        %dma_start3A_193 = tpu.memref_slice %arg10[%dma_start3A_191, %dma_start3A_192] : memref<10112x64xf32, #tpu.memory_space<vmem_shared>> -> memref<10112x64xf32, #tpu.memory_space<vmem_shared>>
        tpu.enqueue_indirect_dma source(%arg19 : memref<128x64xf32, #tpu.memory_space<vmem>>) target(%dma_start3A_193 : memref<10112x64xf32, #tpu.memory_space<vmem_shared>>) offsets(%dma_start3A_190 : memref<128xi32, #tpu.memory_space<vmem>>) semaphore(%arg27 : memref<!tpu.dma_semaphore, #tpu.memory_space<semaphore_mem>>) {add = true}
        %dma_start3A_194 = arith.constant 0 : i32
        %dma_start3A_195 = tpu.memref_slice %arg13[%while3A_101, %dma_start3A_194] : memref<79x128xi32, #tpu.memory_space<vmem>> -> memref<1x128xi32, #tpu.memory_space<vmem>>
        %dma_start3A_196 = tpu.memref_squeeze %dma_start3A_195 : memref<1x128xi32, #tpu.memory_space<vmem>> -> memref<128xi32, #tpu.memory_space<vmem>>
        %dma_start3A_197 = arith.constant 0 : i32
        %dma_start3A_198 = arith.constant 0 : i32
        %dma_start3A_199 = tpu.memref_slice %arg11[%dma_start3A_197, %dma_start3A_198] : memref<10112x8xf32, #tpu.memory_space<vmem_shared>> -> memref<10112x8xf32, #tpu.memory_space<vmem_shared>>
        tpu.enqueue_indirect_dma source(%arg14 : memref<128x8xf32, #tpu.memory_space<vmem>>) target(%dma_start3A_199 : memref<10112x8xf32, #tpu.memory_space<vmem_shared>>) offsets(%dma_start3A_196 : memref<128xi32, #tpu.memory_space<vmem>>) semaphore(%arg15 : memref<!tpu.dma_semaphore, #tpu.memory_space<semaphore_mem>>) {add = true}
        %ge3A_200 = arith.constant 4 : i32
        %ge3A_201 = arith.cmpi sge, %while3A_101, %ge3A_200 : i32
        %convert_element_type3A_202 = arith.extui %ge3A_201 : i1 to i32
        %cond3A_203 = arith.constant 0 : i32
        %cond3A_204 = arith.cmpi ne, %convert_element_type3A_202, %cond3A_203 : i32
        scf.if %cond3A_204 {
          %dma_wait3A_212 = arith.constant 0 : i32
          %dma_wait3A_213 = arith.constant 0 : i32
          %dma_wait3A_214 = tpu.memref_slice %arg13[%dma_wait3A_212, %dma_wait3A_213] : memref<79x128xi32, #tpu.memory_space<vmem>> -> memref<1x128xi32, #tpu.memory_space<vmem>>
          %dma_wait3A_215 = tpu.memref_squeeze %dma_wait3A_214 : memref<1x128xi32, #tpu.memory_space<vmem>> -> memref<128xi32, #tpu.memory_space<vmem>>
          %dma_wait3A_216 = arith.constant 0 : i32
          %dma_wait3A_217 = arith.constant 0 : i32
          %dma_wait3A_218 = tpu.memref_slice %arg11[%dma_wait3A_216, %dma_wait3A_217] : memref<10112x8xf32, #tpu.memory_space<vmem_shared>> -> memref<10112x8xf32, #tpu.memory_space<vmem_shared>>
          tpu.wait_indirect_dma semaphore(%arg15 : memref<!tpu.dma_semaphore, #tpu.memory_space<semaphore_mem>>) src(%arg14 : memref<128x8xf32, #tpu.memory_space<vmem>>) dst(%dma_wait3A_218 : memref<10112x8xf32, #tpu.memory_space<vmem_shared>>)
        } else {
        }
        %add3A_205 = arith.constant 4 : i32
        %add3A_206 = arith.addi %while3A_101, %add3A_205 : i32
        %sub3A = arith.constant 1 : i32
        %sub3A_207 = arith.subi %add3A_206, %sub3A : i32
        %lt3A_208 = arith.cmpi slt, %sub3A_207, %select_n3A : i32
        %convert_element_type3A_209 = arith.extui %lt3A_208 : i1 to i32
        %cond3A_210 = arith.constant 0 : i32
        %cond3A_211 = arith.cmpi ne, %convert_element_type3A_209, %cond3A_210 : i32
        scf.if %cond3A_211 {
          %ge3A_212 = arith.constant 1 : i32
          %ge3A_213 = arith.cmpi sge, %while3A_101, %ge3A_212 : i32
          %convert_element_type3A_214 = arith.extui %ge3A_213 : i1 to i32
          %cond3A_215 = arith.constant 0 : i32
          %cond3A_216 = arith.cmpi ne, %convert_element_type3A_214, %cond3A_215 : i32
          scf.if %cond3A_216 {
            %dma_wait3A_223 = arith.constant 0 : i32
            %dma_wait3A_224 = arith.constant 0 : i32
            %dma_wait3A_225 = tpu.memref_slice %arg13[%dma_wait3A_223, %dma_wait3A_224] : memref<79x128xi32, #tpu.memory_space<vmem>> -> memref<1x128xi32, #tpu.memory_space<vmem>>
            %dma_wait3A_226 = tpu.memref_squeeze %dma_wait3A_225 : memref<1x128xi32, #tpu.memory_space<vmem>> -> memref<128xi32, #tpu.memory_space<vmem>>
            %dma_wait3A_227 = arith.constant 0 : i32
            %dma_wait3A_228 = arith.constant 0 : i32
            %dma_wait3A_229 = tpu.memref_slice %arg10[%dma_wait3A_227, %dma_wait3A_228] : memref<10112x64xf32, #tpu.memory_space<vmem_shared>> -> memref<10112x64xf32, #tpu.memory_space<vmem_shared>>
            tpu.wait_indirect_dma semaphore(%arg26 : memref<!tpu.dma_semaphore, #tpu.memory_space<semaphore_mem>>) src(%arg18 : memref<128x64xf32, #tpu.memory_space<vmem>>) dst(%dma_wait3A_229 : memref<10112x64xf32, #tpu.memory_space<vmem_shared>>)
          } else {
          }
          %dma_start3A_217 = arith.constant 0 : i32
          %dma_start3A_218 = tpu.memref_slice %arg12[%sub3A_207, %dma_start3A_217] : memref<79x128xi32, #tpu.memory_space<vmem>> -> memref<1x128xi32, #tpu.memory_space<vmem>>
          %dma_start3A_219 = tpu.memref_squeeze %dma_start3A_218 : memref<1x128xi32, #tpu.memory_space<vmem>> -> memref<128xi32, #tpu.memory_space<vmem>>
          %dma_start3A_220 = arith.constant 0 : i32
          %dma_start3A_221 = arith.constant 0 : i32
          %dma_start3A_222 = tpu.memref_slice %arg2[%dma_start3A_220, %dma_start3A_221] : memref<10112x64xf32, #tpu.memory_space<hbm>> -> memref<10112x64xf32, #tpu.memory_space<hbm>>
          tpu.enqueue_indirect_dma source(%dma_start3A_222 : memref<10112x64xf32, #tpu.memory_space<hbm>>) target(%arg18 : memref<128x64xf32, #tpu.memory_space<vmem>>) offsets(%dma_start3A_219 : memref<128xi32, #tpu.memory_space<vmem>>) semaphore(%arg22 : memref<!tpu.dma_semaphore, #tpu.memory_space<semaphore_mem>>)
        } else {
        }
      } else {
      }
    }
    %while3A_44 = arith.constant 1 : i32
    scf.for %while3A_101 = %while3A_42 to %while3A_38 step %while3A_44  : i32 {
      %jit3A_102 = arith.constant 4 : i32
      %eq3A = arith.constant 0 : i32
      %eq3A_103 = arith.cmpi eq, %jit3A_102, %eq3A : i32
      %jit3A_104 = arith.constant 1 : i32
      %select_n3A_105 = arith.select %eq3A_103, %jit3A_104, %jit3A_102 : i32
      %rem3A = arith.remsi %while3A_101, %select_n3A_105 : i32
      %ne3A = arith.constant 0 : i32
      %ne3A_106 = arith.cmpi ne, %rem3A, %ne3A : i32
      %lt3A_107 = arith.constant 0 : i32
      %lt3A_108 = arith.cmpi slt, %rem3A, %lt3A_107 : i32
      %lt3A_109 = arith.constant 0 : i32
      %lt3A_110 = arith.cmpi slt, %select_n3A_105, %lt3A_109 : i32
      %ne3A_111 = arith.xori %lt3A_108, %lt3A_110 : i1
      %and3A = arith.andi %ne3A_111, %ne3A_106 : i1
      %add3A_112 = arith.addi %rem3A, %select_n3A_105 : i32
      %select_n3A_113 = arith.select %and3A, %add3A_112, %rem3A : i32
      %eq3A_114 = arith.constant 0 : i32
      %eq3A_115 = arith.cmpi eq, %select_n3A_113, %eq3A_114 : i32
      %convert_element_type3A_116 = arith.extui %eq3A_115 : i1 to i32
      %cond3A_117 = arith.constant 0 : i32
      %cond3A_118 = arith.cmpi ne, %convert_element_type3A_116, %cond3A_117 : i32
      scf.if %cond3A_118 {
        %dma_wait3A_182 = arith.constant 0 : i32
        %dma_wait3A_183 = tpu.memref_slice %arg12[%while3A_101, %dma_wait3A_182] : memref<79x128xi32, #tpu.memory_space<vmem>> -> memref<1x128xi32, #tpu.memory_space<vmem>>
        %dma_wait3A_184 = tpu.memref_squeeze %dma_wait3A_183 : memref<1x128xi32, #tpu.memory_space<vmem>> -> memref<128xi32, #tpu.memory_space<vmem>>
        %dma_wait3A_185 = arith.constant 0 : i32
        %dma_wait3A_186 = arith.constant 0 : i32
        %dma_wait3A_187 = tpu.memref_slice %arg2[%dma_wait3A_185, %dma_wait3A_186] : memref<10112x64xf32, #tpu.memory_space<hbm>> -> memref<10112x64xf32, #tpu.memory_space<hbm>>
        tpu.wait_indirect_dma semaphore(%arg20 : memref<!tpu.dma_semaphore, #tpu.memory_space<semaphore_mem>>) src(%dma_wait3A_187 : memref<10112x64xf32, #tpu.memory_space<hbm>>) dst(%arg16 : memref<128x64xf32, #tpu.memory_space<vmem>>)
        %dma_start3A_188 = arith.constant 0 : i32
        %dma_start3A_189 = tpu.memref_slice %arg13[%while3A_101, %dma_start3A_188] : memref<79x128xi32, #tpu.memory_space<vmem>> -> memref<1x128xi32, #tpu.memory_space<vmem>>
        %dma_start3A_190 = tpu.memref_squeeze %dma_start3A_189 : memref<1x128xi32, #tpu.memory_space<vmem>> -> memref<128xi32, #tpu.memory_space<vmem>>
        %dma_start3A_191 = arith.constant 0 : i32
        %dma_start3A_192 = arith.constant 0 : i32
        %dma_start3A_193 = tpu.memref_slice %arg10[%dma_start3A_191, %dma_start3A_192] : memref<10112x64xf32, #tpu.memory_space<vmem_shared>> -> memref<10112x64xf32, #tpu.memory_space<vmem_shared>>
        tpu.enqueue_indirect_dma source(%arg16 : memref<128x64xf32, #tpu.memory_space<vmem>>) target(%dma_start3A_193 : memref<10112x64xf32, #tpu.memory_space<vmem_shared>>) offsets(%dma_start3A_190 : memref<128xi32, #tpu.memory_space<vmem>>) semaphore(%arg24 : memref<!tpu.dma_semaphore, #tpu.memory_space<semaphore_mem>>) {add = true}
        %dma_start3A_194 = arith.constant 0 : i32
        %dma_start3A_195 = tpu.memref_slice %arg13[%while3A_101, %dma_start3A_194] : memref<79x128xi32, #tpu.memory_space<vmem>> -> memref<1x128xi32, #tpu.memory_space<vmem>>
        %dma_start3A_196 = tpu.memref_squeeze %dma_start3A_195 : memref<1x128xi32, #tpu.memory_space<vmem>> -> memref<128xi32, #tpu.memory_space<vmem>>
        %dma_start3A_197 = arith.constant 0 : i32
        %dma_start3A_198 = arith.constant 0 : i32
        %dma_start3A_199 = tpu.memref_slice %arg11[%dma_start3A_197, %dma_start3A_198] : memref<10112x8xf32, #tpu.memory_space<vmem_shared>> -> memref<10112x8xf32, #tpu.memory_space<vmem_shared>>
        tpu.enqueue_indirect_dma source(%arg14 : memref<128x8xf32, #tpu.memory_space<vmem>>) target(%dma_start3A_199 : memref<10112x8xf32, #tpu.memory_space<vmem_shared>>) offsets(%dma_start3A_196 : memref<128xi32, #tpu.memory_space<vmem>>) semaphore(%arg15 : memref<!tpu.dma_semaphore, #tpu.memory_space<semaphore_mem>>) {add = true}
        %ge3A_200 = arith.constant 4 : i32
        %ge3A_201 = arith.cmpi sge, %while3A_101, %ge3A_200 : i32
        %convert_element_type3A_202 = arith.extui %ge3A_201 : i1 to i32
        %cond3A_203 = arith.constant 0 : i32
        %cond3A_204 = arith.cmpi ne, %convert_element_type3A_202, %cond3A_203 : i32
        scf.if %cond3A_204 {
          %dma_wait3A_212 = arith.constant 0 : i32
          %dma_wait3A_213 = arith.constant 0 : i32
          %dma_wait3A_214 = tpu.memref_slice %arg13[%dma_wait3A_212, %dma_wait3A_213] : memref<79x128xi32, #tpu.memory_space<vmem>> -> memref<1x128xi32, #tpu.memory_space<vmem>>
          %dma_wait3A_215 = tpu.memref_squeeze %dma_wait3A_214 : memref<1x128xi32, #tpu.memory_space<vmem>> -> memref<128xi32, #tpu.memory_space<vmem>>
          %dma_wait3A_216 = arith.constant 0 : i32
          %dma_wait3A_217 = arith.constant 0 : i32
          %dma_wait3A_218 = tpu.memref_slice %arg11[%dma_wait3A_216, %dma_wait3A_217] : memref<10112x8xf32, #tpu.memory_space<vmem_shared>> -> memref<10112x8xf32, #tpu.memory_space<vmem_shared>>
          tpu.wait_indirect_dma semaphore(%arg15 : memref<!tpu.dma_semaphore, #tpu.memory_space<semaphore_mem>>) src(%arg14 : memref<128x8xf32, #tpu.memory_space<vmem>>) dst(%dma_wait3A_218 : memref<10112x8xf32, #tpu.memory_space<vmem_shared>>)
        } else {
        }
        %add3A_205 = arith.constant 4 : i32
        %add3A_206 = arith.addi %while3A_101, %add3A_205 : i32
        %sub3A = arith.constant 1 : i32
        %sub3A_207 = arith.subi %add3A_206, %sub3A : i32
        %lt3A_208 = arith.cmpi slt, %sub3A_207, %select_n3A : i32
        %convert_element_type3A_209 = arith.extui %lt3A_208 : i1 to i32
        %cond3A_210 = arith.constant 0 : i32
        %cond3A_211 = arith.cmpi ne, %convert_element_type3A_209, %cond3A_210 : i32
        scf.if %cond3A_211 {
          %ge3A_212 = arith.constant 1 : i32
          %ge3A_213 = arith.cmpi sge, %while3A_101, %ge3A_212 : i32
          %convert_element_type3A_214 = arith.extui %ge3A_213 : i1 to i32
          %cond3A_215 = arith.constant 0 : i32
          %cond3A_216 = arith.cmpi ne, %convert_element_type3A_214, %cond3A_215 : i32
          scf.if %cond3A_216 {
            %dma_wait3A_223 = arith.constant 0 : i32
            %dma_wait3A_224 = arith.constant 0 : i32
            %dma_wait3A_225 = tpu.memref_slice %arg13[%dma_wait3A_223, %dma_wait3A_224] : memref<79x128xi32, #tpu.memory_space<vmem>> -> memref<1x128xi32, #tpu.memory_space<vmem>>
            %dma_wait3A_226 = tpu.memref_squeeze %dma_wait3A_225 : memref<1x128xi32, #tpu.memory_space<vmem>> -> memref<128xi32, #tpu.memory_space<vmem>>
            %dma_wait3A_227 = arith.constant 0 : i32
            %dma_wait3A_228 = arith.constant 0 : i32
            %dma_wait3A_229 = tpu.memref_slice %arg10[%dma_wait3A_227, %dma_wait3A_228] : memref<10112x64xf32, #tpu.memory_space<vmem_shared>> -> memref<10112x64xf32, #tpu.memory_space<vmem_shared>>
            tpu.wait_indirect_dma semaphore(%arg27 : memref<!tpu.dma_semaphore, #tpu.memory_space<semaphore_mem>>) src(%arg19 : memref<128x64xf32, #tpu.memory_space<vmem>>) dst(%dma_wait3A_229 : memref<10112x64xf32, #tpu.memory_space<vmem_shared>>)
          } else {
          }
          %dma_start3A_217 = arith.constant 0 : i32
          %dma_start3A_218 = tpu.memref_slice %arg12[%sub3A_207, %dma_start3A_217] : memref<79x128xi32, #tpu.memory_space<vmem>> -> memref<1x128xi32, #tpu.memory_space<vmem>>
          %dma_start3A_219 = tpu.memref_squeeze %dma_start3A_218 : memref<1x128xi32, #tpu.memory_space<vmem>> -> memref<128xi32, #tpu.memory_space<vmem>>
          %dma_start3A_220 = arith.constant 0 : i32
          %dma_start3A_221 = arith.constant 0 : i32
          %dma_start3A_222 = tpu.memref_slice %arg2[%dma_start3A_220, %dma_start3A_221] : memref<10112x64xf32, #tpu.memory_space<hbm>> -> memref<10112x64xf32, #tpu.memory_space<hbm>>
          tpu.enqueue_indirect_dma source(%dma_start3A_222 : memref<10112x64xf32, #tpu.memory_space<hbm>>) target(%arg19 : memref<128x64xf32, #tpu.memory_space<vmem>>) offsets(%dma_start3A_219 : memref<128xi32, #tpu.memory_space<vmem>>) semaphore(%arg23 : memref<!tpu.dma_semaphore, #tpu.memory_space<semaphore_mem>>)
        } else {
        }
      } else {
      }
      %jit3A_119 = arith.constant 4 : i32
      %eq3A_120 = arith.constant 0 : i32
      %eq3A_121 = arith.cmpi eq, %jit3A_119, %eq3A_120 : i32
      %jit3A_122 = arith.constant 1 : i32
      %select_n3A_123 = arith.select %eq3A_121, %jit3A_122, %jit3A_119 : i32
      %rem3A_124 = arith.remsi %while3A_101, %select_n3A_123 : i32
      %ne3A_125 = arith.constant 0 : i32
      %ne3A_126 = arith.cmpi ne, %rem3A_124, %ne3A_125 : i32
      %lt3A_127 = arith.constant 0 : i32
      %lt3A_128 = arith.cmpi slt, %rem3A_124, %lt3A_127 : i32
      %lt3A_129 = arith.constant 0 : i32
      %lt3A_130 = arith.cmpi slt, %select_n3A_123, %lt3A_129 : i32
      %ne3A_131 = arith.xori %lt3A_128, %lt3A_130 : i1
      %and3A_132 = arith.andi %ne3A_131, %ne3A_126 : i1
      %add3A_133 = arith.addi %rem3A_124, %select_n3A_123 : i32
      %select_n3A_134 = arith.select %and3A_132, %add3A_133, %rem3A_124 : i32
      %eq3A_135 = arith.constant 1 : i32
      %eq3A_136 = arith.cmpi eq, %select_n3A_134, %eq3A_135 : i32
      %convert_element_type3A_137 = arith.extui %eq3A_136 : i1 to i32
      %cond3A_138 = arith.constant 0 : i32
      %cond3A_139 = arith.cmpi ne, %convert_element_type3A_137, %cond3A_138 : i32
      scf.if %cond3A_139 {
        %dma_wait3A_182 = arith.constant 0 : i32
        %dma_wait3A_183 = tpu.memref_slice %arg12[%while3A_101, %dma_wait3A_182] : memref<79x128xi32, #tpu.memory_space<vmem>> -> memref<1x128xi32, #tpu.memory_space<vmem>>
        %dma_wait3A_184 = tpu.memref_squeeze %dma_wait3A_183 : memref<1x128xi32, #tpu.memory_space<vmem>> -> memref<128xi32, #tpu.memory_space<vmem>>
        %dma_wait3A_185 = arith.constant 0 : i32
        %dma_wait3A_186 = arith.constant 0 : i32
        %dma_wait3A_187 = tpu.memref_slice %arg2[%dma_wait3A_185, %dma_wait3A_186] : memref<10112x64xf32, #tpu.memory_space<hbm>> -> memref<10112x64xf32, #tpu.memory_space<hbm>>
        tpu.wait_indirect_dma semaphore(%arg21 : memref<!tpu.dma_semaphore, #tpu.memory_space<semaphore_mem>>) src(%dma_wait3A_187 : memref<10112x64xf32, #tpu.memory_space<hbm>>) dst(%arg17 : memref<128x64xf32, #tpu.memory_space<vmem>>)
        %dma_start3A_188 = arith.constant 0 : i32
        %dma_start3A_189 = tpu.memref_slice %arg13[%while3A_101, %dma_start3A_188] : memref<79x128xi32, #tpu.memory_space<vmem>> -> memref<1x128xi32, #tpu.memory_space<vmem>>
        %dma_start3A_190 = tpu.memref_squeeze %dma_start3A_189 : memref<1x128xi32, #tpu.memory_space<vmem>> -> memref<128xi32, #tpu.memory_space<vmem>>
        %dma_start3A_191 = arith.constant 0 : i32
        %dma_start3A_192 = arith.constant 0 : i32
        %dma_start3A_193 = tpu.memref_slice %arg10[%dma_start3A_191, %dma_start3A_192] : memref<10112x64xf32, #tpu.memory_space<vmem_shared>> -> memref<10112x64xf32, #tpu.memory_space<vmem_shared>>
        tpu.enqueue_indirect_dma source(%arg17 : memref<128x64xf32, #tpu.memory_space<vmem>>) target(%dma_start3A_193 : memref<10112x64xf32, #tpu.memory_space<vmem_shared>>) offsets(%dma_start3A_190 : memref<128xi32, #tpu.memory_space<vmem>>) semaphore(%arg25 : memref<!tpu.dma_semaphore, #tpu.memory_space<semaphore_mem>>) {add = true}
        %dma_start3A_194 = arith.constant 0 : i32
        %dma_start3A_195 = tpu.memref_slice %arg13[%while3A_101, %dma_start3A_194] : memref<79x128xi32, #tpu.memory_space<vmem>> -> memref<1x128xi32, #tpu.memory_space<vmem>>
        %dma_start3A_196 = tpu.memref_squeeze %dma_start3A_195 : memref<1x128xi32, #tpu.memory_space<vmem>> -> memref<128xi32, #tpu.memory_space<vmem>>
        %dma_start3A_197 = arith.constant 0 : i32
        %dma_start3A_198 = arith.constant 0 : i32
        %dma_start3A_199 = tpu.memref_slice %arg11[%dma_start3A_197, %dma_start3A_198] : memref<10112x8xf32, #tpu.memory_space<vmem_shared>> -> memref<10112x8xf32, #tpu.memory_space<vmem_shared>>
        tpu.enqueue_indirect_dma source(%arg14 : memref<128x8xf32, #tpu.memory_space<vmem>>) target(%dma_start3A_199 : memref<10112x8xf32, #tpu.memory_space<vmem_shared>>) offsets(%dma_start3A_196 : memref<128xi32, #tpu.memory_space<vmem>>) semaphore(%arg15 : memref<!tpu.dma_semaphore, #tpu.memory_space<semaphore_mem>>) {add = true}
        %ge3A_200 = arith.constant 4 : i32
        %ge3A_201 = arith.cmpi sge, %while3A_101, %ge3A_200 : i32
        %convert_element_type3A_202 = arith.extui %ge3A_201 : i1 to i32
        %cond3A_203 = arith.constant 0 : i32
        %cond3A_204 = arith.cmpi ne, %convert_element_type3A_202, %cond3A_203 : i32
        scf.if %cond3A_204 {
          %dma_wait3A_212 = arith.constant 0 : i32
          %dma_wait3A_213 = arith.constant 0 : i32
          %dma_wait3A_214 = tpu.memref_slice %arg13[%dma_wait3A_212, %dma_wait3A_213] : memref<79x128xi32, #tpu.memory_space<vmem>> -> memref<1x128xi32, #tpu.memory_space<vmem>>
          %dma_wait3A_215 = tpu.memref_squeeze %dma_wait3A_214 : memref<1x128xi32, #tpu.memory_space<vmem>> -> memref<128xi32, #tpu.memory_space<vmem>>
          %dma_wait3A_216 = arith.constant 0 : i32
          %dma_wait3A_217 = arith.constant 0 : i32
          %dma_wait3A_218 = tpu.memref_slice %arg11[%dma_wait3A_216, %dma_wait3A_217] : memref<10112x8xf32, #tpu.memory_space<vmem_shared>> -> memref<10112x8xf32, #tpu.memory_space<vmem_shared>>
          tpu.wait_indirect_dma semaphore(%arg15 : memref<!tpu.dma_semaphore, #tpu.memory_space<semaphore_mem>>) src(%arg14 : memref<128x8xf32, #tpu.memory_space<vmem>>) dst(%dma_wait3A_218 : memref<10112x8xf32, #tpu.memory_space<vmem_shared>>)
        } else {
        }
        %add3A_205 = arith.constant 4 : i32
        %add3A_206 = arith.addi %while3A_101, %add3A_205 : i32
        %sub3A = arith.constant 1 : i32
        %sub3A_207 = arith.subi %add3A_206, %sub3A : i32
        %lt3A_208 = arith.cmpi slt, %sub3A_207, %select_n3A : i32
        %convert_element_type3A_209 = arith.extui %lt3A_208 : i1 to i32
        %cond3A_210 = arith.constant 0 : i32
        %cond3A_211 = arith.cmpi ne, %convert_element_type3A_209, %cond3A_210 : i32
        scf.if %cond3A_211 {
          %ge3A_212 = arith.constant 1 : i32
          %ge3A_213 = arith.cmpi sge, %while3A_101, %ge3A_212 : i32
          %convert_element_type3A_214 = arith.extui %ge3A_213 : i1 to i32
          %cond3A_215 = arith.constant 0 : i32
          %cond3A_216 = arith.cmpi ne, %convert_element_type3A_214, %cond3A_215 : i32
          scf.if %cond3A_216 {
            %dma_wait3A_223 = arith.constant 0 : i32
            %dma_wait3A_224 = arith.constant 0 : i32
            %dma_wait3A_225 = tpu.memref_slice %arg13[%dma_wait3A_223, %dma_wait3A_224] : memref<79x128xi32, #tpu.memory_space<vmem>> -> memref<1x128xi32, #tpu.memory_space<vmem>>
            %dma_wait3A_226 = tpu.memref_squeeze %dma_wait3A_225 : memref<1x128xi32, #tpu.memory_space<vmem>> -> memref<128xi32, #tpu.memory_space<vmem>>
            %dma_wait3A_227 = arith.constant 0 : i32
            %dma_wait3A_228 = arith.constant 0 : i32
            %dma_wait3A_229 = tpu.memref_slice %arg10[%dma_wait3A_227, %dma_wait3A_228] : memref<10112x64xf32, #tpu.memory_space<vmem_shared>> -> memref<10112x64xf32, #tpu.memory_space<vmem_shared>>
            tpu.wait_indirect_dma semaphore(%arg24 : memref<!tpu.dma_semaphore, #tpu.memory_space<semaphore_mem>>) src(%arg16 : memref<128x64xf32, #tpu.memory_space<vmem>>) dst(%dma_wait3A_229 : memref<10112x64xf32, #tpu.memory_space<vmem_shared>>)
          } else {
          }
          %dma_start3A_217 = arith.constant 0 : i32
          %dma_start3A_218 = tpu.memref_slice %arg12[%sub3A_207, %dma_start3A_217] : memref<79x128xi32, #tpu.memory_space<vmem>> -> memref<1x128xi32, #tpu.memory_space<vmem>>
          %dma_start3A_219 = tpu.memref_squeeze %dma_start3A_218 : memref<1x128xi32, #tpu.memory_space<vmem>> -> memref<128xi32, #tpu.memory_space<vmem>>
          %dma_start3A_220 = arith.constant 0 : i32
          %dma_start3A_221 = arith.constant 0 : i32
          %dma_start3A_222 = tpu.memref_slice %arg2[%dma_start3A_220, %dma_start3A_221] : memref<10112x64xf32, #tpu.memory_space<hbm>> -> memref<10112x64xf32, #tpu.memory_space<hbm>>
          tpu.enqueue_indirect_dma source(%dma_start3A_222 : memref<10112x64xf32, #tpu.memory_space<hbm>>) target(%arg16 : memref<128x64xf32, #tpu.memory_space<vmem>>) offsets(%dma_start3A_219 : memref<128xi32, #tpu.memory_space<vmem>>) semaphore(%arg20 : memref<!tpu.dma_semaphore, #tpu.memory_space<semaphore_mem>>)
        } else {
        }
      } else {
      }
      %jit3A_140 = arith.constant 4 : i32
      %eq3A_141 = arith.constant 0 : i32
      %eq3A_142 = arith.cmpi eq, %jit3A_140, %eq3A_141 : i32
      %jit3A_143 = arith.constant 1 : i32
      %select_n3A_144 = arith.select %eq3A_142, %jit3A_143, %jit3A_140 : i32
      %rem3A_145 = arith.remsi %while3A_101, %select_n3A_144 : i32
      %ne3A_146 = arith.constant 0 : i32
      %ne3A_147 = arith.cmpi ne, %rem3A_145, %ne3A_146 : i32
      %lt3A_148 = arith.constant 0 : i32
      %lt3A_149 = arith.cmpi slt, %rem3A_145, %lt3A_148 : i32
      %lt3A_150 = arith.constant 0 : i32
      %lt3A_151 = arith.cmpi slt, %select_n3A_144, %lt3A_150 : i32
      %ne3A_152 = arith.xori %lt3A_149, %lt3A_151 : i1
      %and3A_153 = arith.andi %ne3A_152, %ne3A_147 : i1
      %add3A_154 = arith.addi %rem3A_145, %select_n3A_144 : i32
      %select_n3A_155 = arith.select %and3A_153, %add3A_154, %rem3A_145 : i32
      %eq3A_156 = arith.constant 2 : i32
      %eq3A_157 = arith.cmpi eq, %select_n3A_155, %eq3A_156 : i32
      %convert_element_type3A_158 = arith.extui %eq3A_157 : i1 to i32
      %cond3A_159 = arith.constant 0 : i32
      %cond3A_160 = arith.cmpi ne, %convert_element_type3A_158, %cond3A_159 : i32
      scf.if %cond3A_160 {
        %dma_wait3A_182 = arith.constant 0 : i32
        %dma_wait3A_183 = tpu.memref_slice %arg12[%while3A_101, %dma_wait3A_182] : memref<79x128xi32, #tpu.memory_space<vmem>> -> memref<1x128xi32, #tpu.memory_space<vmem>>
        %dma_wait3A_184 = tpu.memref_squeeze %dma_wait3A_183 : memref<1x128xi32, #tpu.memory_space<vmem>> -> memref<128xi32, #tpu.memory_space<vmem>>
        %dma_wait3A_185 = arith.constant 0 : i32
        %dma_wait3A_186 = arith.constant 0 : i32
        %dma_wait3A_187 = tpu.memref_slice %arg2[%dma_wait3A_185, %dma_wait3A_186] : memref<10112x64xf32, #tpu.memory_space<hbm>> -> memref<10112x64xf32, #tpu.memory_space<hbm>>
        tpu.wait_indirect_dma semaphore(%arg22 : memref<!tpu.dma_semaphore, #tpu.memory_space<semaphore_mem>>) src(%dma_wait3A_187 : memref<10112x64xf32, #tpu.memory_space<hbm>>) dst(%arg18 : memref<128x64xf32, #tpu.memory_space<vmem>>)
        %dma_start3A_188 = arith.constant 0 : i32
        %dma_start3A_189 = tpu.memref_slice %arg13[%while3A_101, %dma_start3A_188] : memref<79x128xi32, #tpu.memory_space<vmem>> -> memref<1x128xi32, #tpu.memory_space<vmem>>
        %dma_start3A_190 = tpu.memref_squeeze %dma_start3A_189 : memref<1x128xi32, #tpu.memory_space<vmem>> -> memref<128xi32, #tpu.memory_space<vmem>>
        %dma_start3A_191 = arith.constant 0 : i32
        %dma_start3A_192 = arith.constant 0 : i32
        %dma_start3A_193 = tpu.memref_slice %arg10[%dma_start3A_191, %dma_start3A_192] : memref<10112x64xf32, #tpu.memory_space<vmem_shared>> -> memref<10112x64xf32, #tpu.memory_space<vmem_shared>>
        tpu.enqueue_indirect_dma source(%arg18 : memref<128x64xf32, #tpu.memory_space<vmem>>) target(%dma_start3A_193 : memref<10112x64xf32, #tpu.memory_space<vmem_shared>>) offsets(%dma_start3A_190 : memref<128xi32, #tpu.memory_space<vmem>>) semaphore(%arg26 : memref<!tpu.dma_semaphore, #tpu.memory_space<semaphore_mem>>) {add = true}
        %dma_start3A_194 = arith.constant 0 : i32
        %dma_start3A_195 = tpu.memref_slice %arg13[%while3A_101, %dma_start3A_194] : memref<79x128xi32, #tpu.memory_space<vmem>> -> memref<1x128xi32, #tpu.memory_space<vmem>>
        %dma_start3A_196 = tpu.memref_squeeze %dma_start3A_195 : memref<1x128xi32, #tpu.memory_space<vmem>> -> memref<128xi32, #tpu.memory_space<vmem>>
        %dma_start3A_197 = arith.constant 0 : i32
        %dma_start3A_198 = arith.constant 0 : i32
        %dma_start3A_199 = tpu.memref_slice %arg11[%dma_start3A_197, %dma_start3A_198] : memref<10112x8xf32, #tpu.memory_space<vmem_shared>> -> memref<10112x8xf32, #tpu.memory_space<vmem_shared>>
        tpu.enqueue_indirect_dma source(%arg14 : memref<128x8xf32, #tpu.memory_space<vmem>>) target(%dma_start3A_199 : memref<10112x8xf32, #tpu.memory_space<vmem_shared>>) offsets(%dma_start3A_196 : memref<128xi32, #tpu.memory_space<vmem>>) semaphore(%arg15 : memref<!tpu.dma_semaphore, #tpu.memory_space<semaphore_mem>>) {add = true}
        %ge3A_200 = arith.constant 4 : i32
        %ge3A_201 = arith.cmpi sge, %while3A_101, %ge3A_200 : i32
        %convert_element_type3A_202 = arith.extui %ge3A_201 : i1 to i32
        %cond3A_203 = arith.constant 0 : i32
        %cond3A_204 = arith.cmpi ne, %convert_element_type3A_202, %cond3A_203 : i32
        scf.if %cond3A_204 {
          %dma_wait3A_212 = arith.constant 0 : i32
          %dma_wait3A_213 = arith.constant 0 : i32
          %dma_wait3A_214 = tpu.memref_slice %arg13[%dma_wait3A_212, %dma_wait3A_213] : memref<79x128xi32, #tpu.memory_space<vmem>> -> memref<1x128xi32, #tpu.memory_space<vmem>>
          %dma_wait3A_215 = tpu.memref_squeeze %dma_wait3A_214 : memref<1x128xi32, #tpu.memory_space<vmem>> -> memref<128xi32, #tpu.memory_space<vmem>>
          %dma_wait3A_216 = arith.constant 0 : i32
          %dma_wait3A_217 = arith.constant 0 : i32
          %dma_wait3A_218 = tpu.memref_slice %arg11[%dma_wait3A_216, %dma_wait3A_217] : memref<10112x8xf32, #tpu.memory_space<vmem_shared>> -> memref<10112x8xf32, #tpu.memory_space<vmem_shared>>
          tpu.wait_indirect_dma semaphore(%arg15 : memref<!tpu.dma_semaphore, #tpu.memory_space<semaphore_mem>>) src(%arg14 : memref<128x8xf32, #tpu.memory_space<vmem>>) dst(%dma_wait3A_218 : memref<10112x8xf32, #tpu.memory_space<vmem_shared>>)
        } else {
        }
        %add3A_205 = arith.constant 4 : i32
        %add3A_206 = arith.addi %while3A_101, %add3A_205 : i32
        %sub3A = arith.constant 1 : i32
        %sub3A_207 = arith.subi %add3A_206, %sub3A : i32
        %lt3A_208 = arith.cmpi slt, %sub3A_207, %select_n3A : i32
        %convert_element_type3A_209 = arith.extui %lt3A_208 : i1 to i32
        %cond3A_210 = arith.constant 0 : i32
        %cond3A_211 = arith.cmpi ne, %convert_element_type3A_209, %cond3A_210 : i32
        scf.if %cond3A_211 {
          %ge3A_212 = arith.constant 1 : i32
          %ge3A_213 = arith.cmpi sge, %while3A_101, %ge3A_212 : i32
          %convert_element_type3A_214 = arith.extui %ge3A_213 : i1 to i32
          %cond3A_215 = arith.constant 0 : i32
          %cond3A_216 = arith.cmpi ne, %convert_element_type3A_214, %cond3A_215 : i32
          scf.if %cond3A_216 {
            %dma_wait3A_223 = arith.constant 0 : i32
            %dma_wait3A_224 = arith.constant 0 : i32
            %dma_wait3A_225 = tpu.memref_slice %arg13[%dma_wait3A_223, %dma_wait3A_224] : memref<79x128xi32, #tpu.memory_space<vmem>> -> memref<1x128xi32, #tpu.memory_space<vmem>>
            %dma_wait3A_226 = tpu.memref_squeeze %dma_wait3A_225 : memref<1x128xi32, #tpu.memory_space<vmem>> -> memref<128xi32, #tpu.memory_space<vmem>>
            %dma_wait3A_227 = arith.constant 0 : i32
            %dma_wait3A_228 = arith.constant 0 : i32
            %dma_wait3A_229 = tpu.memref_slice %arg10[%dma_wait3A_227, %dma_wait3A_228] : memref<10112x64xf32, #tpu.memory_space<vmem_shared>> -> memref<10112x64xf32, #tpu.memory_space<vmem_shared>>
            tpu.wait_indirect_dma semaphore(%arg25 : memref<!tpu.dma_semaphore, #tpu.memory_space<semaphore_mem>>) src(%arg17 : memref<128x64xf32, #tpu.memory_space<vmem>>) dst(%dma_wait3A_229 : memref<10112x64xf32, #tpu.memory_space<vmem_shared>>)
          } else {
          }
          %dma_start3A_217 = arith.constant 0 : i32
          %dma_start3A_218 = tpu.memref_slice %arg12[%sub3A_207, %dma_start3A_217] : memref<79x128xi32, #tpu.memory_space<vmem>> -> memref<1x128xi32, #tpu.memory_space<vmem>>
          %dma_start3A_219 = tpu.memref_squeeze %dma_start3A_218 : memref<1x128xi32, #tpu.memory_space<vmem>> -> memref<128xi32, #tpu.memory_space<vmem>>
          %dma_start3A_220 = arith.constant 0 : i32
          %dma_start3A_221 = arith.constant 0 : i32
          %dma_start3A_222 = tpu.memref_slice %arg2[%dma_start3A_220, %dma_start3A_221] : memref<10112x64xf32, #tpu.memory_space<hbm>> -> memref<10112x64xf32, #tpu.memory_space<hbm>>
          tpu.enqueue_indirect_dma source(%dma_start3A_222 : memref<10112x64xf32, #tpu.memory_space<hbm>>) target(%arg17 : memref<128x64xf32, #tpu.memory_space<vmem>>) offsets(%dma_start3A_219 : memref<128xi32, #tpu.memory_space<vmem>>) semaphore(%arg21 : memref<!tpu.dma_semaphore, #tpu.memory_space<semaphore_mem>>)
        } else {
        }
      } else {
      }
      %jit3A_161 = arith.constant 4 : i32
      %eq3A_162 = arith.constant 0 : i32
      %eq3A_163 = arith.cmpi eq, %jit3A_161, %eq3A_162 : i32
      %jit3A_164 = arith.constant 1 : i32
      %select_n3A_165 = arith.select %eq3A_163, %jit3A_164, %jit3A_161 : i32
      %rem3A_166 = arith.remsi %while3A_101, %select_n3A_165 : i32
      %ne3A_167 = arith.constant 0 : i32
      %ne3A_168 = arith.cmpi ne, %rem3A_166, %ne3A_167 : i32
      %lt3A_169 = arith.constant 0 : i32
      %lt3A_170 = arith.cmpi slt, %rem3A_166, %lt3A_169 : i32
      %lt3A_171 = arith.constant 0 : i32
      %lt3A_172 = arith.cmpi slt, %select_n3A_165, %lt3A_171 : i32
      %ne3A_173 = arith.xori %lt3A_170, %lt3A_172 : i1
      %and3A_174 = arith.andi %ne3A_173, %ne3A_168 : i1
      %add3A_175 = arith.addi %rem3A_166, %select_n3A_165 : i32
      %select_n3A_176 = arith.select %and3A_174, %add3A_175, %rem3A_166 : i32
      %eq3A_177 = arith.constant 3 : i32
      %eq3A_178 = arith.cmpi eq, %select_n3A_176, %eq3A_177 : i32
      %convert_element_type3A_179 = arith.extui %eq3A_178 : i1 to i32
      %cond3A_180 = arith.constant 0 : i32
      %cond3A_181 = arith.cmpi ne, %convert_element_type3A_179, %cond3A_180 : i32
      scf.if %cond3A_181 {
        %dma_wait3A_182 = arith.constant 0 : i32
        %dma_wait3A_183 = tpu.memref_slice %arg12[%while3A_101, %dma_wait3A_182] : memref<79x128xi32, #tpu.memory_space<vmem>> -> memref<1x128xi32, #tpu.memory_space<vmem>>
        %dma_wait3A_184 = tpu.memref_squeeze %dma_wait3A_183 : memref<1x128xi32, #tpu.memory_space<vmem>> -> memref<128xi32, #tpu.memory_space<vmem>>
        %dma_wait3A_185 = arith.constant 0 : i32
        %dma_wait3A_186 = arith.constant 0 : i32
        %dma_wait3A_187 = tpu.memref_slice %arg2[%dma_wait3A_185, %dma_wait3A_186] : memref<10112x64xf32, #tpu.memory_space<hbm>> -> memref<10112x64xf32, #tpu.memory_space<hbm>>
        tpu.wait_indirect_dma semaphore(%arg23 : memref<!tpu.dma_semaphore, #tpu.memory_space<semaphore_mem>>) src(%dma_wait3A_187 : memref<10112x64xf32, #tpu.memory_space<hbm>>) dst(%arg19 : memref<128x64xf32, #tpu.memory_space<vmem>>)
        %dma_start3A_188 = arith.constant 0 : i32
        %dma_start3A_189 = tpu.memref_slice %arg13[%while3A_101, %dma_start3A_188] : memref<79x128xi32, #tpu.memory_space<vmem>> -> memref<1x128xi32, #tpu.memory_space<vmem>>
        %dma_start3A_190 = tpu.memref_squeeze %dma_start3A_189 : memref<1x128xi32, #tpu.memory_space<vmem>> -> memref<128xi32, #tpu.memory_space<vmem>>
        %dma_start3A_191 = arith.constant 0 : i32
        %dma_start3A_192 = arith.constant 0 : i32
        %dma_start3A_193 = tpu.memref_slice %arg10[%dma_start3A_191, %dma_start3A_192] : memref<10112x64xf32, #tpu.memory_space<vmem_shared>> -> memref<10112x64xf32, #tpu.memory_space<vmem_shared>>
        tpu.enqueue_indirect_dma source(%arg19 : memref<128x64xf32, #tpu.memory_space<vmem>>) target(%dma_start3A_193 : memref<10112x64xf32, #tpu.memory_space<vmem_shared>>) offsets(%dma_start3A_190 : memref<128xi32, #tpu.memory_space<vmem>>) semaphore(%arg27 : memref<!tpu.dma_semaphore, #tpu.memory_space<semaphore_mem>>) {add = true}
        %dma_start3A_194 = arith.constant 0 : i32
        %dma_start3A_195 = tpu.memref_slice %arg13[%while3A_101, %dma_start3A_194] : memref<79x128xi32, #tpu.memory_space<vmem>> -> memref<1x128xi32, #tpu.memory_space<vmem>>
        %dma_start3A_196 = tpu.memref_squeeze %dma_start3A_195 : memref<1x128xi32, #tpu.memory_space<vmem>> -> memref<128xi32, #tpu.memory_space<vmem>>
        %dma_start3A_197 = arith.constant 0 : i32
        %dma_start3A_198 = arith.constant 0 : i32
        %dma_start3A_199 = tpu.memref_slice %arg11[%dma_start3A_197, %dma_start3A_198] : memref<10112x8xf32, #tpu.memory_space<vmem_shared>> -> memref<10112x8xf32, #tpu.memory_space<vmem_shared>>
        tpu.enqueue_indirect_dma source(%arg14 : memref<128x8xf32, #tpu.memory_space<vmem>>) target(%dma_start3A_199 : memref<10112x8xf32, #tpu.memory_space<vmem_shared>>) offsets(%dma_start3A_196 : memref<128xi32, #tpu.memory_space<vmem>>) semaphore(%arg15 : memref<!tpu.dma_semaphore, #tpu.memory_space<semaphore_mem>>) {add = true}
        %ge3A_200 = arith.constant 4 : i32
        %ge3A_201 = arith.cmpi sge, %while3A_101, %ge3A_200 : i32
        %convert_element_type3A_202 = arith.extui %ge3A_201 : i1 to i32
        %cond3A_203 = arith.constant 0 : i32
        %cond3A_204 = arith.cmpi ne, %convert_element_type3A_202, %cond3A_203 : i32
        scf.if %cond3A_204 {
          %dma_wait3A_212 = arith.constant 0 : i32
          %dma_wait3A_213 = arith.constant 0 : i32
          %dma_wait3A_214 = tpu.memref_slice %arg13[%dma_wait3A_212, %dma_wait3A_213] : memref<79x128xi32, #tpu.memory_space<vmem>> -> memref<1x128xi32, #tpu.memory_space<vmem>>
          %dma_wait3A_215 = tpu.memref_squeeze %dma_wait3A_214 : memref<1x128xi32, #tpu.memory_space<vmem>> -> memref<128xi32, #tpu.memory_space<vmem>>
          %dma_wait3A_216 = arith.constant 0 : i32
          %dma_wait3A_217 = arith.constant 0 : i32
          %dma_wait3A_218 = tpu.memref_slice %arg11[%dma_wait3A_216, %dma_wait3A_217] : memref<10112x8xf32, #tpu.memory_space<vmem_shared>> -> memref<10112x8xf32, #tpu.memory_space<vmem_shared>>
          tpu.wait_indirect_dma semaphore(%arg15 : memref<!tpu.dma_semaphore, #tpu.memory_space<semaphore_mem>>) src(%arg14 : memref<128x8xf32, #tpu.memory_space<vmem>>) dst(%dma_wait3A_218 : memref<10112x8xf32, #tpu.memory_space<vmem_shared>>)
        } else {
        }
        %add3A_205 = arith.constant 4 : i32
        %add3A_206 = arith.addi %while3A_101, %add3A_205 : i32
        %sub3A = arith.constant 1 : i32
        %sub3A_207 = arith.subi %add3A_206, %sub3A : i32
        %lt3A_208 = arith.cmpi slt, %sub3A_207, %select_n3A : i32
        %convert_element_type3A_209 = arith.extui %lt3A_208 : i1 to i32
        %cond3A_210 = arith.constant 0 : i32
        %cond3A_211 = arith.cmpi ne, %convert_element_type3A_209, %cond3A_210 : i32
        scf.if %cond3A_211 {
          %ge3A_212 = arith.constant 1 : i32
          %ge3A_213 = arith.cmpi sge, %while3A_101, %ge3A_212 : i32
          %convert_element_type3A_214 = arith.extui %ge3A_213 : i1 to i32
          %cond3A_215 = arith.constant 0 : i32
          %cond3A_216 = arith.cmpi ne, %convert_element_type3A_214, %cond3A_215 : i32
          scf.if %cond3A_216 {
            %dma_wait3A_223 = arith.constant 0 : i32
            %dma_wait3A_224 = arith.constant 0 : i32
            %dma_wait3A_225 = tpu.memref_slice %arg13[%dma_wait3A_223, %dma_wait3A_224] : memref<79x128xi32, #tpu.memory_space<vmem>> -> memref<1x128xi32, #tpu.memory_space<vmem>>
            %dma_wait3A_226 = tpu.memref_squeeze %dma_wait3A_225 : memref<1x128xi32, #tpu.memory_space<vmem>> -> memref<128xi32, #tpu.memory_space<vmem>>
            %dma_wait3A_227 = arith.constant 0 : i32
            %dma_wait3A_228 = arith.constant 0 : i32
            %dma_wait3A_229 = tpu.memref_slice %arg10[%dma_wait3A_227, %dma_wait3A_228] : memref<10112x64xf32, #tpu.memory_space<vmem_shared>> -> memref<10112x64xf32, #tpu.memory_space<vmem_shared>>
            tpu.wait_indirect_dma semaphore(%arg26 : memref<!tpu.dma_semaphore, #tpu.memory_space<semaphore_mem>>) src(%arg18 : memref<128x64xf32, #tpu.memory_space<vmem>>) dst(%dma_wait3A_229 : memref<10112x64xf32, #tpu.memory_space<vmem_shared>>)
          } else {
          }
          %dma_start3A_217 = arith.constant 0 : i32
          %dma_start3A_218 = tpu.memref_slice %arg12[%sub3A_207, %dma_start3A_217] : memref<79x128xi32, #tpu.memory_space<vmem>> -> memref<1x128xi32, #tpu.memory_space<vmem>>
          %dma_start3A_219 = tpu.memref_squeeze %dma_start3A_218 : memref<1x128xi32, #tpu.memory_space<vmem>> -> memref<128xi32, #tpu.memory_space<vmem>>
          %dma_start3A_220 = arith.constant 0 : i32
          %dma_start3A_221 = arith.constant 0 : i32
          %dma_start3A_222 = tpu.memref_slice %arg2[%dma_start3A_220, %dma_start3A_221] : memref<10112x64xf32, #tpu.memory_space<hbm>> -> memref<10112x64xf32, #tpu.memory_space<hbm>>
          tpu.enqueue_indirect_dma source(%dma_start3A_222 : memref<10112x64xf32, #tpu.memory_space<hbm>>) target(%arg18 : memref<128x64xf32, #tpu.memory_space<vmem>>) offsets(%dma_start3A_219 : memref<128xi32, #tpu.memory_space<vmem>>) semaphore(%arg22 : memref<!tpu.dma_semaphore, #tpu.memory_space<semaphore_mem>>)
        } else {
        }
      } else {
      }
    }
    %dma_wait3A = arith.constant 0 : i32
    %dma_wait3A_45 = arith.constant 0 : i32
    %dma_wait3A_46 = tpu.memref_slice %arg13[%dma_wait3A, %dma_wait3A_45] : memref<79x128xi32, #tpu.memory_space<vmem>> -> memref<1x128xi32, #tpu.memory_space<vmem>>
    %dma_wait3A_47 = tpu.memref_squeeze %dma_wait3A_46 : memref<1x128xi32, #tpu.memory_space<vmem>> -> memref<128xi32, #tpu.memory_space<vmem>>
    %dma_wait3A_48 = arith.constant 0 : i32
    %dma_wait3A_49 = arith.constant 0 : i32
    %dma_wait3A_50 = tpu.memref_slice %arg10[%dma_wait3A_48, %dma_wait3A_49] : memref<10112x64xf32, #tpu.memory_space<vmem_shared>> -> memref<10112x64xf32, #tpu.memory_space<vmem_shared>>
    tpu.wait_indirect_dma semaphore(%arg24 : memref<!tpu.dma_semaphore, #tpu.memory_space<semaphore_mem>>) src(%arg16 : memref<128x64xf32, #tpu.memory_space<vmem>>) dst(%dma_wait3A_50 : memref<10112x64xf32, #tpu.memory_space<vmem_shared>>)
    %dma_wait3A_51 = arith.constant 0 : i32
    %dma_wait3A_52 = arith.constant 0 : i32
    %dma_wait3A_53 = tpu.memref_slice %arg13[%dma_wait3A_51, %dma_wait3A_52] : memref<79x128xi32, #tpu.memory_space<vmem>> -> memref<1x128xi32, #tpu.memory_space<vmem>>
    %dma_wait3A_54 = tpu.memref_squeeze %dma_wait3A_53 : memref<1x128xi32, #tpu.memory_space<vmem>> -> memref<128xi32, #tpu.memory_space<vmem>>
    %dma_wait3A_55 = arith.constant 0 : i32
    %dma_wait3A_56 = arith.constant 0 : i32
    %dma_wait3A_57 = tpu.memref_slice %arg10[%dma_wait3A_55, %dma_wait3A_56] : memref<10112x64xf32, #tpu.memory_space<vmem_shared>> -> memref<10112x64xf32, #tpu.memory_space<vmem_shared>>
    tpu.wait_indirect_dma semaphore(%arg25 : memref<!tpu.dma_semaphore, #tpu.memory_space<semaphore_mem>>) src(%arg17 : memref<128x64xf32, #tpu.memory_space<vmem>>) dst(%dma_wait3A_57 : memref<10112x64xf32, #tpu.memory_space<vmem_shared>>)
    %dma_wait3A_58 = arith.constant 0 : i32
    %dma_wait3A_59 = arith.constant 0 : i32
    %dma_wait3A_60 = tpu.memref_slice %arg13[%dma_wait3A_58, %dma_wait3A_59] : memref<79x128xi32, #tpu.memory_space<vmem>> -> memref<1x128xi32, #tpu.memory_space<vmem>>
    %dma_wait3A_61 = tpu.memref_squeeze %dma_wait3A_60 : memref<1x128xi32, #tpu.memory_space<vmem>> -> memref<128xi32, #tpu.memory_space<vmem>>
    %dma_wait3A_62 = arith.constant 0 : i32
    %dma_wait3A_63 = arith.constant 0 : i32
    %dma_wait3A_64 = tpu.memref_slice %arg10[%dma_wait3A_62, %dma_wait3A_63] : memref<10112x64xf32, #tpu.memory_space<vmem_shared>> -> memref<10112x64xf32, #tpu.memory_space<vmem_shared>>
    tpu.wait_indirect_dma semaphore(%arg26 : memref<!tpu.dma_semaphore, #tpu.memory_space<semaphore_mem>>) src(%arg18 : memref<128x64xf32, #tpu.memory_space<vmem>>) dst(%dma_wait3A_64 : memref<10112x64xf32, #tpu.memory_space<vmem_shared>>)
    %dma_wait3A_65 = arith.constant 0 : i32
    %dma_wait3A_66 = arith.constant 0 : i32
    %dma_wait3A_67 = tpu.memref_slice %arg13[%dma_wait3A_65, %dma_wait3A_66] : memref<79x128xi32, #tpu.memory_space<vmem>> -> memref<1x128xi32, #tpu.memory_space<vmem>>
    %dma_wait3A_68 = tpu.memref_squeeze %dma_wait3A_67 : memref<1x128xi32, #tpu.memory_space<vmem>> -> memref<128xi32, #tpu.memory_space<vmem>>
    %dma_wait3A_69 = arith.constant 0 : i32
    %dma_wait3A_70 = arith.constant 0 : i32
    %dma_wait3A_71 = tpu.memref_slice %arg10[%dma_wait3A_69, %dma_wait3A_70] : memref<10112x64xf32, #tpu.memory_space<vmem_shared>> -> memref<10112x64xf32, #tpu.memory_space<vmem_shared>>
    tpu.wait_indirect_dma semaphore(%arg27 : memref<!tpu.dma_semaphore, #tpu.memory_space<semaphore_mem>>) src(%arg19 : memref<128x64xf32, #tpu.memory_space<vmem>>) dst(%dma_wait3A_71 : memref<10112x64xf32, #tpu.memory_space<vmem_shared>>)
    %dma_wait3A_72 = arith.constant 0 : i32
    %dma_wait3A_73 = arith.constant 0 : i32
    %dma_wait3A_74 = tpu.memref_slice %arg13[%dma_wait3A_72, %dma_wait3A_73] : memref<79x128xi32, #tpu.memory_space<vmem>> -> memref<1x128xi32, #tpu.memory_space<vmem>>
    %dma_wait3A_75 = tpu.memref_squeeze %dma_wait3A_74 : memref<1x128xi32, #tpu.memory_space<vmem>> -> memref<128xi32, #tpu.memory_space<vmem>>
    %dma_wait3A_76 = arith.constant 0 : i32
    %dma_wait3A_77 = arith.constant 0 : i32
    %dma_wait3A_78 = tpu.memref_slice %arg11[%dma_wait3A_76, %dma_wait3A_77] : memref<10112x8xf32, #tpu.memory_space<vmem_shared>> -> memref<10112x8xf32, #tpu.memory_space<vmem_shared>>
    tpu.wait_indirect_dma semaphore(%arg15 : memref<!tpu.dma_semaphore, #tpu.memory_space<semaphore_mem>>) src(%arg14 : memref<128x8xf32, #tpu.memory_space<vmem>>) dst(%dma_wait3A_78 : memref<10112x8xf32, #tpu.memory_space<vmem_shared>>)
    %dma_wait3A_79 = arith.constant 0 : i32
    %dma_wait3A_80 = arith.constant 0 : i32
    %dma_wait3A_81 = tpu.memref_slice %arg13[%dma_wait3A_79, %dma_wait3A_80] : memref<79x128xi32, #tpu.memory_space<vmem>> -> memref<1x128xi32, #tpu.memory_space<vmem>>
    %dma_wait3A_82 = tpu.memref_squeeze %dma_wait3A_81 : memref<1x128xi32, #tpu.memory_space<vmem>> -> memref<128xi32, #tpu.memory_space<vmem>>
    %dma_wait3A_83 = arith.constant 0 : i32
    %dma_wait3A_84 = arith.constant 0 : i32
    %dma_wait3A_85 = tpu.memref_slice %arg11[%dma_wait3A_83, %dma_wait3A_84] : memref<10112x8xf32, #tpu.memory_space<vmem_shared>> -> memref<10112x8xf32, #tpu.memory_space<vmem_shared>>
    tpu.wait_indirect_dma semaphore(%arg15 : memref<!tpu.dma_semaphore, #tpu.memory_space<semaphore_mem>>) src(%arg14 : memref<128x8xf32, #tpu.memory_space<vmem>>) dst(%dma_wait3A_85 : memref<10112x8xf32, #tpu.memory_space<vmem_shared>>)
    %dma_wait3A_86 = arith.constant 0 : i32
    %dma_wait3A_87 = arith.constant 0 : i32
    %dma_wait3A_88 = tpu.memref_slice %arg13[%dma_wait3A_86, %dma_wait3A_87] : memref<79x128xi32, #tpu.memory_space<vmem>> -> memref<1x128xi32, #tpu.memory_space<vmem>>
    %dma_wait3A_89 = tpu.memref_squeeze %dma_wait3A_88 : memref<1x128xi32, #tpu.memory_space<vmem>> -> memref<128xi32, #tpu.memory_space<vmem>>
    %dma_wait3A_90 = arith.constant 0 : i32
    %dma_wait3A_91 = arith.constant 0 : i32
    %dma_wait3A_92 = tpu.memref_slice %arg11[%dma_wait3A_90, %dma_wait3A_91] : memref<10112x8xf32, #tpu.memory_space<vmem_shared>> -> memref<10112x8xf32, #tpu.memory_space<vmem_shared>>
    tpu.wait_indirect_dma semaphore(%arg15 : memref<!tpu.dma_semaphore, #tpu.memory_space<semaphore_mem>>) src(%arg14 : memref<128x8xf32, #tpu.memory_space<vmem>>) dst(%dma_wait3A_92 : memref<10112x8xf32, #tpu.memory_space<vmem_shared>>)
    %dma_wait3A_93 = arith.constant 0 : i32
    %dma_wait3A_94 = arith.constant 0 : i32
    %dma_wait3A_95 = tpu.memref_slice %arg13[%dma_wait3A_93, %dma_wait3A_94] : memref<79x128xi32, #tpu.memory_space<vmem>> -> memref<1x128xi32, #tpu.memory_space<vmem>>
    %dma_wait3A_96 = tpu.memref_squeeze %dma_wait3A_95 : memref<1x128xi32, #tpu.memory_space<vmem>> -> memref<128xi32, #tpu.memory_space<vmem>>
    %dma_wait3A_97 = arith.constant 0 : i32
    %dma_wait3A_98 = arith.constant 0 : i32
    %dma_wait3A_99 = tpu.memref_slice %arg11[%dma_wait3A_97, %dma_wait3A_98] : memref<10112x8xf32, #tpu.memory_space<vmem_shared>> -> memref<10112x8xf32, #tpu.memory_space<vmem_shared>>
    tpu.wait_indirect_dma semaphore(%arg15 : memref<!tpu.dma_semaphore, #tpu.memory_space<semaphore_mem>>) src(%arg14 : memref<128x8xf32, #tpu.memory_space<vmem>>) dst(%dma_wait3A_99 : memref<10112x8xf32, #tpu.memory_space<vmem_shared>>)
    %barrier3A_100 = arith.constant 0 : index
    tpu.barrier barrier_id(%barrier3A_100)
    "tpu.region"() ({
      %run_scoped3A = tpu.sem_alloc : memref<!tpu.dma_semaphore, #tpu.memory_space<semaphore_mem>>
      %dma_start3A_101 = arith.constant 0 : i32
      %dma_start3A_102 = tpu.memref_slice %arg8[%arg0, %mul3A_2, %dma_start3A_101] : memref<2x10112x64xf32, #tpu.memory_space<hbm>> -> memref<1x632x64xf32, #tpu.memory_space<hbm>>
      %dma_start3A_103 = tpu.memref_squeeze %dma_start3A_102 : memref<1x632x64xf32, #tpu.memory_space<hbm>> -> memref<632x64xf32, #tpu.memory_space<hbm>>
      %dma_start3A_104 = arith.constant 0 : i32
      %dma_start3A_105 = tpu.memref_slice %arg10[%mul3A_2, %dma_start3A_104] : memref<10112x64xf32, #tpu.memory_space<vmem_shared>> -> memref<632x64xf32, #tpu.memory_space<vmem_shared>>
      tpu.enqueue_dma source(%dma_start3A_105 : memref<632x64xf32, #tpu.memory_space<vmem_shared>>) target(%dma_start3A_103 : memref<632x64xf32, #tpu.memory_space<hbm>>) target_semaphore(%run_scoped3A : memref<!tpu.dma_semaphore, #tpu.memory_space<semaphore_mem>>)
      %dma_wait3A_106 = arith.constant 0 : i32
      %dma_wait3A_107 = tpu.memref_slice %arg8[%arg0, %mul3A_2, %dma_wait3A_106] : memref<2x10112x64xf32, #tpu.memory_space<hbm>> -> memref<1x632x64xf32, #tpu.memory_space<hbm>>
      %dma_wait3A_108 = tpu.memref_squeeze %dma_wait3A_107 : memref<1x632x64xf32, #tpu.memory_space<hbm>> -> memref<632x64xf32, #tpu.memory_space<hbm>>
      %dma_wait3A_109 = arith.constant 0 : i32
      %dma_wait3A_110 = tpu.memref_slice %arg10[%mul3A_2, %dma_wait3A_109] : memref<10112x64xf32, #tpu.memory_space<vmem_shared>> -> memref<632x64xf32, #tpu.memory_space<vmem_shared>>
      tpu.wait_dma2 semaphore(%run_scoped3A : memref<!tpu.dma_semaphore, #tpu.memory_space<semaphore_mem>>) src(%dma_wait3A_110 : memref<632x64xf32, #tpu.memory_space<vmem_shared>>) dst(%dma_wait3A_108 : memref<632x64xf32, #tpu.memory_space<hbm>>)
      tpu.yield
    }) : () -> ()
    "tpu.region"() ({
      %run_scoped3A = tpu.sem_alloc : memref<!tpu.dma_semaphore, #tpu.memory_space<semaphore_mem>>
      %dma_start3A_101 = arith.constant 0 : i32
      %dma_start3A_102 = tpu.memref_slice %arg9[%arg0, %mul3A_2, %dma_start3A_101] : memref<2x10112x8xf32, #tpu.memory_space<hbm>> -> memref<1x632x8xf32, #tpu.memory_space<hbm>>
      %dma_start3A_103 = tpu.memref_squeeze %dma_start3A_102 : memref<1x632x8xf32, #tpu.memory_space<hbm>> -> memref<632x8xf32, #tpu.memory_space<hbm>>
      %dma_start3A_104 = arith.constant 0 : i32
      %dma_start3A_105 = tpu.memref_slice %arg11[%mul3A_2, %dma_start3A_104] : memref<10112x8xf32, #tpu.memory_space<vmem_shared>> -> memref<632x8xf32, #tpu.memory_space<vmem_shared>>
      tpu.enqueue_dma source(%dma_start3A_105 : memref<632x8xf32, #tpu.memory_space<vmem_shared>>) target(%dma_start3A_103 : memref<632x8xf32, #tpu.memory_space<hbm>>) target_semaphore(%run_scoped3A : memref<!tpu.dma_semaphore, #tpu.memory_space<semaphore_mem>>)
      %dma_wait3A_106 = arith.constant 0 : i32
      %dma_wait3A_107 = tpu.memref_slice %arg9[%arg0, %mul3A_2, %dma_wait3A_106] : memref<2x10112x8xf32, #tpu.memory_space<hbm>> -> memref<1x632x8xf32, #tpu.memory_space<hbm>>
      %dma_wait3A_108 = tpu.memref_squeeze %dma_wait3A_107 : memref<1x632x8xf32, #tpu.memory_space<hbm>> -> memref<632x8xf32, #tpu.memory_space<hbm>>
      %dma_wait3A_109 = arith.constant 0 : i32
      %dma_wait3A_110 = tpu.memref_slice %arg11[%mul3A_2, %dma_wait3A_109] : memref<10112x8xf32, #tpu.memory_space<vmem_shared>> -> memref<632x8xf32, #tpu.memory_space<vmem_shared>>
      tpu.wait_dma2 semaphore(%run_scoped3A : memref<!tpu.dma_semaphore, #tpu.memory_space<semaphore_mem>>) src(%dma_wait3A_110 : memref<632x8xf32, #tpu.memory_space<vmem_shared>>) dst(%dma_wait3A_108 : memref<632x8xf32, #tpu.memory_space<hbm>>)
      tpu.yield
    }) : () -> ()
    return
  }
}

#map = affine_map<(d0, d1) -> (0, 0)>
#map1 = affine_map<(d0, d1) -> (0, 0, 0)>
module attributes {stable_mosaic.version = 14 : i64} {
  func.func @_sc_agg_body(%arg0: i32, %arg1: i32, %arg2: memref<10112x8xf32, #tpu.memory_space<hbm>>, %arg3: memref<2500x128xi32, #tpu.memory_space<hbm>>, %arg4: memref<2500x128xi32, #tpu.memory_space<hbm>>, %arg5: memref<632x8xf32, #tpu.memory_space<hbm>>, %arg6: memref<2x10112x8xf32, #tpu.memory_space<hbm>>, %arg7: memref<10112x8xf32, #tpu.memory_space<vmem_shared>>, %arg8: memref<79x128xi32, #tpu.memory_space<vmem>>, %arg9: memref<79x128xi32, #tpu.memory_space<vmem>>, %arg10: memref<128x8xf32, #tpu.memory_space<vmem>>, %arg11: memref<128x8xf32, #tpu.memory_space<vmem>>, %arg12: memref<128x8xf32, #tpu.memory_space<vmem>>, %arg13: memref<128x8xf32, #tpu.memory_space<vmem>>, %arg14: memref<!tpu.dma_semaphore, #tpu.memory_space<semaphore_mem>>, %arg15: memref<!tpu.dma_semaphore, #tpu.memory_space<semaphore_mem>>, %arg16: memref<!tpu.dma_semaphore, #tpu.memory_space<semaphore_mem>>, %arg17: memref<!tpu.dma_semaphore, #tpu.memory_space<semaphore_mem>>, %arg18: memref<!tpu.dma_semaphore, #tpu.memory_space<semaphore_mem>>, %arg19: memref<!tpu.dma_semaphore, #tpu.memory_space<semaphore_mem>>, %arg20: memref<!tpu.dma_semaphore, #tpu.memory_space<semaphore_mem>>, %arg21: memref<!tpu.dma_semaphore, #tpu.memory_space<semaphore_mem>>) attributes {dimension_semantics = [#tpu.dimension_semantics<core_parallel>, #tpu.dimension_semantics<subcore_parallel>], iteration_bounds = array<i64: 2, 16>, scalar_prefetch = 0 : i64, scratch_operands = 15 : i64, tpu.core_type = #tpu.core_type<sc_vector_subcore>, window_params = [{transform_indices = #map}, {transform_indices = #map}, {transform_indices = #map}, {transform_indices = #map}, {transform_indices = #map1}]} {
    %mul3A = arith.constant 16 : i32
    %mul3A_0 = arith.muli %arg0, %mul3A : i32
    %add3A = arith.addi %mul3A_0, %arg1 : i32
    %mul3A_1 = arith.constant 632 : i32
    %mul3A_2 = arith.muli %arg1, %mul3A_1 : i32
    %lt3A = arith.constant 4 : i32
    %lt3A_3 = arith.cmpi slt, %add3A, %lt3A : i32
    %jit3A = arith.constant 79 : i32
    %jit3A_4 = arith.constant 78 : i32
    %select_n3A = arith.select %lt3A_3, %jit3A, %jit3A_4 : i32
    %mul3A_5 = arith.constant 78 : i32
    %mul3A_6 = arith.muli %add3A, %mul3A_5 : i32
    %min3A = arith.constant 4 : i32
    %min3A_7 = arith.minsi %add3A, %min3A : i32
    %add3A_8 = arith.addi %mul3A_6, %min3A_7 : i32
    "tpu.region"() ({
      %run_scoped3A = tpu.sem_alloc : memref<!tpu.dma_semaphore, #tpu.memory_space<semaphore_mem>>
      %dma_start3A_73 = arith.constant 0 : i32
      %dma_start3A_74 = tpu.memref_slice %arg7[%mul3A_2, %dma_start3A_73] : memref<10112x8xf32, #tpu.memory_space<vmem_shared>> -> memref<632x8xf32, #tpu.memory_space<vmem_shared>>
      tpu.enqueue_dma source(%arg5 : memref<632x8xf32, #tpu.memory_space<hbm>>) target(%dma_start3A_74 : memref<632x8xf32, #tpu.memory_space<vmem_shared>>) target_semaphore(%run_scoped3A : memref<!tpu.dma_semaphore, #tpu.memory_space<semaphore_mem>>)
      %dma_wait3A_75 = arith.constant 0 : i32
      %dma_wait3A_76 = tpu.memref_slice %arg7[%mul3A_2, %dma_wait3A_75] : memref<10112x8xf32, #tpu.memory_space<vmem_shared>> -> memref<632x8xf32, #tpu.memory_space<vmem_shared>>
      tpu.wait_dma2 semaphore(%run_scoped3A : memref<!tpu.dma_semaphore, #tpu.memory_space<semaphore_mem>>) src(%arg5 : memref<632x8xf32, #tpu.memory_space<hbm>>) dst(%dma_wait3A_76 : memref<632x8xf32, #tpu.memory_space<vmem_shared>>)
      tpu.yield
    }) : () -> ()
    %lt3A_9 = arith.constant 4 : i32
    %lt3A_10 = arith.cmpi slt, %add3A, %lt3A_9 : i32
    %convert_element_type3A = arith.extui %lt3A_10 : i1 to i32
    %cond3A = arith.constant 0 : i32
    %cond3A_11 = arith.cmpi ne, %convert_element_type3A, %cond3A : i32
    scf.if %cond3A_11 {
      "tpu.region"() ({
        %run_scoped3A = tpu.sem_alloc : memref<!tpu.dma_semaphore, #tpu.memory_space<semaphore_mem>>
        %dma_start3A_73 = arith.constant 0 : i32
        %dma_start3A_74 = arith.constant 0 : i32
        %dma_start3A_75 = tpu.memref_slice %arg8[%dma_start3A_73, %dma_start3A_74] : memref<79x128xi32, #tpu.memory_space<vmem>> -> memref<79x128xi32, #tpu.memory_space<vmem>>
        %dma_start3A_76 = arith.constant 0 : i32
        %dma_start3A_77 = tpu.memref_slice %arg3[%add3A_8, %dma_start3A_76] : memref<2500x128xi32, #tpu.memory_space<hbm>> -> memref<79x128xi32, #tpu.memory_space<hbm>>
        %dma_start3A_78 = arith.constant 0 : i32
        %dma_start3A_79 = arith.constant 0 : i32
        %dma_start3A_80 = tpu.memref_slice %arg8[%dma_start3A_78, %dma_start3A_79] : memref<79x128xi32, #tpu.memory_space<vmem>> -> memref<79x128xi32, #tpu.memory_space<vmem>>
        %dma_start3A_81 = arith.constant 0 : i32
        %dma_start3A_82 = tpu.memref_slice %arg3[%add3A_8, %dma_start3A_81] : memref<2500x128xi32, #tpu.memory_space<hbm>> -> memref<79x128xi32, #tpu.memory_space<hbm>>
        tpu.enqueue_dma source(%dma_start3A_82 : memref<79x128xi32, #tpu.memory_space<hbm>>) target(%dma_start3A_80 : memref<79x128xi32, #tpu.memory_space<vmem>>) target_semaphore(%run_scoped3A : memref<!tpu.dma_semaphore, #tpu.memory_space<semaphore_mem>>)
        %dma_wait3A_83 = arith.constant 0 : i32
        %dma_wait3A_84 = arith.constant 0 : i32
        %dma_wait3A_85 = tpu.memref_slice %arg8[%dma_wait3A_83, %dma_wait3A_84] : memref<79x128xi32, #tpu.memory_space<vmem>> -> memref<79x128xi32, #tpu.memory_space<vmem>>
        %dma_wait3A_86 = arith.constant 0 : i32
        %dma_wait3A_87 = tpu.memref_slice %arg3[%add3A_8, %dma_wait3A_86] : memref<2500x128xi32, #tpu.memory_space<hbm>> -> memref<79x128xi32, #tpu.memory_space<hbm>>
        %dma_wait3A_88 = arith.constant 0 : i32
        %dma_wait3A_89 = arith.constant 0 : i32
        %dma_wait3A_90 = tpu.memref_slice %arg8[%dma_wait3A_88, %dma_wait3A_89] : memref<79x128xi32, #tpu.memory_space<vmem>> -> memref<79x128xi32, #tpu.memory_space<vmem>>
        %dma_wait3A_91 = arith.constant 0 : i32
        %dma_wait3A_92 = tpu.memref_slice %arg3[%add3A_8, %dma_wait3A_91] : memref<2500x128xi32, #tpu.memory_space<hbm>> -> memref<79x128xi32, #tpu.memory_space<hbm>>
        tpu.wait_dma2 semaphore(%run_scoped3A : memref<!tpu.dma_semaphore, #tpu.memory_space<semaphore_mem>>) src(%dma_wait3A_92 : memref<79x128xi32, #tpu.memory_space<hbm>>) dst(%dma_wait3A_90 : memref<79x128xi32, #tpu.memory_space<vmem>>)
        tpu.yield
      }) : () -> ()
      "tpu.region"() ({
        %run_scoped3A = tpu.sem_alloc : memref<!tpu.dma_semaphore, #tpu.memory_space<semaphore_mem>>
        %dma_start3A_73 = arith.constant 0 : i32
        %dma_start3A_74 = arith.constant 0 : i32
        %dma_start3A_75 = tpu.memref_slice %arg9[%dma_start3A_73, %dma_start3A_74] : memref<79x128xi32, #tpu.memory_space<vmem>> -> memref<79x128xi32, #tpu.memory_space<vmem>>
        %dma_start3A_76 = arith.constant 0 : i32
        %dma_start3A_77 = tpu.memref_slice %arg4[%add3A_8, %dma_start3A_76] : memref<2500x128xi32, #tpu.memory_space<hbm>> -> memref<79x128xi32, #tpu.memory_space<hbm>>
        %dma_start3A_78 = arith.constant 0 : i32
        %dma_start3A_79 = arith.constant 0 : i32
        %dma_start3A_80 = tpu.memref_slice %arg9[%dma_start3A_78, %dma_start3A_79] : memref<79x128xi32, #tpu.memory_space<vmem>> -> memref<79x128xi32, #tpu.memory_space<vmem>>
        %dma_start3A_81 = arith.constant 0 : i32
        %dma_start3A_82 = tpu.memref_slice %arg4[%add3A_8, %dma_start3A_81] : memref<2500x128xi32, #tpu.memory_space<hbm>> -> memref<79x128xi32, #tpu.memory_space<hbm>>
        tpu.enqueue_dma source(%dma_start3A_82 : memref<79x128xi32, #tpu.memory_space<hbm>>) target(%dma_start3A_80 : memref<79x128xi32, #tpu.memory_space<vmem>>) target_semaphore(%run_scoped3A : memref<!tpu.dma_semaphore, #tpu.memory_space<semaphore_mem>>)
        %dma_wait3A_83 = arith.constant 0 : i32
        %dma_wait3A_84 = arith.constant 0 : i32
        %dma_wait3A_85 = tpu.memref_slice %arg9[%dma_wait3A_83, %dma_wait3A_84] : memref<79x128xi32, #tpu.memory_space<vmem>> -> memref<79x128xi32, #tpu.memory_space<vmem>>
        %dma_wait3A_86 = arith.constant 0 : i32
        %dma_wait3A_87 = tpu.memref_slice %arg4[%add3A_8, %dma_wait3A_86] : memref<2500x128xi32, #tpu.memory_space<hbm>> -> memref<79x128xi32, #tpu.memory_space<hbm>>
        %dma_wait3A_88 = arith.constant 0 : i32
        %dma_wait3A_89 = arith.constant 0 : i32
        %dma_wait3A_90 = tpu.memref_slice %arg9[%dma_wait3A_88, %dma_wait3A_89] : memref<79x128xi32, #tpu.memory_space<vmem>> -> memref<79x128xi32, #tpu.memory_space<vmem>>
        %dma_wait3A_91 = arith.constant 0 : i32
        %dma_wait3A_92 = tpu.memref_slice %arg4[%add3A_8, %dma_wait3A_91] : memref<2500x128xi32, #tpu.memory_space<hbm>> -> memref<79x128xi32, #tpu.memory_space<hbm>>
        tpu.wait_dma2 semaphore(%run_scoped3A : memref<!tpu.dma_semaphore, #tpu.memory_space<semaphore_mem>>) src(%dma_wait3A_92 : memref<79x128xi32, #tpu.memory_space<hbm>>) dst(%dma_wait3A_90 : memref<79x128xi32, #tpu.memory_space<vmem>>)
        tpu.yield
      }) : () -> ()
    } else {
    }
    %ge3A = arith.constant 4 : i32
    %ge3A_12 = arith.cmpi sge, %add3A, %ge3A : i32
    %convert_element_type3A_13 = arith.extui %ge3A_12 : i1 to i32
    %cond3A_14 = arith.constant 0 : i32
    %cond3A_15 = arith.cmpi ne, %convert_element_type3A_13, %cond3A_14 : i32
    scf.if %cond3A_15 {
      "tpu.region"() ({
        %run_scoped3A = tpu.sem_alloc : memref<!tpu.dma_semaphore, #tpu.memory_space<semaphore_mem>>
        %dma_start3A_73 = arith.constant 0 : i32
        %dma_start3A_74 = arith.constant 0 : i32
        %dma_start3A_75 = tpu.memref_slice %arg8[%dma_start3A_73, %dma_start3A_74] : memref<79x128xi32, #tpu.memory_space<vmem>> -> memref<78x128xi32, #tpu.memory_space<vmem>>
        %dma_start3A_76 = arith.constant 0 : i32
        %dma_start3A_77 = tpu.memref_slice %arg3[%add3A_8, %dma_start3A_76] : memref<2500x128xi32, #tpu.memory_space<hbm>> -> memref<78x128xi32, #tpu.memory_space<hbm>>
        %dma_start3A_78 = arith.constant 0 : i32
        %dma_start3A_79 = arith.constant 0 : i32
        %dma_start3A_80 = tpu.memref_slice %arg8[%dma_start3A_78, %dma_start3A_79] : memref<79x128xi32, #tpu.memory_space<vmem>> -> memref<78x128xi32, #tpu.memory_space<vmem>>
        %dma_start3A_81 = arith.constant 0 : i32
        %dma_start3A_82 = tpu.memref_slice %arg3[%add3A_8, %dma_start3A_81] : memref<2500x128xi32, #tpu.memory_space<hbm>> -> memref<78x128xi32, #tpu.memory_space<hbm>>
        tpu.enqueue_dma source(%dma_start3A_82 : memref<78x128xi32, #tpu.memory_space<hbm>>) target(%dma_start3A_80 : memref<78x128xi32, #tpu.memory_space<vmem>>) target_semaphore(%run_scoped3A : memref<!tpu.dma_semaphore, #tpu.memory_space<semaphore_mem>>)
        %dma_wait3A_83 = arith.constant 0 : i32
        %dma_wait3A_84 = arith.constant 0 : i32
        %dma_wait3A_85 = tpu.memref_slice %arg8[%dma_wait3A_83, %dma_wait3A_84] : memref<79x128xi32, #tpu.memory_space<vmem>> -> memref<78x128xi32, #tpu.memory_space<vmem>>
        %dma_wait3A_86 = arith.constant 0 : i32
        %dma_wait3A_87 = tpu.memref_slice %arg3[%add3A_8, %dma_wait3A_86] : memref<2500x128xi32, #tpu.memory_space<hbm>> -> memref<78x128xi32, #tpu.memory_space<hbm>>
        %dma_wait3A_88 = arith.constant 0 : i32
        %dma_wait3A_89 = arith.constant 0 : i32
        %dma_wait3A_90 = tpu.memref_slice %arg8[%dma_wait3A_88, %dma_wait3A_89] : memref<79x128xi32, #tpu.memory_space<vmem>> -> memref<78x128xi32, #tpu.memory_space<vmem>>
        %dma_wait3A_91 = arith.constant 0 : i32
        %dma_wait3A_92 = tpu.memref_slice %arg3[%add3A_8, %dma_wait3A_91] : memref<2500x128xi32, #tpu.memory_space<hbm>> -> memref<78x128xi32, #tpu.memory_space<hbm>>
        tpu.wait_dma2 semaphore(%run_scoped3A : memref<!tpu.dma_semaphore, #tpu.memory_space<semaphore_mem>>) src(%dma_wait3A_92 : memref<78x128xi32, #tpu.memory_space<hbm>>) dst(%dma_wait3A_90 : memref<78x128xi32, #tpu.memory_space<vmem>>)
        tpu.yield
      }) : () -> ()
      "tpu.region"() ({
        %run_scoped3A = tpu.sem_alloc : memref<!tpu.dma_semaphore, #tpu.memory_space<semaphore_mem>>
        %dma_start3A_73 = arith.constant 0 : i32
        %dma_start3A_74 = arith.constant 0 : i32
        %dma_start3A_75 = tpu.memref_slice %arg9[%dma_start3A_73, %dma_start3A_74] : memref<79x128xi32, #tpu.memory_space<vmem>> -> memref<78x128xi32, #tpu.memory_space<vmem>>
        %dma_start3A_76 = arith.constant 0 : i32
        %dma_start3A_77 = tpu.memref_slice %arg4[%add3A_8, %dma_start3A_76] : memref<2500x128xi32, #tpu.memory_space<hbm>> -> memref<78x128xi32, #tpu.memory_space<hbm>>
        %dma_start3A_78 = arith.constant 0 : i32
        %dma_start3A_79 = arith.constant 0 : i32
        %dma_start3A_80 = tpu.memref_slice %arg9[%dma_start3A_78, %dma_start3A_79] : memref<79x128xi32, #tpu.memory_space<vmem>> -> memref<78x128xi32, #tpu.memory_space<vmem>>
        %dma_start3A_81 = arith.constant 0 : i32
        %dma_start3A_82 = tpu.memref_slice %arg4[%add3A_8, %dma_start3A_81] : memref<2500x128xi32, #tpu.memory_space<hbm>> -> memref<78x128xi32, #tpu.memory_space<hbm>>
        tpu.enqueue_dma source(%dma_start3A_82 : memref<78x128xi32, #tpu.memory_space<hbm>>) target(%dma_start3A_80 : memref<78x128xi32, #tpu.memory_space<vmem>>) target_semaphore(%run_scoped3A : memref<!tpu.dma_semaphore, #tpu.memory_space<semaphore_mem>>)
        %dma_wait3A_83 = arith.constant 0 : i32
        %dma_wait3A_84 = arith.constant 0 : i32
        %dma_wait3A_85 = tpu.memref_slice %arg9[%dma_wait3A_83, %dma_wait3A_84] : memref<79x128xi32, #tpu.memory_space<vmem>> -> memref<78x128xi32, #tpu.memory_space<vmem>>
        %dma_wait3A_86 = arith.constant 0 : i32
        %dma_wait3A_87 = tpu.memref_slice %arg4[%add3A_8, %dma_wait3A_86] : memref<2500x128xi32, #tpu.memory_space<hbm>> -> memref<78x128xi32, #tpu.memory_space<hbm>>
        %dma_wait3A_88 = arith.constant 0 : i32
        %dma_wait3A_89 = arith.constant 0 : i32
        %dma_wait3A_90 = tpu.memref_slice %arg9[%dma_wait3A_88, %dma_wait3A_89] : memref<79x128xi32, #tpu.memory_space<vmem>> -> memref<78x128xi32, #tpu.memory_space<vmem>>
        %dma_wait3A_91 = arith.constant 0 : i32
        %dma_wait3A_92 = tpu.memref_slice %arg4[%add3A_8, %dma_wait3A_91] : memref<2500x128xi32, #tpu.memory_space<hbm>> -> memref<78x128xi32, #tpu.memory_space<hbm>>
        tpu.wait_dma2 semaphore(%run_scoped3A : memref<!tpu.dma_semaphore, #tpu.memory_space<semaphore_mem>>) src(%dma_wait3A_92 : memref<78x128xi32, #tpu.memory_space<hbm>>) dst(%dma_wait3A_90 : memref<78x128xi32, #tpu.memory_space<vmem>>)
        tpu.yield
      }) : () -> ()
    } else {
    }
    %barrier3A = arith.constant 0 : index
    tpu.barrier barrier_id(%barrier3A)
    %dma_start3A = arith.constant 0 : i32
    %dma_start3A_16 = arith.constant 0 : i32
    %dma_start3A_17 = tpu.memref_slice %arg8[%dma_start3A, %dma_start3A_16] : memref<79x128xi32, #tpu.memory_space<vmem>> -> memref<1x128xi32, #tpu.memory_space<vmem>>
    %dma_start3A_18 = tpu.memref_squeeze %dma_start3A_17 : memref<1x128xi32, #tpu.memory_space<vmem>> -> memref<128xi32, #tpu.memory_space<vmem>>
    %dma_start3A_19 = arith.constant 0 : i32
    %dma_start3A_20 = arith.constant 0 : i32
    %dma_start3A_21 = tpu.memref_slice %arg2[%dma_start3A_19, %dma_start3A_20] : memref<10112x8xf32, #tpu.memory_space<hbm>> -> memref<10112x8xf32, #tpu.memory_space<hbm>>
    tpu.enqueue_indirect_dma source(%dma_start3A_21 : memref<10112x8xf32, #tpu.memory_space<hbm>>) target(%arg10 : memref<128x8xf32, #tpu.memory_space<vmem>>) offsets(%dma_start3A_18 : memref<128xi32, #tpu.memory_space<vmem>>) semaphore(%arg14 : memref<!tpu.dma_semaphore, #tpu.memory_space<semaphore_mem>>)
    %dma_start3A_22 = arith.constant 1 : i32
    %dma_start3A_23 = arith.constant 0 : i32
    %dma_start3A_24 = tpu.memref_slice %arg8[%dma_start3A_22, %dma_start3A_23] : memref<79x128xi32, #tpu.memory_space<vmem>> -> memref<1x128xi32, #tpu.memory_space<vmem>>
    %dma_start3A_25 = tpu.memref_squeeze %dma_start3A_24 : memref<1x128xi32, #tpu.memory_space<vmem>> -> memref<128xi32, #tpu.memory_space<vmem>>
    %dma_start3A_26 = arith.constant 0 : i32
    %dma_start3A_27 = arith.constant 0 : i32
    %dma_start3A_28 = tpu.memref_slice %arg2[%dma_start3A_26, %dma_start3A_27] : memref<10112x8xf32, #tpu.memory_space<hbm>> -> memref<10112x8xf32, #tpu.memory_space<hbm>>
    tpu.enqueue_indirect_dma source(%dma_start3A_28 : memref<10112x8xf32, #tpu.memory_space<hbm>>) target(%arg11 : memref<128x8xf32, #tpu.memory_space<vmem>>) offsets(%dma_start3A_25 : memref<128xi32, #tpu.memory_space<vmem>>) semaphore(%arg15 : memref<!tpu.dma_semaphore, #tpu.memory_space<semaphore_mem>>)
    %dma_start3A_29 = arith.constant 2 : i32
    %dma_start3A_30 = arith.constant 0 : i32
    %dma_start3A_31 = tpu.memref_slice %arg8[%dma_start3A_29, %dma_start3A_30] : memref<79x128xi32, #tpu.memory_space<vmem>> -> memref<1x128xi32, #tpu.memory_space<vmem>>
    %dma_start3A_32 = tpu.memref_squeeze %dma_start3A_31 : memref<1x128xi32, #tpu.memory_space<vmem>> -> memref<128xi32, #tpu.memory_space<vmem>>
    %dma_start3A_33 = arith.constant 0 : i32
    %dma_start3A_34 = arith.constant 0 : i32
    %dma_start3A_35 = tpu.memref_slice %arg2[%dma_start3A_33, %dma_start3A_34] : memref<10112x8xf32, #tpu.memory_space<hbm>> -> memref<10112x8xf32, #tpu.memory_space<hbm>>
    tpu.enqueue_indirect_dma source(%dma_start3A_35 : memref<10112x8xf32, #tpu.memory_space<hbm>>) target(%arg12 : memref<128x8xf32, #tpu.memory_space<vmem>>) offsets(%dma_start3A_32 : memref<128xi32, #tpu.memory_space<vmem>>) semaphore(%arg16 : memref<!tpu.dma_semaphore, #tpu.memory_space<semaphore_mem>>)
    %while3A = arith.constant 0 : i32
    %while3A_36 = arith.constant 0 : i32
    %while3A_37 = arith.subi %select_n3A, %while3A_36 : i32
    %while3A_38 = arith.addi %while3A_36, %while3A_37 : i32
    %while3A_39 = arith.constant 1 : i32
    %while3A_40 = arith.divsi %while3A_37, %while3A_39 : i32
    %while3A_41 = arith.muli %while3A_40, %while3A_39 : i32
    %while3A_42 = arith.addi %while3A_36, %while3A_41 : i32
    %while3A_43 = arith.constant 1 : i32
    scf.for %while3A_73 = %while3A_36 to %while3A_42 step %while3A_43  : i32 {
      %jit3A_74 = arith.constant 4 : i32
      %eq3A = arith.constant 0 : i32
      %eq3A_75 = arith.cmpi eq, %jit3A_74, %eq3A : i32
      %jit3A_76 = arith.constant 1 : i32
      %select_n3A_77 = arith.select %eq3A_75, %jit3A_76, %jit3A_74 : i32
      %rem3A = arith.remsi %while3A_73, %select_n3A_77 : i32
      %ne3A = arith.constant 0 : i32
      %ne3A_78 = arith.cmpi ne, %rem3A, %ne3A : i32
      %lt3A_79 = arith.constant 0 : i32
      %lt3A_80 = arith.cmpi slt, %rem3A, %lt3A_79 : i32
      %lt3A_81 = arith.constant 0 : i32
      %lt3A_82 = arith.cmpi slt, %select_n3A_77, %lt3A_81 : i32
      %ne3A_83 = arith.xori %lt3A_80, %lt3A_82 : i1
      %and3A = arith.andi %ne3A_83, %ne3A_78 : i1
      %add3A_84 = arith.addi %rem3A, %select_n3A_77 : i32
      %select_n3A_85 = arith.select %and3A, %add3A_84, %rem3A : i32
      %eq3A_86 = arith.constant 0 : i32
      %eq3A_87 = arith.cmpi eq, %select_n3A_85, %eq3A_86 : i32
      %convert_element_type3A_88 = arith.extui %eq3A_87 : i1 to i32
      %cond3A_89 = arith.constant 0 : i32
      %cond3A_90 = arith.cmpi ne, %convert_element_type3A_88, %cond3A_89 : i32
      scf.if %cond3A_90 {
        %dma_wait3A_154 = arith.constant 0 : i32
        %dma_wait3A_155 = tpu.memref_slice %arg8[%while3A_73, %dma_wait3A_154] : memref<79x128xi32, #tpu.memory_space<vmem>> -> memref<1x128xi32, #tpu.memory_space<vmem>>
        %dma_wait3A_156 = tpu.memref_squeeze %dma_wait3A_155 : memref<1x128xi32, #tpu.memory_space<vmem>> -> memref<128xi32, #tpu.memory_space<vmem>>
        %dma_wait3A_157 = arith.constant 0 : i32
        %dma_wait3A_158 = arith.constant 0 : i32
        %dma_wait3A_159 = tpu.memref_slice %arg2[%dma_wait3A_157, %dma_wait3A_158] : memref<10112x8xf32, #tpu.memory_space<hbm>> -> memref<10112x8xf32, #tpu.memory_space<hbm>>
        tpu.wait_indirect_dma semaphore(%arg14 : memref<!tpu.dma_semaphore, #tpu.memory_space<semaphore_mem>>) src(%dma_wait3A_159 : memref<10112x8xf32, #tpu.memory_space<hbm>>) dst(%arg10 : memref<128x8xf32, #tpu.memory_space<vmem>>)
        %dma_start3A_160 = arith.constant 0 : i32
        %dma_start3A_161 = tpu.memref_slice %arg9[%while3A_73, %dma_start3A_160] : memref<79x128xi32, #tpu.memory_space<vmem>> -> memref<1x128xi32, #tpu.memory_space<vmem>>
        %dma_start3A_162 = tpu.memref_squeeze %dma_start3A_161 : memref<1x128xi32, #tpu.memory_space<vmem>> -> memref<128xi32, #tpu.memory_space<vmem>>
        %dma_start3A_163 = arith.constant 0 : i32
        %dma_start3A_164 = arith.constant 0 : i32
        %dma_start3A_165 = tpu.memref_slice %arg7[%dma_start3A_163, %dma_start3A_164] : memref<10112x8xf32, #tpu.memory_space<vmem_shared>> -> memref<10112x8xf32, #tpu.memory_space<vmem_shared>>
        tpu.enqueue_indirect_dma source(%arg10 : memref<128x8xf32, #tpu.memory_space<vmem>>) target(%dma_start3A_165 : memref<10112x8xf32, #tpu.memory_space<vmem_shared>>) offsets(%dma_start3A_162 : memref<128xi32, #tpu.memory_space<vmem>>) semaphore(%arg18 : memref<!tpu.dma_semaphore, #tpu.memory_space<semaphore_mem>>) {add = true}
        %add3A_166 = arith.constant 4 : i32
        %add3A_167 = arith.addi %while3A_73, %add3A_166 : i32
        %sub3A = arith.constant 1 : i32
        %sub3A_168 = arith.subi %add3A_167, %sub3A : i32
        %lt3A_169 = arith.cmpi slt, %sub3A_168, %select_n3A : i32
        %convert_element_type3A_170 = arith.extui %lt3A_169 : i1 to i32
        %cond3A_171 = arith.constant 0 : i32
        %cond3A_172 = arith.cmpi ne, %convert_element_type3A_170, %cond3A_171 : i32
        scf.if %cond3A_172 {
          %ge3A_173 = arith.constant 1 : i32
          %ge3A_174 = arith.cmpi sge, %while3A_73, %ge3A_173 : i32
          %convert_element_type3A_175 = arith.extui %ge3A_174 : i1 to i32
          %cond3A_176 = arith.constant 0 : i32
          %cond3A_177 = arith.cmpi ne, %convert_element_type3A_175, %cond3A_176 : i32
          scf.if %cond3A_177 {
            %dma_wait3A_184 = arith.constant 0 : i32
            %dma_wait3A_185 = arith.constant 0 : i32
            %dma_wait3A_186 = tpu.memref_slice %arg9[%dma_wait3A_184, %dma_wait3A_185] : memref<79x128xi32, #tpu.memory_space<vmem>> -> memref<1x128xi32, #tpu.memory_space<vmem>>
            %dma_wait3A_187 = tpu.memref_squeeze %dma_wait3A_186 : memref<1x128xi32, #tpu.memory_space<vmem>> -> memref<128xi32, #tpu.memory_space<vmem>>
            %dma_wait3A_188 = arith.constant 0 : i32
            %dma_wait3A_189 = arith.constant 0 : i32
            %dma_wait3A_190 = tpu.memref_slice %arg7[%dma_wait3A_188, %dma_wait3A_189] : memref<10112x8xf32, #tpu.memory_space<vmem_shared>> -> memref<10112x8xf32, #tpu.memory_space<vmem_shared>>
            tpu.wait_indirect_dma semaphore(%arg21 : memref<!tpu.dma_semaphore, #tpu.memory_space<semaphore_mem>>) src(%arg13 : memref<128x8xf32, #tpu.memory_space<vmem>>) dst(%dma_wait3A_190 : memref<10112x8xf32, #tpu.memory_space<vmem_shared>>)
          } else {
          }
          %dma_start3A_178 = arith.constant 0 : i32
          %dma_start3A_179 = tpu.memref_slice %arg8[%sub3A_168, %dma_start3A_178] : memref<79x128xi32, #tpu.memory_space<vmem>> -> memref<1x128xi32, #tpu.memory_space<vmem>>
          %dma_start3A_180 = tpu.memref_squeeze %dma_start3A_179 : memref<1x128xi32, #tpu.memory_space<vmem>> -> memref<128xi32, #tpu.memory_space<vmem>>
          %dma_start3A_181 = arith.constant 0 : i32
          %dma_start3A_182 = arith.constant 0 : i32
          %dma_start3A_183 = tpu.memref_slice %arg2[%dma_start3A_181, %dma_start3A_182] : memref<10112x8xf32, #tpu.memory_space<hbm>> -> memref<10112x8xf32, #tpu.memory_space<hbm>>
          tpu.enqueue_indirect_dma source(%dma_start3A_183 : memref<10112x8xf32, #tpu.memory_space<hbm>>) target(%arg13 : memref<128x8xf32, #tpu.memory_space<vmem>>) offsets(%dma_start3A_180 : memref<128xi32, #tpu.memory_space<vmem>>) semaphore(%arg17 : memref<!tpu.dma_semaphore, #tpu.memory_space<semaphore_mem>>)
        } else {
        }
      } else {
      }
      %jit3A_91 = arith.constant 4 : i32
      %eq3A_92 = arith.constant 0 : i32
      %eq3A_93 = arith.cmpi eq, %jit3A_91, %eq3A_92 : i32
      %jit3A_94 = arith.constant 1 : i32
      %select_n3A_95 = arith.select %eq3A_93, %jit3A_94, %jit3A_91 : i32
      %rem3A_96 = arith.remsi %while3A_73, %select_n3A_95 : i32
      %ne3A_97 = arith.constant 0 : i32
      %ne3A_98 = arith.cmpi ne, %rem3A_96, %ne3A_97 : i32
      %lt3A_99 = arith.constant 0 : i32
      %lt3A_100 = arith.cmpi slt, %rem3A_96, %lt3A_99 : i32
      %lt3A_101 = arith.constant 0 : i32
      %lt3A_102 = arith.cmpi slt, %select_n3A_95, %lt3A_101 : i32
      %ne3A_103 = arith.xori %lt3A_100, %lt3A_102 : i1
      %and3A_104 = arith.andi %ne3A_103, %ne3A_98 : i1
      %add3A_105 = arith.addi %rem3A_96, %select_n3A_95 : i32
      %select_n3A_106 = arith.select %and3A_104, %add3A_105, %rem3A_96 : i32
      %eq3A_107 = arith.constant 1 : i32
      %eq3A_108 = arith.cmpi eq, %select_n3A_106, %eq3A_107 : i32
      %convert_element_type3A_109 = arith.extui %eq3A_108 : i1 to i32
      %cond3A_110 = arith.constant 0 : i32
      %cond3A_111 = arith.cmpi ne, %convert_element_type3A_109, %cond3A_110 : i32
      scf.if %cond3A_111 {
        %dma_wait3A_154 = arith.constant 0 : i32
        %dma_wait3A_155 = tpu.memref_slice %arg8[%while3A_73, %dma_wait3A_154] : memref<79x128xi32, #tpu.memory_space<vmem>> -> memref<1x128xi32, #tpu.memory_space<vmem>>
        %dma_wait3A_156 = tpu.memref_squeeze %dma_wait3A_155 : memref<1x128xi32, #tpu.memory_space<vmem>> -> memref<128xi32, #tpu.memory_space<vmem>>
        %dma_wait3A_157 = arith.constant 0 : i32
        %dma_wait3A_158 = arith.constant 0 : i32
        %dma_wait3A_159 = tpu.memref_slice %arg2[%dma_wait3A_157, %dma_wait3A_158] : memref<10112x8xf32, #tpu.memory_space<hbm>> -> memref<10112x8xf32, #tpu.memory_space<hbm>>
        tpu.wait_indirect_dma semaphore(%arg15 : memref<!tpu.dma_semaphore, #tpu.memory_space<semaphore_mem>>) src(%dma_wait3A_159 : memref<10112x8xf32, #tpu.memory_space<hbm>>) dst(%arg11 : memref<128x8xf32, #tpu.memory_space<vmem>>)
        %dma_start3A_160 = arith.constant 0 : i32
        %dma_start3A_161 = tpu.memref_slice %arg9[%while3A_73, %dma_start3A_160] : memref<79x128xi32, #tpu.memory_space<vmem>> -> memref<1x128xi32, #tpu.memory_space<vmem>>
        %dma_start3A_162 = tpu.memref_squeeze %dma_start3A_161 : memref<1x128xi32, #tpu.memory_space<vmem>> -> memref<128xi32, #tpu.memory_space<vmem>>
        %dma_start3A_163 = arith.constant 0 : i32
        %dma_start3A_164 = arith.constant 0 : i32
        %dma_start3A_165 = tpu.memref_slice %arg7[%dma_start3A_163, %dma_start3A_164] : memref<10112x8xf32, #tpu.memory_space<vmem_shared>> -> memref<10112x8xf32, #tpu.memory_space<vmem_shared>>
        tpu.enqueue_indirect_dma source(%arg11 : memref<128x8xf32, #tpu.memory_space<vmem>>) target(%dma_start3A_165 : memref<10112x8xf32, #tpu.memory_space<vmem_shared>>) offsets(%dma_start3A_162 : memref<128xi32, #tpu.memory_space<vmem>>) semaphore(%arg19 : memref<!tpu.dma_semaphore, #tpu.memory_space<semaphore_mem>>) {add = true}
        %add3A_166 = arith.constant 4 : i32
        %add3A_167 = arith.addi %while3A_73, %add3A_166 : i32
        %sub3A = arith.constant 1 : i32
        %sub3A_168 = arith.subi %add3A_167, %sub3A : i32
        %lt3A_169 = arith.cmpi slt, %sub3A_168, %select_n3A : i32
        %convert_element_type3A_170 = arith.extui %lt3A_169 : i1 to i32
        %cond3A_171 = arith.constant 0 : i32
        %cond3A_172 = arith.cmpi ne, %convert_element_type3A_170, %cond3A_171 : i32
        scf.if %cond3A_172 {
          %ge3A_173 = arith.constant 1 : i32
          %ge3A_174 = arith.cmpi sge, %while3A_73, %ge3A_173 : i32
          %convert_element_type3A_175 = arith.extui %ge3A_174 : i1 to i32
          %cond3A_176 = arith.constant 0 : i32
          %cond3A_177 = arith.cmpi ne, %convert_element_type3A_175, %cond3A_176 : i32
          scf.if %cond3A_177 {
            %dma_wait3A_184 = arith.constant 0 : i32
            %dma_wait3A_185 = arith.constant 0 : i32
            %dma_wait3A_186 = tpu.memref_slice %arg9[%dma_wait3A_184, %dma_wait3A_185] : memref<79x128xi32, #tpu.memory_space<vmem>> -> memref<1x128xi32, #tpu.memory_space<vmem>>
            %dma_wait3A_187 = tpu.memref_squeeze %dma_wait3A_186 : memref<1x128xi32, #tpu.memory_space<vmem>> -> memref<128xi32, #tpu.memory_space<vmem>>
            %dma_wait3A_188 = arith.constant 0 : i32
            %dma_wait3A_189 = arith.constant 0 : i32
            %dma_wait3A_190 = tpu.memref_slice %arg7[%dma_wait3A_188, %dma_wait3A_189] : memref<10112x8xf32, #tpu.memory_space<vmem_shared>> -> memref<10112x8xf32, #tpu.memory_space<vmem_shared>>
            tpu.wait_indirect_dma semaphore(%arg18 : memref<!tpu.dma_semaphore, #tpu.memory_space<semaphore_mem>>) src(%arg10 : memref<128x8xf32, #tpu.memory_space<vmem>>) dst(%dma_wait3A_190 : memref<10112x8xf32, #tpu.memory_space<vmem_shared>>)
          } else {
          }
          %dma_start3A_178 = arith.constant 0 : i32
          %dma_start3A_179 = tpu.memref_slice %arg8[%sub3A_168, %dma_start3A_178] : memref<79x128xi32, #tpu.memory_space<vmem>> -> memref<1x128xi32, #tpu.memory_space<vmem>>
          %dma_start3A_180 = tpu.memref_squeeze %dma_start3A_179 : memref<1x128xi32, #tpu.memory_space<vmem>> -> memref<128xi32, #tpu.memory_space<vmem>>
          %dma_start3A_181 = arith.constant 0 : i32
          %dma_start3A_182 = arith.constant 0 : i32
          %dma_start3A_183 = tpu.memref_slice %arg2[%dma_start3A_181, %dma_start3A_182] : memref<10112x8xf32, #tpu.memory_space<hbm>> -> memref<10112x8xf32, #tpu.memory_space<hbm>>
          tpu.enqueue_indirect_dma source(%dma_start3A_183 : memref<10112x8xf32, #tpu.memory_space<hbm>>) target(%arg10 : memref<128x8xf32, #tpu.memory_space<vmem>>) offsets(%dma_start3A_180 : memref<128xi32, #tpu.memory_space<vmem>>) semaphore(%arg14 : memref<!tpu.dma_semaphore, #tpu.memory_space<semaphore_mem>>)
        } else {
        }
      } else {
      }
      %jit3A_112 = arith.constant 4 : i32
      %eq3A_113 = arith.constant 0 : i32
      %eq3A_114 = arith.cmpi eq, %jit3A_112, %eq3A_113 : i32
      %jit3A_115 = arith.constant 1 : i32
      %select_n3A_116 = arith.select %eq3A_114, %jit3A_115, %jit3A_112 : i32
      %rem3A_117 = arith.remsi %while3A_73, %select_n3A_116 : i32
      %ne3A_118 = arith.constant 0 : i32
      %ne3A_119 = arith.cmpi ne, %rem3A_117, %ne3A_118 : i32
      %lt3A_120 = arith.constant 0 : i32
      %lt3A_121 = arith.cmpi slt, %rem3A_117, %lt3A_120 : i32
      %lt3A_122 = arith.constant 0 : i32
      %lt3A_123 = arith.cmpi slt, %select_n3A_116, %lt3A_122 : i32
      %ne3A_124 = arith.xori %lt3A_121, %lt3A_123 : i1
      %and3A_125 = arith.andi %ne3A_124, %ne3A_119 : i1
      %add3A_126 = arith.addi %rem3A_117, %select_n3A_116 : i32
      %select_n3A_127 = arith.select %and3A_125, %add3A_126, %rem3A_117 : i32
      %eq3A_128 = arith.constant 2 : i32
      %eq3A_129 = arith.cmpi eq, %select_n3A_127, %eq3A_128 : i32
      %convert_element_type3A_130 = arith.extui %eq3A_129 : i1 to i32
      %cond3A_131 = arith.constant 0 : i32
      %cond3A_132 = arith.cmpi ne, %convert_element_type3A_130, %cond3A_131 : i32
      scf.if %cond3A_132 {
        %dma_wait3A_154 = arith.constant 0 : i32
        %dma_wait3A_155 = tpu.memref_slice %arg8[%while3A_73, %dma_wait3A_154] : memref<79x128xi32, #tpu.memory_space<vmem>> -> memref<1x128xi32, #tpu.memory_space<vmem>>
        %dma_wait3A_156 = tpu.memref_squeeze %dma_wait3A_155 : memref<1x128xi32, #tpu.memory_space<vmem>> -> memref<128xi32, #tpu.memory_space<vmem>>
        %dma_wait3A_157 = arith.constant 0 : i32
        %dma_wait3A_158 = arith.constant 0 : i32
        %dma_wait3A_159 = tpu.memref_slice %arg2[%dma_wait3A_157, %dma_wait3A_158] : memref<10112x8xf32, #tpu.memory_space<hbm>> -> memref<10112x8xf32, #tpu.memory_space<hbm>>
        tpu.wait_indirect_dma semaphore(%arg16 : memref<!tpu.dma_semaphore, #tpu.memory_space<semaphore_mem>>) src(%dma_wait3A_159 : memref<10112x8xf32, #tpu.memory_space<hbm>>) dst(%arg12 : memref<128x8xf32, #tpu.memory_space<vmem>>)
        %dma_start3A_160 = arith.constant 0 : i32
        %dma_start3A_161 = tpu.memref_slice %arg9[%while3A_73, %dma_start3A_160] : memref<79x128xi32, #tpu.memory_space<vmem>> -> memref<1x128xi32, #tpu.memory_space<vmem>>
        %dma_start3A_162 = tpu.memref_squeeze %dma_start3A_161 : memref<1x128xi32, #tpu.memory_space<vmem>> -> memref<128xi32, #tpu.memory_space<vmem>>
        %dma_start3A_163 = arith.constant 0 : i32
        %dma_start3A_164 = arith.constant 0 : i32
        %dma_start3A_165 = tpu.memref_slice %arg7[%dma_start3A_163, %dma_start3A_164] : memref<10112x8xf32, #tpu.memory_space<vmem_shared>> -> memref<10112x8xf32, #tpu.memory_space<vmem_shared>>
        tpu.enqueue_indirect_dma source(%arg12 : memref<128x8xf32, #tpu.memory_space<vmem>>) target(%dma_start3A_165 : memref<10112x8xf32, #tpu.memory_space<vmem_shared>>) offsets(%dma_start3A_162 : memref<128xi32, #tpu.memory_space<vmem>>) semaphore(%arg20 : memref<!tpu.dma_semaphore, #tpu.memory_space<semaphore_mem>>) {add = true}
        %add3A_166 = arith.constant 4 : i32
        %add3A_167 = arith.addi %while3A_73, %add3A_166 : i32
        %sub3A = arith.constant 1 : i32
        %sub3A_168 = arith.subi %add3A_167, %sub3A : i32
        %lt3A_169 = arith.cmpi slt, %sub3A_168, %select_n3A : i32
        %convert_element_type3A_170 = arith.extui %lt3A_169 : i1 to i32
        %cond3A_171 = arith.constant 0 : i32
        %cond3A_172 = arith.cmpi ne, %convert_element_type3A_170, %cond3A_171 : i32
        scf.if %cond3A_172 {
          %ge3A_173 = arith.constant 1 : i32
          %ge3A_174 = arith.cmpi sge, %while3A_73, %ge3A_173 : i32
          %convert_element_type3A_175 = arith.extui %ge3A_174 : i1 to i32
          %cond3A_176 = arith.constant 0 : i32
          %cond3A_177 = arith.cmpi ne, %convert_element_type3A_175, %cond3A_176 : i32
          scf.if %cond3A_177 {
            %dma_wait3A_184 = arith.constant 0 : i32
            %dma_wait3A_185 = arith.constant 0 : i32
            %dma_wait3A_186 = tpu.memref_slice %arg9[%dma_wait3A_184, %dma_wait3A_185] : memref<79x128xi32, #tpu.memory_space<vmem>> -> memref<1x128xi32, #tpu.memory_space<vmem>>
            %dma_wait3A_187 = tpu.memref_squeeze %dma_wait3A_186 : memref<1x128xi32, #tpu.memory_space<vmem>> -> memref<128xi32, #tpu.memory_space<vmem>>
            %dma_wait3A_188 = arith.constant 0 : i32
            %dma_wait3A_189 = arith.constant 0 : i32
            %dma_wait3A_190 = tpu.memref_slice %arg7[%dma_wait3A_188, %dma_wait3A_189] : memref<10112x8xf32, #tpu.memory_space<vmem_shared>> -> memref<10112x8xf32, #tpu.memory_space<vmem_shared>>
            tpu.wait_indirect_dma semaphore(%arg19 : memref<!tpu.dma_semaphore, #tpu.memory_space<semaphore_mem>>) src(%arg11 : memref<128x8xf32, #tpu.memory_space<vmem>>) dst(%dma_wait3A_190 : memref<10112x8xf32, #tpu.memory_space<vmem_shared>>)
          } else {
          }
          %dma_start3A_178 = arith.constant 0 : i32
          %dma_start3A_179 = tpu.memref_slice %arg8[%sub3A_168, %dma_start3A_178] : memref<79x128xi32, #tpu.memory_space<vmem>> -> memref<1x128xi32, #tpu.memory_space<vmem>>
          %dma_start3A_180 = tpu.memref_squeeze %dma_start3A_179 : memref<1x128xi32, #tpu.memory_space<vmem>> -> memref<128xi32, #tpu.memory_space<vmem>>
          %dma_start3A_181 = arith.constant 0 : i32
          %dma_start3A_182 = arith.constant 0 : i32
          %dma_start3A_183 = tpu.memref_slice %arg2[%dma_start3A_181, %dma_start3A_182] : memref<10112x8xf32, #tpu.memory_space<hbm>> -> memref<10112x8xf32, #tpu.memory_space<hbm>>
          tpu.enqueue_indirect_dma source(%dma_start3A_183 : memref<10112x8xf32, #tpu.memory_space<hbm>>) target(%arg11 : memref<128x8xf32, #tpu.memory_space<vmem>>) offsets(%dma_start3A_180 : memref<128xi32, #tpu.memory_space<vmem>>) semaphore(%arg15 : memref<!tpu.dma_semaphore, #tpu.memory_space<semaphore_mem>>)
        } else {
        }
      } else {
      }
      %jit3A_133 = arith.constant 4 : i32
      %eq3A_134 = arith.constant 0 : i32
      %eq3A_135 = arith.cmpi eq, %jit3A_133, %eq3A_134 : i32
      %jit3A_136 = arith.constant 1 : i32
      %select_n3A_137 = arith.select %eq3A_135, %jit3A_136, %jit3A_133 : i32
      %rem3A_138 = arith.remsi %while3A_73, %select_n3A_137 : i32
      %ne3A_139 = arith.constant 0 : i32
      %ne3A_140 = arith.cmpi ne, %rem3A_138, %ne3A_139 : i32
      %lt3A_141 = arith.constant 0 : i32
      %lt3A_142 = arith.cmpi slt, %rem3A_138, %lt3A_141 : i32
      %lt3A_143 = arith.constant 0 : i32
      %lt3A_144 = arith.cmpi slt, %select_n3A_137, %lt3A_143 : i32
      %ne3A_145 = arith.xori %lt3A_142, %lt3A_144 : i1
      %and3A_146 = arith.andi %ne3A_145, %ne3A_140 : i1
      %add3A_147 = arith.addi %rem3A_138, %select_n3A_137 : i32
      %select_n3A_148 = arith.select %and3A_146, %add3A_147, %rem3A_138 : i32
      %eq3A_149 = arith.constant 3 : i32
      %eq3A_150 = arith.cmpi eq, %select_n3A_148, %eq3A_149 : i32
      %convert_element_type3A_151 = arith.extui %eq3A_150 : i1 to i32
      %cond3A_152 = arith.constant 0 : i32
      %cond3A_153 = arith.cmpi ne, %convert_element_type3A_151, %cond3A_152 : i32
      scf.if %cond3A_153 {
        %dma_wait3A_154 = arith.constant 0 : i32
        %dma_wait3A_155 = tpu.memref_slice %arg8[%while3A_73, %dma_wait3A_154] : memref<79x128xi32, #tpu.memory_space<vmem>> -> memref<1x128xi32, #tpu.memory_space<vmem>>
        %dma_wait3A_156 = tpu.memref_squeeze %dma_wait3A_155 : memref<1x128xi32, #tpu.memory_space<vmem>> -> memref<128xi32, #tpu.memory_space<vmem>>
        %dma_wait3A_157 = arith.constant 0 : i32
        %dma_wait3A_158 = arith.constant 0 : i32
        %dma_wait3A_159 = tpu.memref_slice %arg2[%dma_wait3A_157, %dma_wait3A_158] : memref<10112x8xf32, #tpu.memory_space<hbm>> -> memref<10112x8xf32, #tpu.memory_space<hbm>>
        tpu.wait_indirect_dma semaphore(%arg17 : memref<!tpu.dma_semaphore, #tpu.memory_space<semaphore_mem>>) src(%dma_wait3A_159 : memref<10112x8xf32, #tpu.memory_space<hbm>>) dst(%arg13 : memref<128x8xf32, #tpu.memory_space<vmem>>)
        %dma_start3A_160 = arith.constant 0 : i32
        %dma_start3A_161 = tpu.memref_slice %arg9[%while3A_73, %dma_start3A_160] : memref<79x128xi32, #tpu.memory_space<vmem>> -> memref<1x128xi32, #tpu.memory_space<vmem>>
        %dma_start3A_162 = tpu.memref_squeeze %dma_start3A_161 : memref<1x128xi32, #tpu.memory_space<vmem>> -> memref<128xi32, #tpu.memory_space<vmem>>
        %dma_start3A_163 = arith.constant 0 : i32
        %dma_start3A_164 = arith.constant 0 : i32
        %dma_start3A_165 = tpu.memref_slice %arg7[%dma_start3A_163, %dma_start3A_164] : memref<10112x8xf32, #tpu.memory_space<vmem_shared>> -> memref<10112x8xf32, #tpu.memory_space<vmem_shared>>
        tpu.enqueue_indirect_dma source(%arg13 : memref<128x8xf32, #tpu.memory_space<vmem>>) target(%dma_start3A_165 : memref<10112x8xf32, #tpu.memory_space<vmem_shared>>) offsets(%dma_start3A_162 : memref<128xi32, #tpu.memory_space<vmem>>) semaphore(%arg21 : memref<!tpu.dma_semaphore, #tpu.memory_space<semaphore_mem>>) {add = true}
        %add3A_166 = arith.constant 4 : i32
        %add3A_167 = arith.addi %while3A_73, %add3A_166 : i32
        %sub3A = arith.constant 1 : i32
        %sub3A_168 = arith.subi %add3A_167, %sub3A : i32
        %lt3A_169 = arith.cmpi slt, %sub3A_168, %select_n3A : i32
        %convert_element_type3A_170 = arith.extui %lt3A_169 : i1 to i32
        %cond3A_171 = arith.constant 0 : i32
        %cond3A_172 = arith.cmpi ne, %convert_element_type3A_170, %cond3A_171 : i32
        scf.if %cond3A_172 {
          %ge3A_173 = arith.constant 1 : i32
          %ge3A_174 = arith.cmpi sge, %while3A_73, %ge3A_173 : i32
          %convert_element_type3A_175 = arith.extui %ge3A_174 : i1 to i32
          %cond3A_176 = arith.constant 0 : i32
          %cond3A_177 = arith.cmpi ne, %convert_element_type3A_175, %cond3A_176 : i32
          scf.if %cond3A_177 {
            %dma_wait3A_184 = arith.constant 0 : i32
            %dma_wait3A_185 = arith.constant 0 : i32
            %dma_wait3A_186 = tpu.memref_slice %arg9[%dma_wait3A_184, %dma_wait3A_185] : memref<79x128xi32, #tpu.memory_space<vmem>> -> memref<1x128xi32, #tpu.memory_space<vmem>>
            %dma_wait3A_187 = tpu.memref_squeeze %dma_wait3A_186 : memref<1x128xi32, #tpu.memory_space<vmem>> -> memref<128xi32, #tpu.memory_space<vmem>>
            %dma_wait3A_188 = arith.constant 0 : i32
            %dma_wait3A_189 = arith.constant 0 : i32
            %dma_wait3A_190 = tpu.memref_slice %arg7[%dma_wait3A_188, %dma_wait3A_189] : memref<10112x8xf32, #tpu.memory_space<vmem_shared>> -> memref<10112x8xf32, #tpu.memory_space<vmem_shared>>
            tpu.wait_indirect_dma semaphore(%arg20 : memref<!tpu.dma_semaphore, #tpu.memory_space<semaphore_mem>>) src(%arg12 : memref<128x8xf32, #tpu.memory_space<vmem>>) dst(%dma_wait3A_190 : memref<10112x8xf32, #tpu.memory_space<vmem_shared>>)
          } else {
          }
          %dma_start3A_178 = arith.constant 0 : i32
          %dma_start3A_179 = tpu.memref_slice %arg8[%sub3A_168, %dma_start3A_178] : memref<79x128xi32, #tpu.memory_space<vmem>> -> memref<1x128xi32, #tpu.memory_space<vmem>>
          %dma_start3A_180 = tpu.memref_squeeze %dma_start3A_179 : memref<1x128xi32, #tpu.memory_space<vmem>> -> memref<128xi32, #tpu.memory_space<vmem>>
          %dma_start3A_181 = arith.constant 0 : i32
          %dma_start3A_182 = arith.constant 0 : i32
          %dma_start3A_183 = tpu.memref_slice %arg2[%dma_start3A_181, %dma_start3A_182] : memref<10112x8xf32, #tpu.memory_space<hbm>> -> memref<10112x8xf32, #tpu.memory_space<hbm>>
          tpu.enqueue_indirect_dma source(%dma_start3A_183 : memref<10112x8xf32, #tpu.memory_space<hbm>>) target(%arg12 : memref<128x8xf32, #tpu.memory_space<vmem>>) offsets(%dma_start3A_180 : memref<128xi32, #tpu.memory_space<vmem>>) semaphore(%arg16 : memref<!tpu.dma_semaphore, #tpu.memory_space<semaphore_mem>>)
        } else {
        }
      } else {
      }
    }
    %while3A_44 = arith.constant 1 : i32
    scf.for %while3A_73 = %while3A_42 to %while3A_38 step %while3A_44  : i32 {
      %jit3A_74 = arith.constant 4 : i32
      %eq3A = arith.constant 0 : i32
      %eq3A_75 = arith.cmpi eq, %jit3A_74, %eq3A : i32
      %jit3A_76 = arith.constant 1 : i32
      %select_n3A_77 = arith.select %eq3A_75, %jit3A_76, %jit3A_74 : i32
      %rem3A = arith.remsi %while3A_73, %select_n3A_77 : i32
      %ne3A = arith.constant 0 : i32
      %ne3A_78 = arith.cmpi ne, %rem3A, %ne3A : i32
      %lt3A_79 = arith.constant 0 : i32
      %lt3A_80 = arith.cmpi slt, %rem3A, %lt3A_79 : i32
      %lt3A_81 = arith.constant 0 : i32
      %lt3A_82 = arith.cmpi slt, %select_n3A_77, %lt3A_81 : i32
      %ne3A_83 = arith.xori %lt3A_80, %lt3A_82 : i1
      %and3A = arith.andi %ne3A_83, %ne3A_78 : i1
      %add3A_84 = arith.addi %rem3A, %select_n3A_77 : i32
      %select_n3A_85 = arith.select %and3A, %add3A_84, %rem3A : i32
      %eq3A_86 = arith.constant 0 : i32
      %eq3A_87 = arith.cmpi eq, %select_n3A_85, %eq3A_86 : i32
      %convert_element_type3A_88 = arith.extui %eq3A_87 : i1 to i32
      %cond3A_89 = arith.constant 0 : i32
      %cond3A_90 = arith.cmpi ne, %convert_element_type3A_88, %cond3A_89 : i32
      scf.if %cond3A_90 {
        %dma_wait3A_154 = arith.constant 0 : i32
        %dma_wait3A_155 = tpu.memref_slice %arg8[%while3A_73, %dma_wait3A_154] : memref<79x128xi32, #tpu.memory_space<vmem>> -> memref<1x128xi32, #tpu.memory_space<vmem>>
        %dma_wait3A_156 = tpu.memref_squeeze %dma_wait3A_155 : memref<1x128xi32, #tpu.memory_space<vmem>> -> memref<128xi32, #tpu.memory_space<vmem>>
        %dma_wait3A_157 = arith.constant 0 : i32
        %dma_wait3A_158 = arith.constant 0 : i32
        %dma_wait3A_159 = tpu.memref_slice %arg2[%dma_wait3A_157, %dma_wait3A_158] : memref<10112x8xf32, #tpu.memory_space<hbm>> -> memref<10112x8xf32, #tpu.memory_space<hbm>>
        tpu.wait_indirect_dma semaphore(%arg14 : memref<!tpu.dma_semaphore, #tpu.memory_space<semaphore_mem>>) src(%dma_wait3A_159 : memref<10112x8xf32, #tpu.memory_space<hbm>>) dst(%arg10 : memref<128x8xf32, #tpu.memory_space<vmem>>)
        %dma_start3A_160 = arith.constant 0 : i32
        %dma_start3A_161 = tpu.memref_slice %arg9[%while3A_73, %dma_start3A_160] : memref<79x128xi32, #tpu.memory_space<vmem>> -> memref<1x128xi32, #tpu.memory_space<vmem>>
        %dma_start3A_162 = tpu.memref_squeeze %dma_start3A_161 : memref<1x128xi32, #tpu.memory_space<vmem>> -> memref<128xi32, #tpu.memory_space<vmem>>
        %dma_start3A_163 = arith.constant 0 : i32
        %dma_start3A_164 = arith.constant 0 : i32
        %dma_start3A_165 = tpu.memref_slice %arg7[%dma_start3A_163, %dma_start3A_164] : memref<10112x8xf32, #tpu.memory_space<vmem_shared>> -> memref<10112x8xf32, #tpu.memory_space<vmem_shared>>
        tpu.enqueue_indirect_dma source(%arg10 : memref<128x8xf32, #tpu.memory_space<vmem>>) target(%dma_start3A_165 : memref<10112x8xf32, #tpu.memory_space<vmem_shared>>) offsets(%dma_start3A_162 : memref<128xi32, #tpu.memory_space<vmem>>) semaphore(%arg18 : memref<!tpu.dma_semaphore, #tpu.memory_space<semaphore_mem>>) {add = true}
        %add3A_166 = arith.constant 4 : i32
        %add3A_167 = arith.addi %while3A_73, %add3A_166 : i32
        %sub3A = arith.constant 1 : i32
        %sub3A_168 = arith.subi %add3A_167, %sub3A : i32
        %lt3A_169 = arith.cmpi slt, %sub3A_168, %select_n3A : i32
        %convert_element_type3A_170 = arith.extui %lt3A_169 : i1 to i32
        %cond3A_171 = arith.constant 0 : i32
        %cond3A_172 = arith.cmpi ne, %convert_element_type3A_170, %cond3A_171 : i32
        scf.if %cond3A_172 {
          %ge3A_173 = arith.constant 1 : i32
          %ge3A_174 = arith.cmpi sge, %while3A_73, %ge3A_173 : i32
          %convert_element_type3A_175 = arith.extui %ge3A_174 : i1 to i32
          %cond3A_176 = arith.constant 0 : i32
          %cond3A_177 = arith.cmpi ne, %convert_element_type3A_175, %cond3A_176 : i32
          scf.if %cond3A_177 {
            %dma_wait3A_184 = arith.constant 0 : i32
            %dma_wait3A_185 = arith.constant 0 : i32
            %dma_wait3A_186 = tpu.memref_slice %arg9[%dma_wait3A_184, %dma_wait3A_185] : memref<79x128xi32, #tpu.memory_space<vmem>> -> memref<1x128xi32, #tpu.memory_space<vmem>>
            %dma_wait3A_187 = tpu.memref_squeeze %dma_wait3A_186 : memref<1x128xi32, #tpu.memory_space<vmem>> -> memref<128xi32, #tpu.memory_space<vmem>>
            %dma_wait3A_188 = arith.constant 0 : i32
            %dma_wait3A_189 = arith.constant 0 : i32
            %dma_wait3A_190 = tpu.memref_slice %arg7[%dma_wait3A_188, %dma_wait3A_189] : memref<10112x8xf32, #tpu.memory_space<vmem_shared>> -> memref<10112x8xf32, #tpu.memory_space<vmem_shared>>
            tpu.wait_indirect_dma semaphore(%arg21 : memref<!tpu.dma_semaphore, #tpu.memory_space<semaphore_mem>>) src(%arg13 : memref<128x8xf32, #tpu.memory_space<vmem>>) dst(%dma_wait3A_190 : memref<10112x8xf32, #tpu.memory_space<vmem_shared>>)
          } else {
          }
          %dma_start3A_178 = arith.constant 0 : i32
          %dma_start3A_179 = tpu.memref_slice %arg8[%sub3A_168, %dma_start3A_178] : memref<79x128xi32, #tpu.memory_space<vmem>> -> memref<1x128xi32, #tpu.memory_space<vmem>>
          %dma_start3A_180 = tpu.memref_squeeze %dma_start3A_179 : memref<1x128xi32, #tpu.memory_space<vmem>> -> memref<128xi32, #tpu.memory_space<vmem>>
          %dma_start3A_181 = arith.constant 0 : i32
          %dma_start3A_182 = arith.constant 0 : i32
          %dma_start3A_183 = tpu.memref_slice %arg2[%dma_start3A_181, %dma_start3A_182] : memref<10112x8xf32, #tpu.memory_space<hbm>> -> memref<10112x8xf32, #tpu.memory_space<hbm>>
          tpu.enqueue_indirect_dma source(%dma_start3A_183 : memref<10112x8xf32, #tpu.memory_space<hbm>>) target(%arg13 : memref<128x8xf32, #tpu.memory_space<vmem>>) offsets(%dma_start3A_180 : memref<128xi32, #tpu.memory_space<vmem>>) semaphore(%arg17 : memref<!tpu.dma_semaphore, #tpu.memory_space<semaphore_mem>>)
        } else {
        }
      } else {
      }
      %jit3A_91 = arith.constant 4 : i32
      %eq3A_92 = arith.constant 0 : i32
      %eq3A_93 = arith.cmpi eq, %jit3A_91, %eq3A_92 : i32
      %jit3A_94 = arith.constant 1 : i32
      %select_n3A_95 = arith.select %eq3A_93, %jit3A_94, %jit3A_91 : i32
      %rem3A_96 = arith.remsi %while3A_73, %select_n3A_95 : i32
      %ne3A_97 = arith.constant 0 : i32
      %ne3A_98 = arith.cmpi ne, %rem3A_96, %ne3A_97 : i32
      %lt3A_99 = arith.constant 0 : i32
      %lt3A_100 = arith.cmpi slt, %rem3A_96, %lt3A_99 : i32
      %lt3A_101 = arith.constant 0 : i32
      %lt3A_102 = arith.cmpi slt, %select_n3A_95, %lt3A_101 : i32
      %ne3A_103 = arith.xori %lt3A_100, %lt3A_102 : i1
      %and3A_104 = arith.andi %ne3A_103, %ne3A_98 : i1
      %add3A_105 = arith.addi %rem3A_96, %select_n3A_95 : i32
      %select_n3A_106 = arith.select %and3A_104, %add3A_105, %rem3A_96 : i32
      %eq3A_107 = arith.constant 1 : i32
      %eq3A_108 = arith.cmpi eq, %select_n3A_106, %eq3A_107 : i32
      %convert_element_type3A_109 = arith.extui %eq3A_108 : i1 to i32
      %cond3A_110 = arith.constant 0 : i32
      %cond3A_111 = arith.cmpi ne, %convert_element_type3A_109, %cond3A_110 : i32
      scf.if %cond3A_111 {
        %dma_wait3A_154 = arith.constant 0 : i32
        %dma_wait3A_155 = tpu.memref_slice %arg8[%while3A_73, %dma_wait3A_154] : memref<79x128xi32, #tpu.memory_space<vmem>> -> memref<1x128xi32, #tpu.memory_space<vmem>>
        %dma_wait3A_156 = tpu.memref_squeeze %dma_wait3A_155 : memref<1x128xi32, #tpu.memory_space<vmem>> -> memref<128xi32, #tpu.memory_space<vmem>>
        %dma_wait3A_157 = arith.constant 0 : i32
        %dma_wait3A_158 = arith.constant 0 : i32
        %dma_wait3A_159 = tpu.memref_slice %arg2[%dma_wait3A_157, %dma_wait3A_158] : memref<10112x8xf32, #tpu.memory_space<hbm>> -> memref<10112x8xf32, #tpu.memory_space<hbm>>
        tpu.wait_indirect_dma semaphore(%arg15 : memref<!tpu.dma_semaphore, #tpu.memory_space<semaphore_mem>>) src(%dma_wait3A_159 : memref<10112x8xf32, #tpu.memory_space<hbm>>) dst(%arg11 : memref<128x8xf32, #tpu.memory_space<vmem>>)
        %dma_start3A_160 = arith.constant 0 : i32
        %dma_start3A_161 = tpu.memref_slice %arg9[%while3A_73, %dma_start3A_160] : memref<79x128xi32, #tpu.memory_space<vmem>> -> memref<1x128xi32, #tpu.memory_space<vmem>>
        %dma_start3A_162 = tpu.memref_squeeze %dma_start3A_161 : memref<1x128xi32, #tpu.memory_space<vmem>> -> memref<128xi32, #tpu.memory_space<vmem>>
        %dma_start3A_163 = arith.constant 0 : i32
        %dma_start3A_164 = arith.constant 0 : i32
        %dma_start3A_165 = tpu.memref_slice %arg7[%dma_start3A_163, %dma_start3A_164] : memref<10112x8xf32, #tpu.memory_space<vmem_shared>> -> memref<10112x8xf32, #tpu.memory_space<vmem_shared>>
        tpu.enqueue_indirect_dma source(%arg11 : memref<128x8xf32, #tpu.memory_space<vmem>>) target(%dma_start3A_165 : memref<10112x8xf32, #tpu.memory_space<vmem_shared>>) offsets(%dma_start3A_162 : memref<128xi32, #tpu.memory_space<vmem>>) semaphore(%arg19 : memref<!tpu.dma_semaphore, #tpu.memory_space<semaphore_mem>>) {add = true}
        %add3A_166 = arith.constant 4 : i32
        %add3A_167 = arith.addi %while3A_73, %add3A_166 : i32
        %sub3A = arith.constant 1 : i32
        %sub3A_168 = arith.subi %add3A_167, %sub3A : i32
        %lt3A_169 = arith.cmpi slt, %sub3A_168, %select_n3A : i32
        %convert_element_type3A_170 = arith.extui %lt3A_169 : i1 to i32
        %cond3A_171 = arith.constant 0 : i32
        %cond3A_172 = arith.cmpi ne, %convert_element_type3A_170, %cond3A_171 : i32
        scf.if %cond3A_172 {
          %ge3A_173 = arith.constant 1 : i32
          %ge3A_174 = arith.cmpi sge, %while3A_73, %ge3A_173 : i32
          %convert_element_type3A_175 = arith.extui %ge3A_174 : i1 to i32
          %cond3A_176 = arith.constant 0 : i32
          %cond3A_177 = arith.cmpi ne, %convert_element_type3A_175, %cond3A_176 : i32
          scf.if %cond3A_177 {
            %dma_wait3A_184 = arith.constant 0 : i32
            %dma_wait3A_185 = arith.constant 0 : i32
            %dma_wait3A_186 = tpu.memref_slice %arg9[%dma_wait3A_184, %dma_wait3A_185] : memref<79x128xi32, #tpu.memory_space<vmem>> -> memref<1x128xi32, #tpu.memory_space<vmem>>
            %dma_wait3A_187 = tpu.memref_squeeze %dma_wait3A_186 : memref<1x128xi32, #tpu.memory_space<vmem>> -> memref<128xi32, #tpu.memory_space<vmem>>
            %dma_wait3A_188 = arith.constant 0 : i32
            %dma_wait3A_189 = arith.constant 0 : i32
            %dma_wait3A_190 = tpu.memref_slice %arg7[%dma_wait3A_188, %dma_wait3A_189] : memref<10112x8xf32, #tpu.memory_space<vmem_shared>> -> memref<10112x8xf32, #tpu.memory_space<vmem_shared>>
            tpu.wait_indirect_dma semaphore(%arg18 : memref<!tpu.dma_semaphore, #tpu.memory_space<semaphore_mem>>) src(%arg10 : memref<128x8xf32, #tpu.memory_space<vmem>>) dst(%dma_wait3A_190 : memref<10112x8xf32, #tpu.memory_space<vmem_shared>>)
          } else {
          }
          %dma_start3A_178 = arith.constant 0 : i32
          %dma_start3A_179 = tpu.memref_slice %arg8[%sub3A_168, %dma_start3A_178] : memref<79x128xi32, #tpu.memory_space<vmem>> -> memref<1x128xi32, #tpu.memory_space<vmem>>
          %dma_start3A_180 = tpu.memref_squeeze %dma_start3A_179 : memref<1x128xi32, #tpu.memory_space<vmem>> -> memref<128xi32, #tpu.memory_space<vmem>>
          %dma_start3A_181 = arith.constant 0 : i32
          %dma_start3A_182 = arith.constant 0 : i32
          %dma_start3A_183 = tpu.memref_slice %arg2[%dma_start3A_181, %dma_start3A_182] : memref<10112x8xf32, #tpu.memory_space<hbm>> -> memref<10112x8xf32, #tpu.memory_space<hbm>>
          tpu.enqueue_indirect_dma source(%dma_start3A_183 : memref<10112x8xf32, #tpu.memory_space<hbm>>) target(%arg10 : memref<128x8xf32, #tpu.memory_space<vmem>>) offsets(%dma_start3A_180 : memref<128xi32, #tpu.memory_space<vmem>>) semaphore(%arg14 : memref<!tpu.dma_semaphore, #tpu.memory_space<semaphore_mem>>)
        } else {
        }
      } else {
      }
      %jit3A_112 = arith.constant 4 : i32
      %eq3A_113 = arith.constant 0 : i32
      %eq3A_114 = arith.cmpi eq, %jit3A_112, %eq3A_113 : i32
      %jit3A_115 = arith.constant 1 : i32
      %select_n3A_116 = arith.select %eq3A_114, %jit3A_115, %jit3A_112 : i32
      %rem3A_117 = arith.remsi %while3A_73, %select_n3A_116 : i32
      %ne3A_118 = arith.constant 0 : i32
      %ne3A_119 = arith.cmpi ne, %rem3A_117, %ne3A_118 : i32
      %lt3A_120 = arith.constant 0 : i32
      %lt3A_121 = arith.cmpi slt, %rem3A_117, %lt3A_120 : i32
      %lt3A_122 = arith.constant 0 : i32
      %lt3A_123 = arith.cmpi slt, %select_n3A_116, %lt3A_122 : i32
      %ne3A_124 = arith.xori %lt3A_121, %lt3A_123 : i1
      %and3A_125 = arith.andi %ne3A_124, %ne3A_119 : i1
      %add3A_126 = arith.addi %rem3A_117, %select_n3A_116 : i32
      %select_n3A_127 = arith.select %and3A_125, %add3A_126, %rem3A_117 : i32
      %eq3A_128 = arith.constant 2 : i32
      %eq3A_129 = arith.cmpi eq, %select_n3A_127, %eq3A_128 : i32
      %convert_element_type3A_130 = arith.extui %eq3A_129 : i1 to i32
      %cond3A_131 = arith.constant 0 : i32
      %cond3A_132 = arith.cmpi ne, %convert_element_type3A_130, %cond3A_131 : i32
      scf.if %cond3A_132 {
        %dma_wait3A_154 = arith.constant 0 : i32
        %dma_wait3A_155 = tpu.memref_slice %arg8[%while3A_73, %dma_wait3A_154] : memref<79x128xi32, #tpu.memory_space<vmem>> -> memref<1x128xi32, #tpu.memory_space<vmem>>
        %dma_wait3A_156 = tpu.memref_squeeze %dma_wait3A_155 : memref<1x128xi32, #tpu.memory_space<vmem>> -> memref<128xi32, #tpu.memory_space<vmem>>
        %dma_wait3A_157 = arith.constant 0 : i32
        %dma_wait3A_158 = arith.constant 0 : i32
        %dma_wait3A_159 = tpu.memref_slice %arg2[%dma_wait3A_157, %dma_wait3A_158] : memref<10112x8xf32, #tpu.memory_space<hbm>> -> memref<10112x8xf32, #tpu.memory_space<hbm>>
        tpu.wait_indirect_dma semaphore(%arg16 : memref<!tpu.dma_semaphore, #tpu.memory_space<semaphore_mem>>) src(%dma_wait3A_159 : memref<10112x8xf32, #tpu.memory_space<hbm>>) dst(%arg12 : memref<128x8xf32, #tpu.memory_space<vmem>>)
        %dma_start3A_160 = arith.constant 0 : i32
        %dma_start3A_161 = tpu.memref_slice %arg9[%while3A_73, %dma_start3A_160] : memref<79x128xi32, #tpu.memory_space<vmem>> -> memref<1x128xi32, #tpu.memory_space<vmem>>
        %dma_start3A_162 = tpu.memref_squeeze %dma_start3A_161 : memref<1x128xi32, #tpu.memory_space<vmem>> -> memref<128xi32, #tpu.memory_space<vmem>>
        %dma_start3A_163 = arith.constant 0 : i32
        %dma_start3A_164 = arith.constant 0 : i32
        %dma_start3A_165 = tpu.memref_slice %arg7[%dma_start3A_163, %dma_start3A_164] : memref<10112x8xf32, #tpu.memory_space<vmem_shared>> -> memref<10112x8xf32, #tpu.memory_space<vmem_shared>>
        tpu.enqueue_indirect_dma source(%arg12 : memref<128x8xf32, #tpu.memory_space<vmem>>) target(%dma_start3A_165 : memref<10112x8xf32, #tpu.memory_space<vmem_shared>>) offsets(%dma_start3A_162 : memref<128xi32, #tpu.memory_space<vmem>>) semaphore(%arg20 : memref<!tpu.dma_semaphore, #tpu.memory_space<semaphore_mem>>) {add = true}
        %add3A_166 = arith.constant 4 : i32
        %add3A_167 = arith.addi %while3A_73, %add3A_166 : i32
        %sub3A = arith.constant 1 : i32
        %sub3A_168 = arith.subi %add3A_167, %sub3A : i32
        %lt3A_169 = arith.cmpi slt, %sub3A_168, %select_n3A : i32
        %convert_element_type3A_170 = arith.extui %lt3A_169 : i1 to i32
        %cond3A_171 = arith.constant 0 : i32
        %cond3A_172 = arith.cmpi ne, %convert_element_type3A_170, %cond3A_171 : i32
        scf.if %cond3A_172 {
          %ge3A_173 = arith.constant 1 : i32
          %ge3A_174 = arith.cmpi sge, %while3A_73, %ge3A_173 : i32
          %convert_element_type3A_175 = arith.extui %ge3A_174 : i1 to i32
          %cond3A_176 = arith.constant 0 : i32
          %cond3A_177 = arith.cmpi ne, %convert_element_type3A_175, %cond3A_176 : i32
          scf.if %cond3A_177 {
            %dma_wait3A_184 = arith.constant 0 : i32
            %dma_wait3A_185 = arith.constant 0 : i32
            %dma_wait3A_186 = tpu.memref_slice %arg9[%dma_wait3A_184, %dma_wait3A_185] : memref<79x128xi32, #tpu.memory_space<vmem>> -> memref<1x128xi32, #tpu.memory_space<vmem>>
            %dma_wait3A_187 = tpu.memref_squeeze %dma_wait3A_186 : memref<1x128xi32, #tpu.memory_space<vmem>> -> memref<128xi32, #tpu.memory_space<vmem>>
            %dma_wait3A_188 = arith.constant 0 : i32
            %dma_wait3A_189 = arith.constant 0 : i32
            %dma_wait3A_190 = tpu.memref_slice %arg7[%dma_wait3A_188, %dma_wait3A_189] : memref<10112x8xf32, #tpu.memory_space<vmem_shared>> -> memref<10112x8xf32, #tpu.memory_space<vmem_shared>>
            tpu.wait_indirect_dma semaphore(%arg19 : memref<!tpu.dma_semaphore, #tpu.memory_space<semaphore_mem>>) src(%arg11 : memref<128x8xf32, #tpu.memory_space<vmem>>) dst(%dma_wait3A_190 : memref<10112x8xf32, #tpu.memory_space<vmem_shared>>)
          } else {
          }
          %dma_start3A_178 = arith.constant 0 : i32
          %dma_start3A_179 = tpu.memref_slice %arg8[%sub3A_168, %dma_start3A_178] : memref<79x128xi32, #tpu.memory_space<vmem>> -> memref<1x128xi32, #tpu.memory_space<vmem>>
          %dma_start3A_180 = tpu.memref_squeeze %dma_start3A_179 : memref<1x128xi32, #tpu.memory_space<vmem>> -> memref<128xi32, #tpu.memory_space<vmem>>
          %dma_start3A_181 = arith.constant 0 : i32
          %dma_start3A_182 = arith.constant 0 : i32
          %dma_start3A_183 = tpu.memref_slice %arg2[%dma_start3A_181, %dma_start3A_182] : memref<10112x8xf32, #tpu.memory_space<hbm>> -> memref<10112x8xf32, #tpu.memory_space<hbm>>
          tpu.enqueue_indirect_dma source(%dma_start3A_183 : memref<10112x8xf32, #tpu.memory_space<hbm>>) target(%arg11 : memref<128x8xf32, #tpu.memory_space<vmem>>) offsets(%dma_start3A_180 : memref<128xi32, #tpu.memory_space<vmem>>) semaphore(%arg15 : memref<!tpu.dma_semaphore, #tpu.memory_space<semaphore_mem>>)
        } else {
        }
      } else {
      }
      %jit3A_133 = arith.constant 4 : i32
      %eq3A_134 = arith.constant 0 : i32
      %eq3A_135 = arith.cmpi eq, %jit3A_133, %eq3A_134 : i32
      %jit3A_136 = arith.constant 1 : i32
      %select_n3A_137 = arith.select %eq3A_135, %jit3A_136, %jit3A_133 : i32
      %rem3A_138 = arith.remsi %while3A_73, %select_n3A_137 : i32
      %ne3A_139 = arith.constant 0 : i32
      %ne3A_140 = arith.cmpi ne, %rem3A_138, %ne3A_139 : i32
      %lt3A_141 = arith.constant 0 : i32
      %lt3A_142 = arith.cmpi slt, %rem3A_138, %lt3A_141 : i32
      %lt3A_143 = arith.constant 0 : i32
      %lt3A_144 = arith.cmpi slt, %select_n3A_137, %lt3A_143 : i32
      %ne3A_145 = arith.xori %lt3A_142, %lt3A_144 : i1
      %and3A_146 = arith.andi %ne3A_145, %ne3A_140 : i1
      %add3A_147 = arith.addi %rem3A_138, %select_n3A_137 : i32
      %select_n3A_148 = arith.select %and3A_146, %add3A_147, %rem3A_138 : i32
      %eq3A_149 = arith.constant 3 : i32
      %eq3A_150 = arith.cmpi eq, %select_n3A_148, %eq3A_149 : i32
      %convert_element_type3A_151 = arith.extui %eq3A_150 : i1 to i32
      %cond3A_152 = arith.constant 0 : i32
      %cond3A_153 = arith.cmpi ne, %convert_element_type3A_151, %cond3A_152 : i32
      scf.if %cond3A_153 {
        %dma_wait3A_154 = arith.constant 0 : i32
        %dma_wait3A_155 = tpu.memref_slice %arg8[%while3A_73, %dma_wait3A_154] : memref<79x128xi32, #tpu.memory_space<vmem>> -> memref<1x128xi32, #tpu.memory_space<vmem>>
        %dma_wait3A_156 = tpu.memref_squeeze %dma_wait3A_155 : memref<1x128xi32, #tpu.memory_space<vmem>> -> memref<128xi32, #tpu.memory_space<vmem>>
        %dma_wait3A_157 = arith.constant 0 : i32
        %dma_wait3A_158 = arith.constant 0 : i32
        %dma_wait3A_159 = tpu.memref_slice %arg2[%dma_wait3A_157, %dma_wait3A_158] : memref<10112x8xf32, #tpu.memory_space<hbm>> -> memref<10112x8xf32, #tpu.memory_space<hbm>>
        tpu.wait_indirect_dma semaphore(%arg17 : memref<!tpu.dma_semaphore, #tpu.memory_space<semaphore_mem>>) src(%dma_wait3A_159 : memref<10112x8xf32, #tpu.memory_space<hbm>>) dst(%arg13 : memref<128x8xf32, #tpu.memory_space<vmem>>)
        %dma_start3A_160 = arith.constant 0 : i32
        %dma_start3A_161 = tpu.memref_slice %arg9[%while3A_73, %dma_start3A_160] : memref<79x128xi32, #tpu.memory_space<vmem>> -> memref<1x128xi32, #tpu.memory_space<vmem>>
        %dma_start3A_162 = tpu.memref_squeeze %dma_start3A_161 : memref<1x128xi32, #tpu.memory_space<vmem>> -> memref<128xi32, #tpu.memory_space<vmem>>
        %dma_start3A_163 = arith.constant 0 : i32
        %dma_start3A_164 = arith.constant 0 : i32
        %dma_start3A_165 = tpu.memref_slice %arg7[%dma_start3A_163, %dma_start3A_164] : memref<10112x8xf32, #tpu.memory_space<vmem_shared>> -> memref<10112x8xf32, #tpu.memory_space<vmem_shared>>
        tpu.enqueue_indirect_dma source(%arg13 : memref<128x8xf32, #tpu.memory_space<vmem>>) target(%dma_start3A_165 : memref<10112x8xf32, #tpu.memory_space<vmem_shared>>) offsets(%dma_start3A_162 : memref<128xi32, #tpu.memory_space<vmem>>) semaphore(%arg21 : memref<!tpu.dma_semaphore, #tpu.memory_space<semaphore_mem>>) {add = true}
        %add3A_166 = arith.constant 4 : i32
        %add3A_167 = arith.addi %while3A_73, %add3A_166 : i32
        %sub3A = arith.constant 1 : i32
        %sub3A_168 = arith.subi %add3A_167, %sub3A : i32
        %lt3A_169 = arith.cmpi slt, %sub3A_168, %select_n3A : i32
        %convert_element_type3A_170 = arith.extui %lt3A_169 : i1 to i32
        %cond3A_171 = arith.constant 0 : i32
        %cond3A_172 = arith.cmpi ne, %convert_element_type3A_170, %cond3A_171 : i32
        scf.if %cond3A_172 {
          %ge3A_173 = arith.constant 1 : i32
          %ge3A_174 = arith.cmpi sge, %while3A_73, %ge3A_173 : i32
          %convert_element_type3A_175 = arith.extui %ge3A_174 : i1 to i32
          %cond3A_176 = arith.constant 0 : i32
          %cond3A_177 = arith.cmpi ne, %convert_element_type3A_175, %cond3A_176 : i32
          scf.if %cond3A_177 {
            %dma_wait3A_184 = arith.constant 0 : i32
            %dma_wait3A_185 = arith.constant 0 : i32
            %dma_wait3A_186 = tpu.memref_slice %arg9[%dma_wait3A_184, %dma_wait3A_185] : memref<79x128xi32, #tpu.memory_space<vmem>> -> memref<1x128xi32, #tpu.memory_space<vmem>>
            %dma_wait3A_187 = tpu.memref_squeeze %dma_wait3A_186 : memref<1x128xi32, #tpu.memory_space<vmem>> -> memref<128xi32, #tpu.memory_space<vmem>>
            %dma_wait3A_188 = arith.constant 0 : i32
            %dma_wait3A_189 = arith.constant 0 : i32
            %dma_wait3A_190 = tpu.memref_slice %arg7[%dma_wait3A_188, %dma_wait3A_189] : memref<10112x8xf32, #tpu.memory_space<vmem_shared>> -> memref<10112x8xf32, #tpu.memory_space<vmem_shared>>
            tpu.wait_indirect_dma semaphore(%arg20 : memref<!tpu.dma_semaphore, #tpu.memory_space<semaphore_mem>>) src(%arg12 : memref<128x8xf32, #tpu.memory_space<vmem>>) dst(%dma_wait3A_190 : memref<10112x8xf32, #tpu.memory_space<vmem_shared>>)
          } else {
          }
          %dma_start3A_178 = arith.constant 0 : i32
          %dma_start3A_179 = tpu.memref_slice %arg8[%sub3A_168, %dma_start3A_178] : memref<79x128xi32, #tpu.memory_space<vmem>> -> memref<1x128xi32, #tpu.memory_space<vmem>>
          %dma_start3A_180 = tpu.memref_squeeze %dma_start3A_179 : memref<1x128xi32, #tpu.memory_space<vmem>> -> memref<128xi32, #tpu.memory_space<vmem>>
          %dma_start3A_181 = arith.constant 0 : i32
          %dma_start3A_182 = arith.constant 0 : i32
          %dma_start3A_183 = tpu.memref_slice %arg2[%dma_start3A_181, %dma_start3A_182] : memref<10112x8xf32, #tpu.memory_space<hbm>> -> memref<10112x8xf32, #tpu.memory_space<hbm>>
          tpu.enqueue_indirect_dma source(%dma_start3A_183 : memref<10112x8xf32, #tpu.memory_space<hbm>>) target(%arg12 : memref<128x8xf32, #tpu.memory_space<vmem>>) offsets(%dma_start3A_180 : memref<128xi32, #tpu.memory_space<vmem>>) semaphore(%arg16 : memref<!tpu.dma_semaphore, #tpu.memory_space<semaphore_mem>>)
        } else {
        }
      } else {
      }
    }
    %dma_wait3A = arith.constant 0 : i32
    %dma_wait3A_45 = arith.constant 0 : i32
    %dma_wait3A_46 = tpu.memref_slice %arg9[%dma_wait3A, %dma_wait3A_45] : memref<79x128xi32, #tpu.memory_space<vmem>> -> memref<1x128xi32, #tpu.memory_space<vmem>>
    %dma_wait3A_47 = tpu.memref_squeeze %dma_wait3A_46 : memref<1x128xi32, #tpu.memory_space<vmem>> -> memref<128xi32, #tpu.memory_space<vmem>>
    %dma_wait3A_48 = arith.constant 0 : i32
    %dma_wait3A_49 = arith.constant 0 : i32
    %dma_wait3A_50 = tpu.memref_slice %arg7[%dma_wait3A_48, %dma_wait3A_49] : memref<10112x8xf32, #tpu.memory_space<vmem_shared>> -> memref<10112x8xf32, #tpu.memory_space<vmem_shared>>
    tpu.wait_indirect_dma semaphore(%arg18 : memref<!tpu.dma_semaphore, #tpu.memory_space<semaphore_mem>>) src(%arg10 : memref<128x8xf32, #tpu.memory_space<vmem>>) dst(%dma_wait3A_50 : memref<10112x8xf32, #tpu.memory_space<vmem_shared>>)
    %dma_wait3A_51 = arith.constant 0 : i32
    %dma_wait3A_52 = arith.constant 0 : i32
    %dma_wait3A_53 = tpu.memref_slice %arg9[%dma_wait3A_51, %dma_wait3A_52] : memref<79x128xi32, #tpu.memory_space<vmem>> -> memref<1x128xi32, #tpu.memory_space<vmem>>
    %dma_wait3A_54 = tpu.memref_squeeze %dma_wait3A_53 : memref<1x128xi32, #tpu.memory_space<vmem>> -> memref<128xi32, #tpu.memory_space<vmem>>
    %dma_wait3A_55 = arith.constant 0 : i32
    %dma_wait3A_56 = arith.constant 0 : i32
    %dma_wait3A_57 = tpu.memref_slice %arg7[%dma_wait3A_55, %dma_wait3A_56] : memref<10112x8xf32, #tpu.memory_space<vmem_shared>> -> memref<10112x8xf32, #tpu.memory_space<vmem_shared>>
    tpu.wait_indirect_dma semaphore(%arg19 : memref<!tpu.dma_semaphore, #tpu.memory_space<semaphore_mem>>) src(%arg11 : memref<128x8xf32, #tpu.memory_space<vmem>>) dst(%dma_wait3A_57 : memref<10112x8xf32, #tpu.memory_space<vmem_shared>>)
    %dma_wait3A_58 = arith.constant 0 : i32
    %dma_wait3A_59 = arith.constant 0 : i32
    %dma_wait3A_60 = tpu.memref_slice %arg9[%dma_wait3A_58, %dma_wait3A_59] : memref<79x128xi32, #tpu.memory_space<vmem>> -> memref<1x128xi32, #tpu.memory_space<vmem>>
    %dma_wait3A_61 = tpu.memref_squeeze %dma_wait3A_60 : memref<1x128xi32, #tpu.memory_space<vmem>> -> memref<128xi32, #tpu.memory_space<vmem>>
    %dma_wait3A_62 = arith.constant 0 : i32
    %dma_wait3A_63 = arith.constant 0 : i32
    %dma_wait3A_64 = tpu.memref_slice %arg7[%dma_wait3A_62, %dma_wait3A_63] : memref<10112x8xf32, #tpu.memory_space<vmem_shared>> -> memref<10112x8xf32, #tpu.memory_space<vmem_shared>>
    tpu.wait_indirect_dma semaphore(%arg20 : memref<!tpu.dma_semaphore, #tpu.memory_space<semaphore_mem>>) src(%arg12 : memref<128x8xf32, #tpu.memory_space<vmem>>) dst(%dma_wait3A_64 : memref<10112x8xf32, #tpu.memory_space<vmem_shared>>)
    %dma_wait3A_65 = arith.constant 0 : i32
    %dma_wait3A_66 = arith.constant 0 : i32
    %dma_wait3A_67 = tpu.memref_slice %arg9[%dma_wait3A_65, %dma_wait3A_66] : memref<79x128xi32, #tpu.memory_space<vmem>> -> memref<1x128xi32, #tpu.memory_space<vmem>>
    %dma_wait3A_68 = tpu.memref_squeeze %dma_wait3A_67 : memref<1x128xi32, #tpu.memory_space<vmem>> -> memref<128xi32, #tpu.memory_space<vmem>>
    %dma_wait3A_69 = arith.constant 0 : i32
    %dma_wait3A_70 = arith.constant 0 : i32
    %dma_wait3A_71 = tpu.memref_slice %arg7[%dma_wait3A_69, %dma_wait3A_70] : memref<10112x8xf32, #tpu.memory_space<vmem_shared>> -> memref<10112x8xf32, #tpu.memory_space<vmem_shared>>
    tpu.wait_indirect_dma semaphore(%arg21 : memref<!tpu.dma_semaphore, #tpu.memory_space<semaphore_mem>>) src(%arg13 : memref<128x8xf32, #tpu.memory_space<vmem>>) dst(%dma_wait3A_71 : memref<10112x8xf32, #tpu.memory_space<vmem_shared>>)
    %barrier3A_72 = arith.constant 0 : index
    tpu.barrier barrier_id(%barrier3A_72)
    "tpu.region"() ({
      %run_scoped3A = tpu.sem_alloc : memref<!tpu.dma_semaphore, #tpu.memory_space<semaphore_mem>>
      %dma_start3A_73 = arith.constant 0 : i32
      %dma_start3A_74 = tpu.memref_slice %arg6[%arg0, %mul3A_2, %dma_start3A_73] : memref<2x10112x8xf32, #tpu.memory_space<hbm>> -> memref<1x632x8xf32, #tpu.memory_space<hbm>>
      %dma_start3A_75 = tpu.memref_squeeze %dma_start3A_74 : memref<1x632x8xf32, #tpu.memory_space<hbm>> -> memref<632x8xf32, #tpu.memory_space<hbm>>
      %dma_start3A_76 = arith.constant 0 : i32
      %dma_start3A_77 = tpu.memref_slice %arg7[%mul3A_2, %dma_start3A_76] : memref<10112x8xf32, #tpu.memory_space<vmem_shared>> -> memref<632x8xf32, #tpu.memory_space<vmem_shared>>
      tpu.enqueue_dma source(%dma_start3A_77 : memref<632x8xf32, #tpu.memory_space<vmem_shared>>) target(%dma_start3A_75 : memref<632x8xf32, #tpu.memory_space<hbm>>) target_semaphore(%run_scoped3A : memref<!tpu.dma_semaphore, #tpu.memory_space<semaphore_mem>>)
      %dma_wait3A_78 = arith.constant 0 : i32
      %dma_wait3A_79 = tpu.memref_slice %arg6[%arg0, %mul3A_2, %dma_wait3A_78] : memref<2x10112x8xf32, #tpu.memory_space<hbm>> -> memref<1x632x8xf32, #tpu.memory_space<hbm>>
      %dma_wait3A_80 = tpu.memref_squeeze %dma_wait3A_79 : memref<1x632x8xf32, #tpu.memory_space<hbm>> -> memref<632x8xf32, #tpu.memory_space<hbm>>
      %dma_wait3A_81 = arith.constant 0 : i32
      %dma_wait3A_82 = tpu.memref_slice %arg7[%mul3A_2, %dma_wait3A_81] : memref<10112x8xf32, #tpu.memory_space<vmem_shared>> -> memref<632x8xf32, #tpu.memory_space<vmem_shared>>
      tpu.wait_dma2 semaphore(%run_scoped3A : memref<!tpu.dma_semaphore, #tpu.memory_space<semaphore_mem>>) src(%dma_wait3A_82 : memref<632x8xf32, #tpu.memory_space<vmem_shared>>) dst(%dma_wait3A_80 : memref<632x8xf32, #tpu.memory_space<hbm>>)
      tpu.yield
    }) : () -> ()
    return
  }
}

module attributes {stable_mosaic.version = 14 : i64} {
  func.func @_tc_proj1_body(%arg0: memref<10112x128xf32, #tpu.memory_space<vmem>>, %arg1: memref<128x64xf32, #tpu.memory_space<vmem>>, %arg2: memref<128x64xf32, #tpu.memory_space<vmem>>, %arg3: memref<1x64xf32, #tpu.memory_space<vmem>>, %arg4: memref<10112x64xf32, #tpu.memory_space<vmem>>, %arg5: memref<10112x64xf32, #tpu.memory_space<vmem>>) attributes {dimension_semantics = [], scalar_prefetch = 0 : i64, scratch_operands = 0 : i64, tpu.core_type = #tpu.core_type<tc>} {
    %get3A = arith.constant 0 : index
    %get3A_0 = arith.constant 0 : index
    %get3A_1 = vector.load %arg0[%get3A, %get3A_0] : memref<10112x128xf32, #tpu.memory_space<vmem>>, vector<10112x128xf32>
    %get3A_2 = arith.constant 0 : index
    %get3A_3 = arith.constant 0 : index
    %get3A_4 = vector.load %arg1[%get3A_2, %get3A_3] : memref<128x64xf32, #tpu.memory_space<vmem>>, vector<128x64xf32>
    %dot_general3A = arith.constant dense<0.000000e+00> : vector<10112x64xf32>
    %dot_general3A_5 = tpu.matmul %get3A_1, %get3A_4, %dot_general3A {dimension_numbers = #tpu.dot_dimension_numbers<[1], [0], [0], [1], [0, 0, 1, 1], [], []>, transpose_lhs_hint = false} : vector<10112x128xf32>, vector<128x64xf32>, vector<10112x64xf32> -> vector<10112x64xf32>
    %swap3A = arith.constant 0 : index
    %swap3A_6 = arith.constant 0 : index
    %swap3A_7 = vector.load %arg4[%swap3A, %swap3A_6] : memref<10112x64xf32, #tpu.memory_space<vmem>>, vector<10112x64xf32>
    tpu.vector_store %arg4[%swap3A, %swap3A_6], %dot_general3A_5 {strides = array<i32>} : memref<10112x64xf32, #tpu.memory_space<vmem>>, vector<10112x64xf32>,
    %get3A_8 = arith.constant 0 : index
    %get3A_9 = arith.constant 0 : index
    %get3A_10 = vector.load %arg2[%get3A_8, %get3A_9] : memref<128x64xf32, #tpu.memory_space<vmem>>, vector<128x64xf32>
    %dot_general3A_11 = arith.constant dense<0.000000e+00> : vector<10112x64xf32>
    %dot_general3A_12 = tpu.matmul %get3A_1, %get3A_10, %dot_general3A_11 {dimension_numbers = #tpu.dot_dimension_numbers<[1], [0], [0], [1], [0, 0, 1, 1], [], []>, transpose_lhs_hint = false} : vector<10112x128xf32>, vector<128x64xf32>, vector<10112x64xf32> -> vector<10112x64xf32>
    %get3A_13 = arith.constant 0 : index
    %get3A_14 = arith.constant 0 : index
    %get3A_15 = vector.load %arg3[%get3A_13, %get3A_14] : memref<1x64xf32, #tpu.memory_space<vmem>>, vector<1x64xf32>
    %add3A = vector.broadcast %get3A_15 : vector<1x64xf32> to vector<10112x64xf32>
    %add3A_16 = arith.addf %dot_general3A_12, %add3A : vector<10112x64xf32>
    %swap3A_17 = arith.constant 0 : index
    %swap3A_18 = arith.constant 0 : index
    %swap3A_19 = vector.load %arg5[%swap3A_17, %swap3A_18] : memref<10112x64xf32, #tpu.memory_space<vmem>>, vector<10112x64xf32>
    tpu.vector_store %arg5[%swap3A_17, %swap3A_18], %add3A_16 {strides = array<i32>} : memref<10112x64xf32, #tpu.memory_space<vmem>>, vector<10112x64xf32>,
    return
  }
}

module attributes {stable_mosaic.version = 14 : i64} {
  func.func @_tc_mid_body(%arg0: memref<2x10112x64xf32, #tpu.memory_space<vmem>>, %arg1: memref<2x10112x8xf32, #tpu.memory_space<vmem>>, %arg2: memref<10112x64xf32, #tpu.memory_space<vmem>>, %arg3: memref<64x8xf32, #tpu.memory_space<vmem>>, %arg4: memref<64x8xf32, #tpu.memory_space<vmem>>, %arg5: memref<1x8xf32, #tpu.memory_space<vmem>>, %arg6: memref<10112x8xf32, #tpu.memory_space<vmem>>, %arg7: memref<10112x8xf32, #tpu.memory_space<vmem>>) attributes {dimension_semantics = [], scalar_prefetch = 0 : i64, scratch_operands = 0 : i64, tpu.core_type = #tpu.core_type<tc>} {
    %get3A = arith.constant 0 : index
    %get3A_0 = arith.constant 0 : index
    %get3A_1 = arith.constant 0 : index
    %get3A_2 = vector.load %arg1[%get3A, %get3A_0, %get3A_1] : memref<2x10112x8xf32, #tpu.memory_space<vmem>>, vector<1x10112x1xf32>
    %get3A_3 = vector.shape_cast %get3A_2 : vector<1x10112x1xf32> to vector<10112x1xf32>
    %get3A_4 = arith.constant 1 : index
    %get3A_5 = arith.constant 0 : index
    %get3A_6 = arith.constant 0 : index
    %get3A_7 = vector.load %arg1[%get3A_4, %get3A_5, %get3A_6] : memref<2x10112x8xf32, #tpu.memory_space<vmem>>, vector<1x10112x1xf32>
    %get3A_8 = vector.shape_cast %get3A_7 : vector<1x10112x1xf32> to vector<10112x1xf32>
    %add3A = arith.addf %get3A_3, %get3A_8 : vector<10112x1xf32>
    %max3A = arith.constant 1.000000e+00 : f32
    %max3A_9 = vector.broadcast %max3A : f32 to vector<10112x1xf32>
    %max3A_10 = arith.maximumf %add3A, %max3A_9 : vector<10112x1xf32>
    %get3A_11 = arith.constant 0 : index
    %get3A_12 = arith.constant 0 : index
    %get3A_13 = arith.constant 0 : index
    %get3A_14 = vector.load %arg0[%get3A_11, %get3A_12, %get3A_13] : memref<2x10112x64xf32, #tpu.memory_space<vmem>>, vector<1x10112x64xf32>
    %get3A_15 = vector.shape_cast %get3A_14 : vector<1x10112x64xf32> to vector<10112x64xf32>
    %get3A_16 = arith.constant 1 : index
    %get3A_17 = arith.constant 0 : index
    %get3A_18 = arith.constant 0 : index
    %get3A_19 = vector.load %arg0[%get3A_16, %get3A_17, %get3A_18] : memref<2x10112x64xf32, #tpu.memory_space<vmem>>, vector<1x10112x64xf32>
    %get3A_20 = vector.shape_cast %get3A_19 : vector<1x10112x64xf32> to vector<10112x64xf32>
    %add3A_21 = arith.addf %get3A_15, %get3A_20 : vector<10112x64xf32>
    %div3A = vector.broadcast %max3A_10 : vector<10112x1xf32> to vector<10112x64xf32>
    %div3A_22 = arith.divf %add3A_21, %div3A : vector<10112x64xf32>
    %get3A_23 = arith.constant 0 : index
    %get3A_24 = arith.constant 0 : index
    %get3A_25 = vector.load %arg2[%get3A_23, %get3A_24] : memref<10112x64xf32, #tpu.memory_space<vmem>>, vector<10112x64xf32>
    %add3A_26 = arith.addf %div3A_22, %get3A_25 : vector<10112x64xf32>
    %max3A_27 = arith.constant 0.000000e+00 : f32
    %max3A_28 = vector.broadcast %max3A_27 : f32 to vector<10112x64xf32>
    %max3A_29 = arith.maximumf %add3A_26, %max3A_28 : vector<10112x64xf32>
    %get3A_30 = arith.constant 0 : index
    %get3A_31 = arith.constant 0 : index
    %get3A_32 = vector.load %arg3[%get3A_30, %get3A_31] : memref<64x8xf32, #tpu.memory_space<vmem>>, vector<64x8xf32>
    %dot_general3A = arith.constant dense<0.000000e+00> : vector<10112x8xf32>
    %dot_general3A_33 = tpu.matmul %max3A_29, %get3A_32, %dot_general3A {dimension_numbers = #tpu.dot_dimension_numbers<[1], [0], [0], [1], [0, 0, 1, 1], [], []>, transpose_lhs_hint = false} : vector<10112x64xf32>, vector<64x8xf32>, vector<10112x8xf32> -> vector<10112x8xf32>
    %swap3A = arith.constant 0 : index
    %swap3A_34 = arith.constant 0 : index
    %swap3A_35 = vector.load %arg6[%swap3A, %swap3A_34] : memref<10112x8xf32, #tpu.memory_space<vmem>>, vector<10112x8xf32>
    tpu.vector_store %arg6[%swap3A, %swap3A_34], %dot_general3A_33 {strides = array<i32>} : memref<10112x8xf32, #tpu.memory_space<vmem>>, vector<10112x8xf32>,
    %get3A_36 = arith.constant 0 : index
    %get3A_37 = arith.constant 0 : index
    %get3A_38 = vector.load %arg4[%get3A_36, %get3A_37] : memref<64x8xf32, #tpu.memory_space<vmem>>, vector<64x8xf32>
    %dot_general3A_39 = arith.constant dense<0.000000e+00> : vector<10112x8xf32>
    %dot_general3A_40 = tpu.matmul %max3A_29, %get3A_38, %dot_general3A_39 {dimension_numbers = #tpu.dot_dimension_numbers<[1], [0], [0], [1], [0, 0, 1, 1], [], []>, transpose_lhs_hint = false} : vector<10112x64xf32>, vector<64x8xf32>, vector<10112x8xf32> -> vector<10112x8xf32>
    %get3A_41 = arith.constant 0 : index
    %get3A_42 = arith.constant 0 : index
    %get3A_43 = vector.load %arg5[%get3A_41, %get3A_42] : memref<1x8xf32, #tpu.memory_space<vmem>>, vector<1x8xf32>
    %add3A_44 = vector.broadcast %get3A_43 : vector<1x8xf32> to vector<10112x8xf32>
    %add3A_45 = arith.addf %dot_general3A_40, %add3A_44 : vector<10112x8xf32>
    %swap3A_46 = arith.constant 0 : index
    %swap3A_47 = arith.constant 0 : index
    %swap3A_48 = vector.load %arg7[%swap3A_46, %swap3A_47] : memref<10112x8xf32, #tpu.memory_space<vmem>>, vector<10112x8xf32>
    tpu.vector_store %arg7[%swap3A_46, %swap3A_47], %add3A_45 {strides = array<i32>} : memref<10112x8xf32, #tpu.memory_space<vmem>>, vector<10112x8xf32>,
    return
  }
}

module attributes {stable_mosaic.version = 14 : i64} {
  func.func @_tc_out_body(%arg0: memref<2x10112x8xf32, #tpu.memory_space<vmem>>, %arg1: memref<2x10112x8xf32, #tpu.memory_space<vmem>>, %arg2: memref<10112x8xf32, #tpu.memory_space<vmem>>, %arg3: memref<10112x8xf32, #tpu.memory_space<vmem>>) attributes {dimension_semantics = [], scalar_prefetch = 0 : i64, scratch_operands = 0 : i64, tpu.core_type = #tpu.core_type<tc>} {
    %get3A = arith.constant 0 : index
    %get3A_0 = arith.constant 0 : index
    %get3A_1 = arith.constant 0 : index
    %get3A_2 = vector.load %arg1[%get3A, %get3A_0, %get3A_1] : memref<2x10112x8xf32, #tpu.memory_space<vmem>>, vector<1x10112x1xf32>
    %get3A_3 = vector.shape_cast %get3A_2 : vector<1x10112x1xf32> to vector<10112x1xf32>
    %get3A_4 = arith.constant 1 : index
    %get3A_5 = arith.constant 0 : index
    %get3A_6 = arith.constant 0 : index
    %get3A_7 = vector.load %arg1[%get3A_4, %get3A_5, %get3A_6] : memref<2x10112x8xf32, #tpu.memory_space<vmem>>, vector<1x10112x1xf32>
    %get3A_8 = vector.shape_cast %get3A_7 : vector<1x10112x1xf32> to vector<10112x1xf32>
    %add3A = arith.addf %get3A_3, %get3A_8 : vector<10112x1xf32>
    %max3A = arith.constant 1.000000e+00 : f32
    %max3A_9 = vector.broadcast %max3A : f32 to vector<10112x1xf32>
    %max3A_10 = arith.maximumf %add3A, %max3A_9 : vector<10112x1xf32>
    %get3A_11 = arith.constant 0 : index
    %get3A_12 = arith.constant 0 : index
    %get3A_13 = arith.constant 0 : index
    %get3A_14 = vector.load %arg0[%get3A_11, %get3A_12, %get3A_13] : memref<2x10112x8xf32, #tpu.memory_space<vmem>>, vector<1x10112x8xf32>
    %get3A_15 = vector.shape_cast %get3A_14 : vector<1x10112x8xf32> to vector<10112x8xf32>
    %get3A_16 = arith.constant 1 : index
    %get3A_17 = arith.constant 0 : index
    %get3A_18 = arith.constant 0 : index
    %get3A_19 = vector.load %arg0[%get3A_16, %get3A_17, %get3A_18] : memref<2x10112x8xf32, #tpu.memory_space<vmem>>, vector<1x10112x8xf32>
    %get3A_20 = vector.shape_cast %get3A_19 : vector<1x10112x8xf32> to vector<10112x8xf32>
    %add3A_21 = arith.addf %get3A_15, %get3A_20 : vector<10112x8xf32>
    %div3A = vector.broadcast %max3A_10 : vector<10112x1xf32> to vector<10112x8xf32>
    %div3A_22 = arith.divf %add3A_21, %div3A : vector<10112x8xf32>
    %get3A_23 = arith.constant 0 : index
    %get3A_24 = arith.constant 0 : index
    %get3A_25 = vector.load %arg2[%get3A_23, %get3A_24] : memref<10112x8xf32, #tpu.memory_space<vmem>>, vector<10112x8xf32>
    %add3A_26 = arith.addf %div3A_22, %get3A_25 : vector<10112x8xf32>
    %swap3A = arith.constant 0 : index
    %swap3A_27 = arith.constant 0 : index
    %swap3A_28 = vector.load %arg3[%swap3A, %swap3A_27] : memref<10112x8xf32, #tpu.memory_space<vmem>>, vector<10112x8xf32>
    tpu.vector_store %arg3[%swap3A, %swap3A_27], %add3A_26 {strides = array<i32>} : memref<10112x8xf32, #tpu.memory_space<vmem>>, vector<10112x8xf32>,
    return
  }
}

</mosaic_0001>

<sc_bundles>
// kernel: kernel.10.cloned.1.call-start
scs
__scs_entry_jumppad:
0x0: {  	(pc) =	sbr.rel $0x88, $3  }
0x1: {  	(tag) =	ssettag $0x0;
	lr =	simm.s32 $0x1  }
0x2: {  	[smem:$0x3F99] =	sst lr;
	_ =	strace $0xD0000000  }
0x3: {  	_ = 	snop  }
0x4: {  	_ = 	snop  }
0x5: {  	_ = 	snop  }
0x6: {  	_ = 	snop  }
0x7: {  	_ = 	snop  }
__scs_overlays_trampoline_lowered:
0x8: {  	[smem:$0x3FA8] =	sst s0  }
0x9: {  	[smem:$0x3FA9] =	sst s1  }
0xa: {  	[smem:$0x3FAA] =	sst s2  }
0xb: {  	[smem:$0x3FAB] =	sst s3  }
0xc: {  	[smem:$0x3FAC] =	sst s4  }
0xd: {  	[smem:$0x3FAD] =	sst s5  }
0xe: {  	[smem:$0x3FAE] =	sst s6  }
0xf: {  	[smem:$0x3FAF] =	sst s7  }
0x10: {  	[smem:$0x3FB0] =	sst s8  }
0x11: {  	[smem:$0x3FB1] =	sst s9;
	s0 =	simm.s32 @!p0 $0x0  }
0x12: {  	s1 =	sld [smem:$0x3F97];
	s0 =	simm.s32 @p0 $0x1  }
0x13: {  	[smem:$0x3FB2] =	sst s0;
	s0 =	simm.s32 @!p1 $0x0  }
0x14: {  	s2 =	sld [smem:$0x3F96];
	s0 =	simm.s32 @p1 $0x1  }
0x15: {  	[smem:$0x3FB3] =	sst s0;
	s0 =	simm.s32 @!p2 $0x0  }
0x16: {  	s3 =	sld [smem:$0x3FDB];
	s0 =	simm.s32 @p2 $0x1  }
0x17: {  	s4 =	simm.s32 $0x1BF5;
	[smem:$0x3FB5] =	sst s0  }
0x18: {  	s0 =	sld [smem:$0x3F98];
	_ =	swait.ge [sflag:s4], $0x0  }
0x19: {  	s7 =	sld [smem:$0x3F99]  }
0x1a: {  	s8 =	sadd.s32 $0xFFFFE003, lr  }
0x1b: {  	s9 =	sadd.s32 $0xFFFFFEF7, lr;
	s5 =	simm.s32 $0xFFFFFFFF;
	p2 =	slt.u32 s8, $0xFFFFF086  }
0x1c: {  	p1 =	slt.u32 s9, $0xF7A;
	s5 =	simm.s32 @!p2 $0x0  }
0x1d: {  	s5 =	simm.s32 @p1 $0x1;
	p0 =	seq.s32 s7, s2  }
0x1e: {  	s7 =	smul.u32 @!p0 $0xF7A, s2;
	p2 =	seq.s32 @!p0 s5, $0x0  }
0x1f: {  	s9 =	smul.u32 $0xF7A, s1;
	s8 =	simm.s32 @!p0 $0x1BF5;
	p2 =	por !p2, p0  }
0x20: {  	[sflag:s8] =	ssyncset.s32 @!p0 $0xFFFFF086;
	s6 =	sadd.s32 @!p0 s3, s7;
	s7 =	simm.s32 @!p0 $0x108  }
0x21: {  	s3 =	sadd.s32 s3, s9;
	s6 =	sadd.s32 @!p0 $0x88, s6;
	s7 =	simm.s32 @p2 $0x1082  }
0x22: {  	[simem:s7], [sflag:s8] =	dma.local @!p0 [hbm:s6], $0xF7A  }
0x23: {  	s9 =	sor.u32 $0xD0000000, s2;
	s6 =	simm.s32 $0x108;
	_ =	swait.ge @!p0 [sflag:s8], $0x0  }
0x24: {  	s3 =	sadd.s32 $0x88, s3;
	s6 =	simm.s32 @!p1 $0x1082;
	[sflag:s4] =	ssyncset.s32 $0xFFFFF086  }
0x25: {  	[simem:s6], [sflag:s4] =	dma.local [hbm:s3], $0xF7A  }
0x26: {  	[smem:$0x3F99] =	sst s1;
	(tag) =	ssettag s2;
	_ =	strace s9  }
0x27: {  	s1 =	sld [smem:$0x3FA9]  }
0x28: {  	s2 =	sld [smem:$0x3FAA]  }
0x29: {  	s4 =	sld [smem:$0x3FAC]  }
0x2a: {  	p0 =	seq.s32 s5, $0x0;
	s5 =	sld [smem:$0x3FAD]  }
0x2b: {  	s6 =	sld [smem:$0x3FAE]  }
0x2c: {  	s7 =	sld [smem:$0x3FAF]  }
0x2d: {  	s3 =	simm.s32 $0x108;
	s8 =	sld [smem:$0x3FB0]  }
0x2e: {  	s3 =	simm.s32 @!p0 $0x1082;
	s9 =	sld [smem:$0x3FB1]  }
0x2f: {  	lr =	sadd.s32 s0, s3;
	s0 =	sld [smem:$0x3FA8]  }
0x30: {  	s3 =	sld [smem:$0x3FAB]  }
0x31: {  	[smem:$0x3FB4] =	sst s10  }
0x32: {  	s10 =	sld [smem:$0x3FB2];
	_ =	sdelay $0x3  }
0x33: {  	p0 =	seq.s32 s10, $0x1;
	s10 =	sld [smem:$0x3FB4];
	_ =	sdelay $0x3  }
0x34: {  	[smem:$0x3FB4] =	sst s10  }
0x35: {  	s10 =	sld [smem:$0x3FB3];
	_ =	sdelay $0x3  }
0x36: {  	p1 =	seq.s32 s10, $0x1;
	s10 =	sld [smem:$0x3FB4];
	_ =	sdelay $0x3  }
0x37: {  	[smem:$0x3FB4] =	sst s10  }
0x38: {  	s10 =	sld [smem:$0x3FB5]  }
0x39: {  	_ = 	snop;
	(pc) =	sbr.ind lr, $3  }
0x3a: {  	_ = 	snop  }
0x3b: {  	_ = 	snop  }
0x3c: {  	p2 =	seq.s32 s10, $0x1;
	s10 =	sld [smem:$0x3FB4]  }
0x3d: {  	_ =	shalt  }
0x3e: {  	_ =	shalt  }
0x3f: {  	_ =	shalt  }
0x40: {  	_ =	shalt  }
0x41: {  	_ =	shalt  }
0x42: {  	_ =	shalt  }
0x43: {  	_ =	shalt  }
0x44: {  	_ =	shalt  }
0x45: {  	_ =	shalt  }
0x46: {  	_ =	shalt  }
0x47: {  	_ =	shalt  }
0x48: {  	_ =	shalt  }
0x49: {  	_ =	shalt  }
0x4a: {  	_ =	shalt  }
0x4b: {  	_ =	shalt  }
0x4c: {  	_ =	shalt  }
0x4d: {  	_ =	shalt  }
0x4e: {  	_ =	shalt  }
0x4f: {  	_ =	shalt  }
0x50: {  	_ =	shalt  }
0x51: {  	_ =	shalt  }
0x52: {  	_ =	shalt  }
0x53: {  	_ =	shalt  }
0x54: {  	_ =	shalt  }
0x55: {  	_ =	shalt  }
0x56: {  	_ =	shalt  }
0x57: {  	_ =	shalt  }
0x58: {  	_ =	shalt  }
0x59: {  	_ =	shalt  }
0x5a: {  	_ =	shalt  }
0x5b: {  	_ =	shalt  }
0x5c: {  	_ =	shalt  }
0x5d: {  	_ =	shalt  }
0x5e: {  	_ =	shalt  }
0x5f: {  	_ =	shalt  }
0x60: {  	_ =	shalt  }
0x61: {  	_ =	shalt  }
0x62: {  	_ =	shalt  }
0x63: {  	_ =	shalt  }
0x64: {  	_ =	shalt  }
0x65: {  	_ =	shalt  }
0x66: {  	_ =	shalt  }
0x67: {  	_ =	shalt  }
0x68: {  	_ =	shalt  }
0x69: {  	_ =	shalt  }
0x6a: {  	_ =	shalt  }
0x6b: {  	_ =	shalt  }
0x6c: {  	_ =	shalt  }
0x6d: {  	_ =	shalt  }
0x6e: {  	_ =	shalt  }
0x6f: {  	_ =	shalt  }
0x70: {  	_ =	shalt  }
0x71: {  	_ =	shalt  }
0x72: {  	_ =	shalt  }
0x73: {  	_ =	shalt  }
0x74: {  	_ =	shalt  }
0x75: {  	_ =	shalt  }
0x76: {  	_ =	shalt  }
0x77: {  	_ =	shalt  }
0x78: {  	_ =	shalt  }
0x79: {  	_ =	shalt  }
0x7a: {  	_ =	shalt  }
0x7b: {  	_ =	shalt  }
0x7c: {  	_ =	shalt  }
0x7d: {  	_ =	shalt  }
0x7e: {  	_ =	shalt  }
0x7f: {  	_ =	shalt  }
0x80: {  	_ =	shalt  }
0x81: {  	_ =	shalt  }
0x82: {  	_ =	shalt  }
0x83: {  	_ =	shalt  }
0x84: {  	_ =	shalt  }
0x85: {  	_ =	shalt  }
0x86: {  	_ =	shalt  }
0x87: {  	_ =	shalt  }
.Lfunc_end0:
.L_simem_size_0:
called_computation.1_lowered:
.L_overlay_start_0:
0x88: {  	s2 =	sld [smem:$0x3FD9]  }
0x89: {  	s3 =	sld [smem:$0x3FFE];
	_ =	sdelay $0x1  }
0x8a: {  	s1 =	srdreg.scid  }
0x8b: {  	s0 =	sand.u32 $0x1, s1  }
0x8c: {  	s17 =	sshll.u32 s0, $0xA;
	s2 =	sadd.s32 s3, s2  }
0x8d: {  	s2 =	sadd.s32 s2, s17  }
0x8e: {  	[smem:$0x3FC0] =	sst s2  }
0x8f: {  	_ = 	snop  }
0x90: {  	s2 =	sld [smem:$0x3FD0];
	(tm) =	ssettm $0x1  }
0x91: {  	s18 =	sld [smem:$0x3FFB];
	_ =	sdelay $0x3  }
0x92: {  	_ =	strace s18  }
0x93: {  	s3 =	sld [smem:$0x3FFC];
	_ =	sdelay $0x3  }
0x94: {  	_ =	strace s3  }
0x95: {  	s3 =	sld [smem:$0x3FFD];
	_ =	sdelay $0x3  }
0x96: {  	_ =	strace s3  }
0x97: {  	_ =	strace $0x8FFFFFFF  }
0x98: {  	s19 =	sld [smem:$0x3FDB];
	_ =	sdelay $0x1  }
0x99: {  	s4 =	simm.s32 $_scs_section_size  }
0x9a: {  	s5 =	simm.s32 $_size__tile_overlayer_lowered;
	s6 =	simm.s32 $_tile_overlayer_lowered  }
0x9b: {  	s22 =	simm.s32 $0x1BFF;
	s21 =	sshll.u32 s6, $0x1;
	s3 =	sadd.s32 s4, s19  }
0x9c: {  	s7 =	simm.s32 $0x0;
	s20 =	sshll.u32 s5, $0x1;
	s5 =	sadd.s32 s21, s3  }
0x9d: {  	[timem:s7], [sflag:s22] =	dma.local [hbm:s5], s20  }
0x9e: {  	_ =	swait.ge [sflag:s22], s20  }
0x9f: {  	s4 =	ssub.s32 $0x0, s20;
	[sflag:s22] =	ssyncset.done $0x0  }
0xa0: {  	[sflag:s22] =	ssyncadd.s32 s4;
	_ =	sdelay $0x1  }
0xa1: {  	s23 =	simm.s32 $0x1B8B  }
0xa2: {  	_ =	swait.ge [sflag:s23], $0x1  }
0xa3: {  	[sflag:s23] =	ssyncset.done $0x0  }
0xa4: {  	s25 =	simm.s32 $0x1B8E;
	s24 =	sld [smem:$0x3FFE];
	[sflag:s23] =	ssyncadd.s32 $0xFFFFFFFF  }
0xa5: {  	s26 =	simm.s32 $execute0_lowered;
	[smem:$0x3FD2] =	sst s25  }
0xa6: {  	s5 =	sshll.u32 s26, $0x1;
	_ =	strace $0x80000049;
	[dreg:$0x1] =	wrdreg $0xFFFFFFFF  }
0xa7: {  	s28 =	simm.s32 $_size_execute0_lowered;
	s3 =	sadd.s32 s3, s5;
	[dreg:$0x0] =	wrdreg $0x0  }
0xa8: {  	s5 =	sshll.u32 s28, $0x1;
	[dreg:$0x2] =	wrdreg s3  }
0xa9: {  	[dreg:$0x3] =	wrdreg s5  }
0xaa: {  	[dreg:$0x4] =	wrdreg $0xC0  }
0xab: {  	_ =	task [dreg:s7], $0x5FFFF  }
0xac: {  	[dreg:$0x1] =	wrdreg $0xFFFFFFFF  }
0xad: {  	[dreg:$0x0] =	wrdreg $0x60  }
0xae: {  	[dreg:$0x2] =	wrdreg s24  }
0xaf: {  	[dreg:$0x3] =	wrdreg s2  }
0xb0: {  	[dreg:$0x4] =	wrdreg $0x0  }
0xb1: {  	[dreg:$0x5] =	wrdreg $0x9  }
0xb2: {  	_ =	task.clear_ibuf [dreg:s7], $0x6FFFF;
	_ =	strace $0x90000049  }
0xb3: {  	s29 =	simm.s32 $0x9;
	_ =	strace $0x8000004B  }
0xb4: {  	_ =	swait.ge [sflag:s29], $0x1  }
0xb5: {  	[sflag:s29] =	ssyncadd.s32 $0xFFFFFFFF  }
0xb6: {  	_ =	strace $0x9000004B  }
0xb7: {  	_ =	sfence  }
0xb8: {  	s30 =	sld [smem:$0x0];
	_ =	sdelay $0x2  }
0xb9: {  	s31 =	sshll.u32 s1, $0xD;
	s1 =	sshrl.u32 s1, $0x2  }
0xba: {  	s3 =	sand.u32 $0x4000, s31;
	s1 =	sadd.s32 s1, s30  }
0xbb: {  	s0 =	sor.u32 s3, s0;
	s1 =	sshll.u32 s1, $0x11  }
0xbc: {  	s0 =	sor.u32 s1, s0  }
0xbd: {  	s0 =	sadd.s32 $0x8F2B, s0  }
0xbe: {  	[sflag:s0] =	ssyncadd.remote.s32 $0x1  }
0xbf: {  	_ =	sfence.sel $0xFFFF  }
0xc0: {  	[dreg:$0x0] =	wrdreg $0xFFFFFFFF;
	(pc) =	sbr.abs _section_cstart, $3  }
0xc1: {  	[dreg:$0x1] =	wrdreg $0xFFFFFFFF  }
0xc2: {  	_ =	task.clear_ibuf [dreg:s7], $0x2FFFF;
	_ =	strace $0x9FFFFFFF  }
0xc3: {  	(tm) =	ssettm $0x7FFFFFFF  }
tec
execute0_lowered:
.L_overlay_start_1:
0x0: {  	(tag) =	ssettag $0x1  }
0x1: {  	s0 =	srdreg.scid;
	s1 =	rddreg [dreg:$0x0]  }
0x2: {  	s2 =	stileid.u32;
	s4 =	simm.s32 $0x0;
	s15 =	simm.s32 $0x80  }
0x3: {  	s17 =	simm.s32 $0x62C0;
	s20 =	simm.s32 $0x14C0;
	s21 =	simm.s32 $0x6AC0  }
0x4: {  	s22 =	simm.s32 $0x1;
	s23 =	simm.s32 $0x3B40;
	s24 =	simm.s32 $0x1540  }
0x5: {  	s28 =	simm.s32 $0x6;
	s29 =	simm.s32 $0x7;
	s30 =	simm.s32 $0x8  }
0x6: {  	s0 =	sand.u32 $0x1, s0;
	s7 =	smul.u32 $0x13C0, s2;
	[smem:$0x7FF] =	sst s4  }
0x7: {  	s5 =	sadd.s32 $0x14C00, s1;
	s31 =	sshll.u32 s2, $0x6;
	s3 =	sshll.u32 s0, $0x4  }
0x8: {  	s8 =	smul.u32 $0x13C00, s0;
	s0 =	ssub.s32 $0x2, s0;
	s13 =	sor.u32 s2, s3  }
0x9: {  	s3 =	rddreg [dreg:$0x2];
	_ =	strace $0x8000004A;
	s26 =	sshrl.u32 s0, $0x1  }
0xa: {  	s6 =	smul.u32 $0x4E, s13;
	s9 =	smin.u32 s13, $0x4;
	s8 =	sadd.s32 s7, s8  }
0xb: {  	s0 =	ssub.s32 s0, s26;
	p0 =	slt.u32 s13, $0x4;
	s14 =	sadd.s32 s7, s3  }
0xc: {  	s7 =	sor.u32 $0x1C09, s31;
	s26 =	simm.s32 $0x5;
	s6 =	sadd.s32 s9, s6  }
0xd: {  	s8 =	sshrl.u32 s8, $0x3;
	s11 =	smax.u32 s0, $0x1;
	s6 =	sshll.u32 s6, $0x4  }
0xe: {  	s25 =	sadd.s32 s6, s1;
	s1 =	sadd.s32 s8, s1;
	s6 =	simm.s32 $0x4F  }
0xf: {  	s6 =	simm.s32 @!p0 $0x4E;
	s8 =	sadd.s32 $0xAE00, s25;
	s9 =	sadd.s32 $0x1000, s25  }
0x10: {  	s10 =	sadd.s32 $0x17400, s1;
	p0 =	sgt.u32 s13, $0x3;
	s13 =	sshrl.u32 s14, $0x3  }
0x11: {  	s14 =	simm.s32 $0x9;
	s25 =	simm.s32 $0x6EC0;
	s12 =	sadd.s32 $0xFFFFFFFF, s6  }
.LBB2_1:
0x12: {  	s0 =	rddreg [dreg:$0x1]  }
0x13: {  	[spmem:s13], [sflag:s7] =	dma.local [hbm:s0], $0x278  }
0x14: {  	_ =	swait.ge [sflag:s14], $0x278  }
0x15: {  	[sflag:s14] =	ssyncset.done $0x0  }
0x16: {  	s1 =	simm.s32 @p0 $0x13C0;
	s0 =	simm.s32 @p0 $0x0;
	[sflag:s14] =	ssyncadd.s32 $0xFFFFFD88  }
0x17: {  	[tilespmem:s1], [sflag:$0x9] =	stream.linear.gather @p0 [hbm4b:s8+s0], $0x2700, $0x38;
	[tilespmem:$0x72C0] =	vst v63  }
0x18: {  	s1 =	simm.s32 @p0 $0x9  }
0x19: {  	_ =	swait.ge @p0 [sflag:s1], $0x2700  }
0x1a: {  	[sflag:s1] =	ssyncset.done @p0 $0x0  }
0x1b: {  	s31 =	simm.s32 @p0 $0x3B40;
	[sflag:s1] =	ssyncadd.s32 @p0 $0xFFFFD900  }
0x1c: {  	[tilespmem:s31], [sflag:$0x9] =	stream.linear.gather @p0 [hbm4b:s9+s0], $0x2700, $0x38;
	[tilespmem:$0x72C0] =	vst v63  }
0x1d: {  	_ =	swait.ge @p0 [sflag:s1], $0x2700  }
0x1e: {  	[sflag:s1] =	ssyncset.done @p0 $0x0  }
0x1f: {  	s0 =	simm.s32 @!p0 $0x0;
	[sflag:s1] =	ssyncadd.s32 @p0 $0xFFFFD900;
	s1 =	simm.s32 @!p0 $0x13C0  }
0x20: {  	[tilespmem:s1], [sflag:$0x9] =	stream.linear.gather @!p0 [hbm4b:s8+s0], $0x2780, $0x38;
	[tilespmem:$0x72C0] =	vst v63  }
0x21: {  	s1 =	simm.s32 @!p0 $0x9  }
0x22: {  	_ =	swait.ge @!p0 [sflag:s1], $0x2780  }
0x23: {  	[sflag:s1] =	ssyncset.done @!p0 $0x0  }
0x24: {  	s31 =	simm.s32 @!p0 $0x3B40;
	[sflag:s1] =	ssyncadd.s32 @!p0 $0xFFFFD880  }
0x25: {  	[tilespmem:s31], [sflag:$0x9] =	stream.linear.gather @!p0 [hbm4b:s9+s0], $0x2780, $0x38;
	[tilespmem:$0x72C0] =	vst v63  }
0x26: {  	_ =	swait.ge @!p0 [sflag:s1], $0x2780  }
0x27: {  	[sflag:s1] =	ssyncset.done @!p0 $0x0  }
0x28: {  	[sflag:s1] =	ssyncadd.s32 @!p0 $0xFFFFD880  }
0x29: {  	s16 =	simm.s32 $0x13C0;
	[bflag:$0x0] =	sbarrier.arrive $0xFFFF  }
0x2a: {  	[tilespmem:s17], [sflag:$0x1] =	stream.indirect.gather [hbm4b:s5+s15], $0x8, s16, s15, $0xb8;
	[tilespmem:$0x72C0] =	vst v63  }
0x2b: {  	s18 =	simm.s32 $0x1440;
	s19 =	simm.s32 $0x66C0  }
0x2c: {  	[tilespmem:s19], [sflag:$0x2] =	stream.indirect.gather [hbm4b:s5+s15], $0x8, s18, s15, $0xb8;
	[tilespmem:$0x72C0] =	vst v63  }
0x2d: {  	_ = 	snop  }
0x2e: {  	[tilespmem:s21], [sflag:$0x3] =	stream.indirect.gather [hbm4b:s5+s15], $0x8, s20, s15, $0xb8;
	[tilespmem:$0x72C0] =	vst v63  }
0x2f: {  	_ =	swait.ge [sflag:s22], $0x400  }
0x30: {  	[sflag:s22] =	ssyncset.done $0x0  }
0x31: {  	[sflag:s22] =	ssyncadd.s32 $0xFFFFFC00  }
0x32: {  	[spmem:s3] =	stream.indirect.scatter.add.f32 [tilespmem:s17], [sflag:$0x5], $0x8, s23, s15, $0xb8;
	[tilespmem:$0x72C0] =	vst v63  }
0x33: {  	s2 =	simm.s32 $0x0;
	s31 =	simm.s32 $0x15C0;
	s1 =	simm.s32 $0x3BC0  }
0x34: {  	[tilespmem:s25], [sflag:$0x4] =	stream.indirect.gather [hbm4b:s5+s15], $0x8, s24, s15, $0xb8;
	[tilespmem:$0x72C0] =	vst v63  }
.LBB2_2:
0x35: {  	s0 =	smov.u32 s2;
	s2 =	sadd.s32 $0x1, s2  }
0x36: {  	s16 =	sand.u32 $0x3, s2  }
0x37: {  	p1 =	sgt.s32 s16, $0x1  }
0x38: {  	p2 =	seq.s32 @p1 s16, $0x2  }
0x39: {  	p3 =	por !p2, !p1  }
0x3a: {  	s18 =	simm.s32 @!p3 $0x3  }
0x3b: {  	s0 =	sadd.s32 $0x4, s0;
	_ =	swait.ge @!p3 [sflag:s18], $0x400  }
0x3c: {  	p4 =	sge.u32 @!p3 s0, s6;
	[sflag:s18] =	ssyncset.done @!p3 $0x0  }
0x3d: {  	s19 =	simm.s32 @!p3 $0x6AC0;
	[sflag:s18] =	ssyncadd.s32 @!p3 $0xFFFFFC00;
	s18 =	simm.s32 @!p3 $0x80  }
0x3e: {  	[spmem:s3] =	stream.indirect.scatter.add.f32 @!p3 [tilespmem:s19], [sflag:$0x7], $0x8, s1, s18, $0xb8;
	[tilespmem:$0x72C0] =	vst v63  }
0x3f: {  	p3 =	por @p1 p4, !p2  }
0x40: {  	p3 =	por p3, !p1  }
0x41: {  	s18 =	simm.s32 @!p3 $0x6  }
0x42: {  	_ =	swait.ge @!p3 [sflag:s18], $0x400  }
0x43: {  	[sflag:s18] =	ssyncset.done @!p3 $0x0  }
0x44: {  	s19 =	simm.s32 @!p3 $0x66C0;
	[sflag:s18] =	ssyncadd.s32 @!p3 $0xFFFFFC00;
	s18 =	simm.s32 @!p3 $0x80  }
0x45: {  	[tilespmem:s19], [sflag:$0x2] =	stream.indirect.gather @!p3 [hbm4b:s5+s18], $0x8, s31, s18, $0xb8;
	[tilespmem:$0x72C0] =	vst v63  }
0x46: {  	p3 =	por p2, !p1  }
0x47: {  	s18 =	simm.s32 @!p3 $0x4  }
0x48: {  	p4 =	sge.u32 @!p3 s0, s6;
	_ =	swait.ge @!p3 [sflag:s18], $0x400  }
0x49: {  	s19 =	simm.s32 @!p3 $0x6EC0;
	p2 =	por @p1 p4, p2;
	[sflag:s18] =	ssyncset.done @!p3 $0x0  }
0x4a: {  	p2 =	por p2, !p1;
	[sflag:s18] =	ssyncadd.s32 @!p3 $0xFFFFFC00;
	s18 =	simm.s32 @!p3 $0x80  }
0x4b: {  	[spmem:s3] =	stream.indirect.scatter.add.f32 @!p3 [tilespmem:s19], [sflag:$0x8], $0x8, s1, s18, $0xb8;
	[tilespmem:$0x72C0] =	vst v63  }
0x4c: {  	s18 =	simm.s32 @!p2 $0x7  }
0x4d: {  	_ =	swait.ge @!p2 [sflag:s18], $0x400  }
0x4e: {  	[sflag:s18] =	ssyncset.done @!p2 $0x0  }
0x4f: {  	s19 =	simm.s32 @!p2 $0x6AC0;
	[sflag:s18] =	ssyncadd.s32 @!p2 $0xFFFFFC00;
	s18 =	simm.s32 @!p2 $0x80  }
0x50: {  	[tilespmem:s19], [sflag:$0x3] =	stream.indirect.gather @!p2 [hbm4b:s5+s18], $0x8, s31, s18, $0xb8;
	[tilespmem:$0x72C0] =	vst v63  }
0x51: {  	p2 =	seq.s32 @!p1 s16, $0x0  }
0x52: {  	p3 =	por !p2, p1  }
0x53: {  	s16 =	simm.s32 @!p3 $0x1  }
0x54: {  	_ =	swait.ge @!p3 [sflag:s16], $0x400  }
0x55: {  	p4 =	sge.u32 @!p3 s0, s6;
	[sflag:s16] =	ssyncset.done @!p3 $0x0  }
0x56: {  	s18 =	simm.s32 @!p3 $0x62C0;
	[sflag:s16] =	ssyncadd.s32 @!p3 $0xFFFFFC00;
	s16 =	simm.s32 @!p3 $0x80  }
0x57: {  	[spmem:s3] =	stream.indirect.scatter.add.f32 @!p3 [tilespmem:s18], [sflag:$0x5], $0x8, s1, s16, $0xb8;
	[tilespmem:$0x72C0] =	vst v63  }
0x58: {  	p3 =	por @!p1 p4, !p2  }
0x59: {  	p3 =	por p3, p1  }
0x5a: {  	s16 =	simm.s32 @!p3 $0x8  }
0x5b: {  	_ =	swait.ge @!p3 [sflag:s16], $0x400  }
0x5c: {  	[sflag:s16] =	ssyncset.done @!p3 $0x0  }
0x5d: {  	s18 =	simm.s32 @!p3 $0x6EC0;
	[sflag:s16] =	ssyncadd.s32 @!p3 $0xFFFFFC00;
	s16 =	simm.s32 @!p3 $0x80  }
0x5e: {  	[tilespmem:s18], [sflag:$0x4] =	stream.indirect.gather @!p3 [hbm4b:s5+s16], $0x8, s31, s16, $0xb8;
	[tilespmem:$0x72C0] =	vst v63  }
0x5f: {  	p3 =	por p2, p1  }
0x60: {  	s16 =	simm.s32 @!p3 $0x2  }
0x61: {  	p4 =	sge.u32 @!p3 s0, s6;
	_ =	swait.ge @!p3 [sflag:s16], $0x400  }
0x62: {  	s0 =	simm.s32 @!p3 $0x80;
	p2 =	por @!p1 p4, p2;
	[sflag:s16] =	ssyncset.done @!p3 $0x0  }
0x63: {  	p1 =	por p2, p1;
	[sflag:s16] =	ssyncadd.s32 @!p3 $0xFFFFFC00;
	s16 =	simm.s32 @!p3 $0x66C0  }
0x64: {  	[spmem:s3] =	stream.indirect.scatter.add.f32 @!p3 [tilespmem:s16], [sflag:$0x6], $0x8, s1, s0, $0xb8;
	[tilespmem:$0x72C0] =	vst v63  }
0x65: {  	s0 =	simm.s32 @!p1 $0x5  }
0x66: {  	_ =	swait.ge @!p1 [sflag:s0], $0x400  }
0x67: {  	[sflag:s0] =	ssyncset.done @!p1 $0x0  }
0x68: {  	s16 =	simm.s32 @!p1 $0x62C0;
	[sflag:s0] =	ssyncadd.s32 @!p1 $0xFFFFFC00;
	s0 =	simm.s32 @!p1 $0x80  }
0x69: {  	[tilespmem:s16], [sflag:$0x1] =	stream.indirect.gather @!p1 [hbm4b:s5+s0], $0x8, s31, s0, $0xb8;
	[tilespmem:$0x72C0] =	vst v63  }
0x6a: {  	p1 =	sne.s32 s12, s2  }
.Ltmp0:
0x6b: {  	_ = 	snop;
	(pc) =	sbr.rel @p1 .LBB2_2-.Ltmp0, $2  }
0x6c: {  	_ =	sdelay $0x2  }
0x6d: {  	s1 =	sadd.s32 $0x80, s1;
	s31 =	sadd.s32 $0x80, s31  }
0x6e: {  	_ =	swait.ge [sflag:s26], $0x400  }
0x6f: {  	[sflag:s26] =	ssyncset.done $0x0  }
0x70: {  	[sflag:s26] =	ssyncadd.s32 $0xFFFFFC00  }
0x71: {  	_ =	swait.ge [sflag:s28], $0x400  }
0x72: {  	[sflag:s28] =	ssyncset.done $0x0  }
0x73: {  	[sflag:s28] =	ssyncadd.s32 $0xFFFFFC00  }
0x74: {  	_ =	swait.ge [sflag:s29], $0x400  }
0x75: {  	[sflag:s29] =	ssyncset.done $0x0  }
0x76: {  	[sflag:s29] =	ssyncadd.s32 $0xFFFFFC00  }
0x77: {  	_ =	swait.ge [sflag:s30], $0x400  }
0x78: {  	s4 =	sadd.s32 $0x1, s4;
	[sflag:s30] =	ssyncset.done $0x0  }
0x79: {  	p1 =	sne.s32 s4, s11;
	[sflag:s30] =	ssyncadd.s32 $0xFFFFFC00  }
.Ltmp1:
0x7a: {  	[bflag:$0x0] =	sbarrier.arrive $0xFFFF;
	(pc) =	sbr.rel @p1 .LBB2_1-.Ltmp1, $4  }
0x7b: {  	[hbm:s10], [sflag:s7] =	dma.local [spmem:s13], $0x278  }
0x7c: {  	_ =	swait.ge [sflag:s14], $0x278  }
0x7d: {  	[sflag:s14] =	ssyncset.done $0x0  }
0x7e: {  	[sflag:s14] =	ssyncadd.s32 $0xFFFFFD88  }
0x7f: {  	_ =	sfence.sel $0x180000  }
0x80: {  	[bflag:$0x0] =	sbarrier.arrive $0xFFFF  }
0x81: {  	_ =	strace $0x9000004A  }
0x82: {  	s0 =	stileid.u32;
	[bflag:$0x2] =	sbarrier.arrive $0xFFFF  }
0x83: {  	p0 =	sne.s32 s0, $0x0;
	s0 =	rddreg [dreg:$0x3]  }
0x84: {  	s0 =	sadd.s32 @!p0 $0x100000, s0  }
0x85: {  	[sflag:s0] =	ssyncadd.tile.s32 @!p0 $0x1;
	_ =	shalt  }
.Lfunc_end2:
_tile_overlayer_lowered:
.L_overlay_start_2:
0x86: {  	(tag) =	ssettag $0x2  }
0x87: {  	s0 =	rddreg [dreg:$0x0];
	s2 =	stileid.u32  }
0x88: {  	s1 =	rddreg [dreg:$0x1];
	p0 =	sne.s32 s2, $0x0  }
0x89: {  	s3 =	rddreg [dreg:$0x2];
	[bflag:$0x3] =	sbarrier.arrive $0xFFFF;
	s2 =	simm.s32 @!p0 $0x1C09  }
0x8a: {  	[timem:s3], [sflag:s2] =	dma.local @!p0 [hbm:s0], s1  }
0x8b: {  	s0 =	simm.s32 @!p0 $0x9  }
0x8c: {  	_ =	swait.ge @!p0 [sflag:s0], s1  }
0x8d: {  	s1 =	ssub.s32 @!p0 $0x0, s1;
	[sflag:s0] =	ssyncset.done @!p0 $0x0  }
0x8e: {  	[sflag:s0] =	ssyncadd.s32 @!p0 s1  }
0x8f: {  	[bflag:$0x3] =	sbarrier.arrive $0xFFFF  }
0x90: {  	_ =	shalt  }

// kernel: kernel.7.cloned.1.call-start
scs
__scs_entry_jumppad:
0x0: {  	(pc) =	sbr.rel $0x88, $3  }
0x1: {  	(tag) =	ssettag $0x0;
	lr =	simm.s32 $0x1  }
0x2: {  	[smem:$0x3F99] =	sst lr;
	_ =	strace $0xD0000000  }
0x3: {  	_ = 	snop  }
0x4: {  	_ = 	snop  }
0x5: {  	_ = 	snop  }
0x6: {  	_ = 	snop  }
0x7: {  	_ = 	snop  }
__scs_overlays_trampoline_lowered:
0x8: {  	[smem:$0x3FA8] =	sst s0  }
0x9: {  	[smem:$0x3FA9] =	sst s1  }
0xa: {  	[smem:$0x3FAA] =	sst s2  }
0xb: {  	[smem:$0x3FAB] =	sst s3  }
0xc: {  	[smem:$0x3FAC] =	sst s4  }
0xd: {  	[smem:$0x3FAD] =	sst s5  }
0xe: {  	[smem:$0x3FAE] =	sst s6  }
0xf: {  	[smem:$0x3FAF] =	sst s7  }
0x10: {  	[smem:$0x3FB0] =	sst s8  }
0x11: {  	[smem:$0x3FB1] =	sst s9;
	s0 =	simm.s32 @!p0 $0x0  }
0x12: {  	s1 =	sld [smem:$0x3F97];
	s0 =	simm.s32 @p0 $0x1  }
0x13: {  	[smem:$0x3FB2] =	sst s0;
	s0 =	simm.s32 @!p1 $0x0  }
0x14: {  	s2 =	sld [smem:$0x3F96];
	s0 =	simm.s32 @p1 $0x1  }
0x15: {  	[smem:$0x3FB3] =	sst s0;
	s0 =	simm.s32 @!p2 $0x0  }
0x16: {  	s3 =	sld [smem:$0x3FDB];
	s0 =	simm.s32 @p2 $0x1  }
0x17: {  	s4 =	simm.s32 $0x1BF5;
	[smem:$0x3FB5] =	sst s0  }
0x18: {  	s0 =	sld [smem:$0x3F98];
	_ =	swait.ge [sflag:s4], $0x0  }
0x19: {  	s7 =	sld [smem:$0x3F99]  }
0x1a: {  	s8 =	sadd.s32 $0xFFFFE003, lr  }
0x1b: {  	s9 =	sadd.s32 $0xFFFFFEF7, lr;
	s5 =	simm.s32 $0xFFFFFFFF;
	p2 =	slt.u32 s8, $0xFFFFF086  }
0x1c: {  	p1 =	slt.u32 s9, $0xF7A;
	s5 =	simm.s32 @!p2 $0x0  }
0x1d: {  	s5 =	simm.s32 @p1 $0x1;
	p0 =	seq.s32 s7, s2  }
0x1e: {  	s7 =	smul.u32 @!p0 $0xF7A, s2;
	p2 =	seq.s32 @!p0 s5, $0x0  }
0x1f: {  	s9 =	smul.u32 $0xF7A, s1;
	s8 =	simm.s32 @!p0 $0x1BF5;
	p2 =	por !p2, p0  }
0x20: {  	[sflag:s8] =	ssyncset.s32 @!p0 $0xFFFFF086;
	s6 =	sadd.s32 @!p0 s3, s7;
	s7 =	simm.s32 @!p0 $0x108  }
0x21: {  	s3 =	sadd.s32 s3, s9;
	s6 =	sadd.s32 @!p0 $0x88, s6;
	s7 =	simm.s32 @p2 $0x1082  }
0x22: {  	[simem:s7], [sflag:s8] =	dma.local @!p0 [hbm:s6], $0xF7A  }
0x23: {  	s9 =	sor.u32 $0xD0000000, s2;
	s6 =	simm.s32 $0x108;
	_ =	swait.ge @!p0 [sflag:s8], $0x0  }
0x24: {  	s3 =	sadd.s32 $0x88, s3;
	s6 =	simm.s32 @!p1 $0x1082;
	[sflag:s4] =	ssyncset.s32 $0xFFFFF086  }
0x25: {  	[simem:s6], [sflag:s4] =	dma.local [hbm:s3], $0xF7A  }
0x26: {  	[smem:$0x3F99] =	sst s1;
	(tag) =	ssettag s2;
	_ =	strace s9  }
0x27: {  	s1 =	sld [smem:$0x3FA9]  }
0x28: {  	s2 =	sld [smem:$0x3FAA]  }
0x29: {  	s4 =	sld [smem:$0x3FAC]  }
0x2a: {  	p0 =	seq.s32 s5, $0x0;
	s5 =	sld [smem:$0x3FAD]  }
0x2b: {  	s6 =	sld [smem:$0x3FAE]  }
0x2c: {  	s7 =	sld [smem:$0x3FAF]  }
0x2d: {  	s3 =	simm.s32 $0x108;
	s8 =	sld [smem:$0x3FB0]  }
0x2e: {  	s3 =	simm.s32 @!p0 $0x1082;
	s9 =	sld [smem:$0x3FB1]  }
0x2f: {  	lr =	sadd.s32 s0, s3;
	s0 =	sld [smem:$0x3FA8]  }
0x30: {  	s3 =	sld [smem:$0x3FAB]  }
0x31: {  	[smem:$0x3FB4] =	sst s10  }
0x32: {  	s10 =	sld [smem:$0x3FB2];
	_ =	sdelay $0x3  }
0x33: {  	p0 =	seq.s32 s10, $0x1;
	s10 =	sld [smem:$0x3FB4];
	_ =	sdelay $0x3  }
0x34: {  	[smem:$0x3FB4] =	sst s10  }
0x35: {  	s10 =	sld [smem:$0x3FB3];
	_ =	sdelay $0x3  }
0x36: {  	p1 =	seq.s32 s10, $0x1;
	s10 =	sld [smem:$0x3FB4];
	_ =	sdelay $0x3  }
0x37: {  	[smem:$0x3FB4] =	sst s10  }
0x38: {  	s10 =	sld [smem:$0x3FB5]  }
0x39: {  	_ = 	snop;
	(pc) =	sbr.ind lr, $3  }
0x3a: {  	_ = 	snop  }
0x3b: {  	_ = 	snop  }
0x3c: {  	p2 =	seq.s32 s10, $0x1;
	s10 =	sld [smem:$0x3FB4]  }
0x3d: {  	_ =	shalt  }
0x3e: {  	_ =	shalt  }
0x3f: {  	_ =	shalt  }
0x40: {  	_ =	shalt  }
0x41: {  	_ =	shalt  }
0x42: {  	_ =	shalt  }
0x43: {  	_ =	shalt  }
0x44: {  	_ =	shalt  }
0x45: {  	_ =	shalt  }
0x46: {  	_ =	shalt  }
0x47: {  	_ =	shalt  }
0x48: {  	_ =	shalt  }
0x49: {  	_ =	shalt  }
0x4a: {  	_ =	shalt  }
0x4b: {  	_ =	shalt  }
0x4c: {  	_ =	shalt  }
0x4d: {  	_ =	shalt  }
0x4e: {  	_ =	shalt  }
0x4f: {  	_ =	shalt  }
0x50: {  	_ =	shalt  }
0x51: {  	_ =	shalt  }
0x52: {  	_ =	shalt  }
0x53: {  	_ =	shalt  }
0x54: {  	_ =	shalt  }
0x55: {  	_ =	shalt  }
0x56: {  	_ =	shalt  }
0x57: {  	_ =	shalt  }
0x58: {  	_ =	shalt  }
0x59: {  	_ =	shalt  }
0x5a: {  	_ =	shalt  }
0x5b: {  	_ =	shalt  }
0x5c: {  	_ =	shalt  }
0x5d: {  	_ =	shalt  }
0x5e: {  	_ =	shalt  }
0x5f: {  	_ =	shalt  }
0x60: {  	_ =	shalt  }
0x61: {  	_ =	shalt  }
0x62: {  	_ =	shalt  }
0x63: {  	_ =	shalt  }
0x64: {  	_ =	shalt  }
0x65: {  	_ =	shalt  }
0x66: {  	_ =	shalt  }
0x67: {  	_ =	shalt  }
0x68: {  	_ =	shalt  }
0x69: {  	_ =	shalt  }
0x6a: {  	_ =	shalt  }
0x6b: {  	_ =	shalt  }
0x6c: {  	_ =	shalt  }
0x6d: {  	_ =	shalt  }
0x6e: {  	_ =	shalt  }
0x6f: {  	_ =	shalt  }
0x70: {  	_ =	shalt  }
0x71: {  	_ =	shalt  }
0x72: {  	_ =	shalt  }
0x73: {  	_ =	shalt  }
0x74: {  	_ =	shalt  }
0x75: {  	_ =	shalt  }
0x76: {  	_ =	shalt  }
0x77: {  	_ =	shalt  }
0x78: {  	_ =	shalt  }
0x79: {  	_ =	shalt  }
0x7a: {  	_ =	shalt  }
0x7b: {  	_ =	shalt  }
0x7c: {  	_ =	shalt  }
0x7d: {  	_ =	shalt  }
0x7e: {  	_ =	shalt  }
0x7f: {  	_ =	shalt  }
0x80: {  	_ =	shalt  }
0x81: {  	_ =	shalt  }
0x82: {  	_ =	shalt  }
0x83: {  	_ =	shalt  }
0x84: {  	_ =	shalt  }
0x85: {  	_ =	shalt  }
0x86: {  	_ =	shalt  }
0x87: {  	_ =	shalt  }
.Lfunc_end0:
.L_simem_size_0:
called_computation_lowered:
.L_overlay_start_0:
0x88: {  	s2 =	sld [smem:$0x3FD9]  }
0x89: {  	s3 =	sld [smem:$0x3FFE];
	_ =	sdelay $0x1  }
0x8a: {  	s1 =	srdreg.scid  }
0x8b: {  	s0 =	sand.u32 $0x1, s1  }
0x8c: {  	s17 =	sshll.u32 s0, $0xA;
	s2 =	sadd.s32 s3, s2  }
0x8d: {  	s2 =	sadd.s32 s2, s17  }
0x8e: {  	[smem:$0x3FC0] =	sst s2  }
0x8f: {  	_ = 	snop  }
0x90: {  	s2 =	sld [smem:$0x3FD0];
	(tm) =	ssettm $0x1  }
0x91: {  	s18 =	sld [smem:$0x3FFB];
	_ =	sdelay $0x3  }
0x92: {  	_ =	strace s18  }
0x93: {  	s3 =	sld [smem:$0x3FFC];
	_ =	sdelay $0x3  }
0x94: {  	_ =	strace s3  }
0x95: {  	s3 =	sld [smem:$0x3FFD];
	_ =	sdelay $0x3  }
0x96: {  	_ =	strace s3  }
0x97: {  	_ =	strace $0x8FFFFFFF  }
0x98: {  	s19 =	sld [smem:$0x3FDB];
	_ =	sdelay $0x1  }
0x99: {  	s4 =	simm.s32 $_scs_section_size  }
0x9a: {  	s5 =	simm.s32 $_size__tile_overlayer_lowered;
	s6 =	simm.s32 $_tile_overlayer_lowered  }
0x9b: {  	s22 =	simm.s32 $0x1BFF;
	s21 =	sshll.u32 s6, $0x1;
	s3 =	sadd.s32 s4, s19  }
0x9c: {  	s7 =	simm.s32 $0x0;
	s20 =	sshll.u32 s5, $0x1;
	s5 =	sadd.s32 s21, s3  }
0x9d: {  	[timem:s7], [sflag:s22] =	dma.local [hbm:s5], s20  }
0x9e: {  	_ =	swait.ge [sflag:s22], s20  }
0x9f: {  	s4 =	ssub.s32 $0x0, s20;
	[sflag:s22] =	ssyncset.done $0x0  }
0xa0: {  	[sflag:s22] =	ssyncadd.s32 s4;
	_ =	sdelay $0x1  }
0xa1: {  	s23 =	simm.s32 $0x1B8B  }
0xa2: {  	_ =	swait.ge [sflag:s23], $0x1  }
0xa3: {  	[sflag:s23] =	ssyncset.done $0x0  }
0xa4: {  	s25 =	simm.s32 $0x1B8E;
	s24 =	sld [smem:$0x3FFE];
	[sflag:s23] =	ssyncadd.s32 $0xFFFFFFFF  }
0xa5: {  	s26 =	simm.s32 $execute0_lowered;
	[smem:$0x3FD2] =	sst s25  }
0xa6: {  	s5 =	sshll.u32 s26, $0x1;
	_ =	strace $0x80000046;
	[dreg:$0x1] =	wrdreg $0xFFFFFFFF  }
0xa7: {  	s28 =	simm.s32 $_size_execute0_lowered;
	s3 =	sadd.s32 s3, s5;
	[dreg:$0x0] =	wrdreg $0x0  }
0xa8: {  	s5 =	sshll.u32 s28, $0x1;
	[dreg:$0x2] =	wrdreg s3  }
0xa9: {  	[dreg:$0x3] =	wrdreg s5  }
0xaa: {  	[dreg:$0x4] =	wrdreg $0xC0  }
0xab: {  	_ =	task [dreg:s7], $0x5FFFF  }
0xac: {  	[dreg:$0x1] =	wrdreg $0xFFFFFFFF  }
0xad: {  	[dreg:$0x0] =	wrdreg $0x60  }
0xae: {  	[dreg:$0x2] =	wrdreg s24  }
0xaf: {  	[dreg:$0x3] =	wrdreg s2  }
0xb0: {  	[dreg:$0x4] =	wrdreg $0x0  }
0xb1: {  	[dreg:$0x5] =	wrdreg $0x9E000  }
0xb2: {  	[dreg:$0x6] =	wrdreg $0x9  }
0xb3: {  	_ =	task.clear_ibuf [dreg:s7], $0x7FFFF;
	_ =	strace $0x90000046  }
0xb4: {  	s29 =	simm.s32 $0x9;
	_ =	strace $0x80000048  }
0xb5: {  	_ =	swait.ge [sflag:s29], $0x1  }
0xb6: {  	[sflag:s29] =	ssyncadd.s32 $0xFFFFFFFF  }
0xb7: {  	_ =	strace $0x90000048  }
0xb8: {  	_ =	sfence  }
0xb9: {  	s30 =	sld [smem:$0x0];
	_ =	sdelay $0x2  }
0xba: {  	s31 =	sshll.u32 s1, $0xD;
	s1 =	sshrl.u32 s1, $0x2  }
0xbb: {  	s3 =	sand.u32 $0x4000, s31;
	s1 =	sadd.s32 s1, s30  }
0xbc: {  	s0 =	sor.u32 s3, s0;
	s1 =	sshll.u32 s1, $0x11  }
0xbd: {  	s0 =	sor.u32 s1, s0  }
0xbe: {  	s0 =	sadd.s32 $0x8F2B, s0  }
0xbf: {  	[sflag:s0] =	ssyncadd.remote.s32 $0x1  }
0xc0: {  	_ =	sfence.sel $0xFFFF  }
0xc1: {  	[dreg:$0x0] =	wrdreg $0xFFFFFFFF;
	(pc) =	sbr.abs _section_cstart, $3  }
0xc2: {  	[dreg:$0x1] =	wrdreg $0xFFFFFFFF  }
0xc3: {  	_ =	task.clear_ibuf [dreg:s7], $0x2FFFF;
	_ =	strace $0x9FFFFFFF  }
0xc4: {  	(tm) =	ssettm $0x7FFFFFFF  }
0xc5: {  	_ =	shalt  }
tec
execute0_lowered:
.L_overlay_start_1:
0x0: {  	(tag) =	ssettag $0x1  }
0x1: {  	s1 =	rddreg [dreg:$0x0]  }
0x2: {  	s0 =	srdreg.scid;
	s3 =	rddreg [dreg:$0x2]  }
0x3: {  	s15 =	stileid.u32;
	s4 =	rddreg [dreg:$0x3];
	s6 =	simm.s32 $0x0  }
0x4: {  	s17 =	simm.s32 $0xA;
	s20 =	simm.s32 $0x80;
	s23 =	simm.s32 $0xB240  }
0x5: {  	s24 =	simm.s32 $0x124C0;
	s28 =	simm.s32 $0x6;
	s29 =	simm.s32 $0x7  }
0x6: {  	s30 =	simm.s32 $0x8;
	s31 =	simm.s32 $0x9;
	s10 =	smul.u32 $0x9E00, s15  }
0x7: {  	s0 =	sand.u32 $0x1, s0;
	[smem:$0x7FF] =	sst s6;
	s11 =	smul.u32 $0x13C0, s15  }
0x8: {  	s6 =	sadd.s32 $0x14C00, s1;
	s7 =	sadd.s32 $0x28A00, s1;
	s8 =	sadd.s32 $0x28800, s1  }
0x9: {  	s26 =	sshll.u32 s15, $0x6;
	s2 =	sshll.u32 s0, $0x4;
	s9 =	smul.u32 $0x9E000, s0  }
0xa: {  	_ =	strace $0x80000047;
	s12 =	smul.u32 $0x13C00, s0;
	s0 =	ssub.s32 $0x2, s0  }
0xb: {  	s2 =	sor.u32 s15, s2;
	s13 =	sshrl.u32 s0, $0x1;
	s16 =	sadd.s32 s10, s3  }
0xc: {  	s18 =	sadd.s32 s11, s4;
	s5 =	smul.u32 $0x4E, s2;
	s25 =	smin.u32 s2, $0x4  }
0xd: {  	s9 =	sadd.s32 s10, s9;
	s12 =	sadd.s32 s11, s12;
	s0 =	ssub.s32 s0, s13  }
0xe: {  	p0 =	slt.u32 s2, $0x4;
	s10 =	sor.u32 $0x1C0A, s26;
	s16 =	sshrl.u32 s16, $0x3  }
0xf: {  	s18 =	sshrl.u32 s18, $0x3;
	s26 =	simm.s32 $0x144C0;
	s9 =	sshrl.u32 s9, $0x3  }
0x10: {  	s12 =	sshrl.u32 s12, $0x3;
	s15 =	smax.u32 s0, $0x1;
	s0 =	simm.s32 $0x0  }
.Ltmp0:
0x11: {  	s5 =	sadd.s32 s25, s5;
	s14 =	sadd.s32 s9, s1;
	(pc) =	sbr.rel .LBB2_1-.Ltmp0, $4  }
0x12: {  	s9 =	simm.s32 $0x4F;
	s25 =	simm.s32 $0xB2C0;
	s5 =	sshll.u32 s5, $0x4  }
0x13: {  	s9 =	simm.s32 @!p0 $0x4E;
	s13 =	sadd.s32 $0x29E00, s14;
	p0 =	sgt.u32 s2, $0x3  }
0x14: {  	s2 =	simm.s32 $0x1;
	s5 =	sadd.s32 s5, s1;
	s1 =	sadd.s32 s12, s1  }
0x15: {  	s11 =	sadd.s32 $0xAE00, s5;
	s12 =	sadd.s32 $0x1000, s5;
	s14 =	sadd.s32 $0x51600, s1  }
.LBB2_6:
0x16: {  	_ =	swait.ge [sflag:s28], $0x2000  }
0x17: {  	[sflag:s28] =	ssyncset.done $0x0  }
0x18: {  	[sflag:s28] =	ssyncadd.s32 $0xFFFFE000  }
0x19: {  	_ =	swait.ge [sflag:s29], $0x2000  }
0x1a: {  	[sflag:s29] =	ssyncset.done $0x0  }
0x1b: {  	[sflag:s29] =	ssyncadd.s32 $0xFFFFE000  }
0x1c: {  	_ =	swait.ge [sflag:s30], $0x2000  }
0x1d: {  	[sflag:s30] =	ssyncset.done $0x0  }
0x1e: {  	[sflag:s30] =	ssyncadd.s32 $0xFFFFE000  }
0x1f: {  	_ =	swait.ge [sflag:s31], $0x2000  }
0x20: {  	[sflag:s31] =	ssyncset.done $0x0  }
0x21: {  	[sflag:s31] =	ssyncadd.s32 $0xFFFFE000  }
0x22: {  	_ =	swait.ge [sflag:s2], $0x400  }
0x23: {  	[sflag:s2] =	ssyncset.done $0x0  }
0x24: {  	[sflag:s2] =	ssyncadd.s32 $0xFFFFFC00  }
0x25: {  	_ =	swait.ge [sflag:s2], $0x400  }
0x26: {  	[sflag:s2] =	ssyncset.done $0x0  }
0x27: {  	[sflag:s2] =	ssyncadd.s32 $0xFFFFFC00  }
0x28: {  	_ =	swait.ge [sflag:s2], $0x400  }
0x29: {  	[sflag:s2] =	ssyncset.done $0x0  }
0x2a: {  	[sflag:s2] =	ssyncadd.s32 $0xFFFFFC00  }
0x2b: {  	_ =	swait.ge [sflag:s2], $0x400  }
0x2c: {  	[sflag:s2] =	ssyncset.done $0x0  }
0x2d: {  	[sflag:s2] =	ssyncadd.s32 $0xFFFFFC00  }
0x2e: {  	[bflag:$0x0] =	sbarrier.arrive $0xFFFF  }
0x2f: {  	[hbm:s13], [sflag:s10] =	dma.local [spmem:s16], $0x13C0  }
0x30: {  	s0 =	sadd.s32 $0x1, s0;
	_ =	swait.ge [sflag:s17], $0x13C0  }
0x31: {  	p1 =	sne.s32 s0, s15;
	[sflag:s17] =	ssyncset.done $0x0  }
.Ltmp1:
0x32: {  	[sflag:s17] =	ssyncadd.s32 $0xFFFFEC40;
	(pc) =	sbr.rel @!p1 .LBB2_7-.Ltmp1, $4  }
0x33: {  	[hbm:s14], [sflag:s10] =	dma.local [spmem:s18], $0x278  }
0x34: {  	_ =	swait.ge [sflag:s17], $0x278  }
0x35: {  	[sflag:s17] =	ssyncset.done $0x0  }
0x36: {  	[sflag:s17] =	ssyncadd.s32 $0xFFFFFD88  }
.LBB2_1:
0x37: {  	[spmem:s16], [sflag:s10] =	dma.local [hbm:s7], $0x13C0  }
0x38: {  	_ =	swait.ge [sflag:s17], $0x13C0  }
0x39: {  	[sflag:s17] =	ssyncset.done $0x0  }
0x3a: {  	[sflag:s17] =	ssyncadd.s32 $0xFFFFEC40  }
0x3b: {  	s1 =	rddreg [dreg:$0x1]  }
0x3c: {  	[spmem:s18], [sflag:s10] =	dma.local [hbm:s1], $0x278  }
0x3d: {  	_ =	swait.ge [sflag:s17], $0x278  }
0x3e: {  	[sflag:s17] =	ssyncset.done $0x0  }
0x3f: {  	s19 =	simm.s32 $0x0;
	s5 =	simm.s32 $0x100C0;
	[sflag:s17] =	ssyncadd.s32 $0xFFFFFD88  }
0x40: {  	[tilespmem:s5], [sflag:$0xA] =	stream.linear.gather [hbm4b:s8+s19], $0x400, $0x38;
	[tilespmem:$0x184C0] =	vst v63  }
0x41: {  	_ =	swait.ge [sflag:s17], $0x400  }
0x42: {  	[sflag:s17] =	ssyncset.done $0x0  }
0x43: {  	s1 =	simm.s32 @p0 $0x0;
	s5 =	simm.s32 @p0 $0xB1C0;
	[sflag:s17] =	ssyncadd.s32 $0xFFFFFC00  }
0x44: {  	[tilespmem:s5], [sflag:$0xA] =	stream.linear.gather @p0 [hbm4b:s11+s1], $0x2700, $0x38;
	[tilespmem:$0x184C0] =	vst v63  }
0x45: {  	s5 =	simm.s32 @p0 $0xA  }
0x46: {  	_ =	swait.ge @p0 [sflag:s5], $0x2700  }
0x47: {  	[sflag:s5] =	ssyncset.done @p0 $0x0  }
0x48: {  	s19 =	simm.s32 @p0 $0xD940;
	[sflag:s5] =	ssyncadd.s32 @p0 $0xFFFFD900  }
0x49: {  	[tilespmem:s19], [sflag:$0xA] =	stream.linear.gather @p0 [hbm4b:s12+s1], $0x2700, $0x38;
	[tilespmem:$0x184C0] =	vst v63  }
0x4a: {  	_ =	swait.ge @p0 [sflag:s5], $0x2700  }
0x4b: {  	[sflag:s5] =	ssyncset.done @p0 $0x0  }
0x4c: {  	s1 =	simm.s32 @!p0 $0x0;
	[sflag:s5] =	ssyncadd.s32 @p0 $0xFFFFD900;
	s5 =	simm.s32 @!p0 $0xB1C0  }
0x4d: {  	[tilespmem:s5], [sflag:$0xA] =	stream.linear.gather @!p0 [hbm4b:s11+s1], $0x2780, $0x38;
	[tilespmem:$0x184C0] =	vst v63  }
0x4e: {  	s5 =	simm.s32 @!p0 $0xA  }
0x4f: {  	_ =	swait.ge @!p0 [sflag:s5], $0x2780  }
0x50: {  	[sflag:s5] =	ssyncset.done @!p0 $0x0  }
0x51: {  	s19 =	simm.s32 @!p0 $0xD940;
	[sflag:s5] =	ssyncadd.s32 @!p0 $0xFFFFD880  }
0x52: {  	[tilespmem:s19], [sflag:$0xA] =	stream.linear.gather @!p0 [hbm4b:s12+s1], $0x2780, $0x38;
	[tilespmem:$0x184C0] =	vst v63  }
0x53: {  	_ =	swait.ge @!p0 [sflag:s5], $0x2780  }
0x54: {  	[sflag:s5] =	ssyncset.done @!p0 $0x0  }
0x55: {  	[sflag:s5] =	ssyncadd.s32 @!p0 $0xFFFFD880  }
0x56: {  	s21 =	simm.s32 $0xB1C0;
	s22 =	simm.s32 $0x104C0;
	[bflag:$0x0] =	sbarrier.arrive $0xFFFF  }
0x57: {  	[tilespmem:s22], [sflag:$0x2] =	stream.indirect.gather [hbm4b:s6+s20], $0x40, s21, s20, $0xb8;
	[tilespmem:$0x184C0] =	vst v63  }
.Ltmp2:
0x58: {  	_ = 	snop;
	(pc) =	sbr.rel .LBB2_2-.Ltmp2, $4  }
0x59: {  	_ = 	snop  }
0x5a: {  	[tilespmem:s24], [sflag:$0x3] =	stream.indirect.gather [hbm4b:s6+s20], $0x40, s23, s20, $0xb8;
	[tilespmem:$0x184C0] =	vst v63  }
0x5b: {  	s1 =	simm.s32 $0xB340;
	s19 =	simm.s32 $0x0;
	s5 =	simm.s32 $0xD940  }
0x5c: {  	[tilespmem:s26], [sflag:$0x4] =	stream.indirect.gather [hbm4b:s6+s20], $0x40, s25, s20, $0xb8;
	[tilespmem:$0x184C0] =	vst v63  }
.LBB2_4:
0x5d: {  	p1 =	seq.s32 s21, $0x2  }
0x5e: {  	s21 =	simm.s32 @p1 $0x4  }
0x5f: {  	_ =	swait.ge @p1 [sflag:s21], $0x2000  }
0x60: {  	[sflag:s21] =	ssyncset.done @p1 $0x0  }
0x61: {  	s22 =	simm.s32 @p1 $0x144C0;
	[sflag:s21] =	ssyncadd.s32 @p1 $0xFFFFE000;
	s21 =	simm.s32 @p1 $0x80  }
0x62: {  	[spmem:s3] =	stream.indirect.scatter.add.f32 @p1 [tilespmem:s22], [sflag:$0x8], $0x40, s5, s21, $0xb8;
	[tilespmem:$0x184C0] =	vst v63  }
0x63: {  	s22 =	simm.s32 @p1 $0x100C0  }
0x64: {  	[spmem:s4] =	stream.indirect.scatter.add.f32 @p1 [tilespmem:s22], [sflag:$0x1], $0x8, s5, s21, $0xb8;
	[tilespmem:$0x184C0] =	vst v63  }
0x65: {  	s21 =	sadd.s32 @p1 $0x3, s19  }
0x66: {  	p2 =	slt.u32 @p1 s19, $0x4;
	p3 =	sge.u32 @p1 s21, s9  }
0x67: {  	p2 =	por p2, !p1;
	p4 =	por p3, !p1  }
0x68: {  	s21 =	simm.s32 @!p2 $0x1;
	p5 =	seq.s32 @!p4 s19, $0x0  }
0x69: {  	_ =	swait.ge @!p2 [sflag:s21], $0x400;
	p3 =	por @p1 p5, p3  }
0x6a: {  	[sflag:s21] =	ssyncset.done @!p2 $0x0;
	p3 =	por p3, !p1  }
0x6b: {  	[sflag:s21] =	ssyncadd.s32 @!p2 $0xFFFFFC00;
	s21 =	simm.s32 @!p3 $0x7  }
0x6c: {  	_ =	swait.ge @!p3 [sflag:s21], $0x2000  }
0x6d: {  	[sflag:s21] =	ssyncset.done @!p3 $0x0  }
0x6e: {  	s22 =	simm.s32 @!p4 $0x124C0;
	[sflag:s21] =	ssyncadd.s32 @!p3 $0xFFFFE000;
	s21 =	simm.s32 @!p4 $0x80  }
0x6f: {  	[tilespmem:s22], [sflag:$0x3] =	stream.indirect.gather @!p4 [hbm4b:s6+s21], $0x40, s1, s21, $0xb8;
	[tilespmem:$0x184C0] =	vst v63  }
0x70: {  	s21 =	simm.s32 @!p1 $0x5  }
0x71: {  	_ =	swait.ge @!p1 [sflag:s21], $0x2000  }
0x72: {  	[sflag:s21] =	ssyncset.done @!p1 $0x0  }
0x73: {  	s22 =	simm.s32 @!p1 $0x164C0;
	[sflag:s21] =	ssyncadd.s32 @!p1 $0xFFFFE000;
	s21 =	simm.s32 @!p1 $0x80  }
0x74: {  	[spmem:s3] =	stream.indirect.scatter.add.f32 @!p1 [tilespmem:s22], [sflag:$0x9], $0x40, s5, s21, $0xb8;
	[tilespmem:$0x184C0] =	vst v63  }
0x75: {  	s22 =	simm.s32 @!p1 $0x100C0  }
0x76: {  	[spmem:s4] =	stream.indirect.scatter.add.f32 @!p1 [tilespmem:s22], [sflag:$0x1], $0x8, s5, s21, $0xb8;
	[tilespmem:$0x184C0] =	vst v63  }
0x77: {  	s21 =	sadd.s32 @!p1 $0x3, s19  }
0x78: {  	p2 =	slt.u32 @!p1 s19, $0x4;
	p3 =	sge.u32 @!p1 s21, s9  }
0x79: {  	p2 =	por p2, p1;
	p4 =	por p3, p1  }
0x7a: {  	s21 =	simm.s32 @!p2 $0x1;
	p5 =	seq.s32 @!p4 s19, $0x0  }
0x7b: {  	_ =	swait.ge @!p2 [sflag:s21], $0x400;
	p3 =	por @!p1 p5, p3  }
0x7c: {  	[sflag:s21] =	ssyncset.done @!p2 $0x0;
	p1 =	por p3, p1  }
0x7d: {  	[sflag:s21] =	ssyncadd.s32 @!p2 $0xFFFFFC00;
	s21 =	simm.s32 @!p1 $0x8  }
0x7e: {  	_ =	swait.ge @!p1 [sflag:s21], $0x2000  }
0x7f: {  	[sflag:s21] =	ssyncset.done @!p1 $0x0  }
0x80: {  	s22 =	simm.s32 @!p4 $0x144C0;
	[sflag:s21] =	ssyncadd.s32 @!p1 $0xFFFFE000;
	s21 =	simm.s32 @!p4 $0x80  }
0x81: {  	[tilespmem:s22], [sflag:$0x4] =	stream.indirect.gather @!p4 [hbm4b:s6+s21], $0x40, s1, s21, $0xb8;
	[tilespmem:$0x184C0] =	vst v63  }
.LBB2_5:
0x82: {  	s19 =	sadd.s32 $0x1, s19  }
0x83: {  	p1 =	sne.s32 s9, s19  }
.Ltmp3:
0x84: {  	_ = 	snop;
	(pc) =	sbr.rel @!p1 .LBB2_6-.Ltmp3, $2  }
0x85: {  	_ =	sdelay $0x2  }
0x86: {  	s1 =	sadd.s32 $0x80, s1;
	s5 =	sadd.s32 $0x80, s5  }
.LBB2_2:
0x87: {  	s21 =	sand.u32 $0x3, s19  }
0x88: {  	p1 =	sgt.s32 s21, $0x1  }
.Ltmp4:
0x89: {  	_ = 	snop;
	(pc) =	sbr.rel @p1 .LBB2_4-.Ltmp4, $1  }
0x8a: {  	_ =	sdelay $0x3  }
0x8b: {  	p1 =	seq.s32 s21, $0x0  }
0x8c: {  	s21 =	simm.s32 @p1 $0x2  }
0x8d: {  	_ =	swait.ge @p1 [sflag:s21], $0x2000  }
0x8e: {  	[sflag:s21] =	ssyncset.done @p1 $0x0  }
0x8f: {  	s22 =	simm.s32 @p1 $0x104C0;
	[sflag:s21] =	ssyncadd.s32 @p1 $0xFFFFE000;
	s21 =	simm.s32 @p1 $0x80  }
0x90: {  	[spmem:s3] =	stream.indirect.scatter.add.f32 @p1 [tilespmem:s22], [sflag:$0x6], $0x40, s5, s21, $0xb8;
	[tilespmem:$0x184C0] =	vst v63  }
0x91: {  	s22 =	simm.s32 @p1 $0x100C0  }
0x92: {  	[spmem:s4] =	stream.indirect.scatter.add.f32 @p1 [tilespmem:s22], [sflag:$0x1], $0x8, s5, s21, $0xb8;
	[tilespmem:$0x184C0] =	vst v63  }
0x93: {  	s21 =	sadd.s32 @p1 $0x3, s19  }
0x94: {  	p2 =	slt.u32 @p1 s19, $0x4;
	p3 =	sge.u32 @p1 s21, s9  }
0x95: {  	p2 =	por p2, !p1;
	p4 =	por p3, !p1  }
0x96: {  	s21 =	simm.s32 @!p2 $0x1;
	p5 =	seq.s32 @!p4 s19, $0x0  }
0x97: {  	_ =	swait.ge @!p2 [sflag:s21], $0x400;
	p3 =	por @p1 p5, p3  }
0x98: {  	[sflag:s21] =	ssyncset.done @!p2 $0x0;
	p3 =	por p3, !p1  }
0x99: {  	[sflag:s21] =	ssyncadd.s32 @!p2 $0xFFFFFC00;
	s21 =	simm.s32 @!p3 $0x9  }
0x9a: {  	_ =	swait.ge @!p3 [sflag:s21], $0x2000  }
0x9b: {  	[sflag:s21] =	ssyncset.done @!p3 $0x0  }
0x9c: {  	s22 =	simm.s32 @!p4 $0x164C0;
	[sflag:s21] =	ssyncadd.s32 @!p3 $0xFFFFE000;
	s21 =	simm.s32 @!p4 $0x80  }
0x9d: {  	[tilespmem:s22], [sflag:$0x5] =	stream.indirect.gather @!p4 [hbm4b:s6+s21], $0x40, s1, s21, $0xb8;
	[tilespmem:$0x184C0] =	vst v63  }
0x9e: {  	s21 =	simm.s32 @!p1 $0x3  }
0x9f: {  	_ =	swait.ge @!p1 [sflag:s21], $0x2000  }
0xa0: {  	[sflag:s21] =	ssyncset.done @!p1 $0x0  }
0xa1: {  	s22 =	simm.s32 @!p1 $0x124C0;
	[sflag:s21] =	ssyncadd.s32 @!p1 $0xFFFFE000;
	s21 =	simm.s32 @!p1 $0x80  }
0xa2: {  	[spmem:s3] =	stream.indirect.scatter.add.f32 @!p1 [tilespmem:s22], [sflag:$0x7], $0x40, s5, s21, $0xb8;
	[tilespmem:$0x184C0] =	vst v63  }
0xa3: {  	s22 =	simm.s32 @!p1 $0x100C0  }
0xa4: {  	[spmem:s4] =	stream.indirect.scatter.add.f32 @!p1 [tilespmem:s22], [sflag:$0x1], $0x8, s5, s21, $0xb8;
	[tilespmem:$0x184C0] =	vst v63  }
0xa5: {  	s21 =	sadd.s32 @!p1 $0x3, s19  }
0xa6: {  	p2 =	slt.u32 @!p1 s19, $0x4;
	p3 =	sge.u32 @!p1 s21, s9  }
0xa7: {  	p2 =	por p2, p1;
	p4 =	por p3, p1  }
0xa8: {  	s21 =	simm.s32 @!p2 $0x1;
	p5 =	seq.s32 @!p4 s19, $0x0  }
0xa9: {  	_ =	swait.ge @!p2 [sflag:s21], $0x400;
	p3 =	por @!p1 p5, p3  }
0xaa: {  	[sflag:s21] =	ssyncset.done @!p2 $0x0;
	p1 =	por p3, p1  }
.Ltmp5:
0xab: {  	[sflag:s21] =	ssyncadd.s32 @!p2 $0xFFFFFC00;
	s21 =	simm.s32 @!p1 $0x6;
	(pc) =	sbr.rel .LBB2_5-.Ltmp5, $4  }
0xac: {  	_ =	swait.ge @!p1 [sflag:s21], $0x2000  }
0xad: {  	[sflag:s21] =	ssyncset.done @!p1 $0x0  }
0xae: {  	s22 =	simm.s32 @!p4 $0x104C0;
	[sflag:s21] =	ssyncadd.s32 @!p1 $0xFFFFE000;
	s21 =	simm.s32 @!p4 $0x80  }
0xaf: {  	[tilespmem:s22], [sflag:$0x2] =	stream.indirect.gather @!p4 [hbm4b:s6+s21], $0x40, s1, s21, $0xb8;
	[tilespmem:$0x184C0] =	vst v63  }
.LBB2_7:
0xb0: {  	_ =	sfence.sel $0x180000  }
0xb1: {  	[bflag:$0x0] =	sbarrier.arrive $0xFFFF  }
0xb2: {  	_ =	strace $0x90000047  }
0xb3: {  	s0 =	stileid.u32;
	[bflag:$0x2] =	sbarrier.arrive $0xFFFF  }
0xb4: {  	p0 =	sne.s32 s0, $0x0;
	s0 =	rddreg [dreg:$0x4]  }
0xb5: {  	s0 =	sadd.s32 @!p0 $0x100000, s0  }
0xb6: {  	[sflag:s0] =	ssyncadd.tile.s32 @!p0 $0x1;
	_ =	shalt  }
.Lfunc_end2:
_tile_overlayer_lowered:
.L_overlay_start_2:
0xb7: {  	(tag) =	ssettag $0x2  }
0xb8: {  	s0 =	rddreg [dreg:$0x0];
	s2 =	stileid.u32  }
0xb9: {  	s1 =	rddreg [dreg:$0x1];
	p0 =	sne.s32 s2, $0x0  }
0xba: {  	s3 =	rddreg [dreg:$0x2];
	[bflag:$0x3] =	sbarrier.arrive $0xFFFF;
	s2 =	simm.s32 @!p0 $0x1C0A  }
0xbb: {  	[timem:s3], [sflag:s2] =	dma.local @!p0 [hbm:s0], s1  }
0xbc: {  	s0 =	simm.s32 @!p0 $0xA  }
0xbd: {  	_ =	swait.ge @!p0 [sflag:s0], s1  }
0xbe: {  	s1 =	ssub.s32 @!p0 $0x0, s1;
	[sflag:s0] =	ssyncset.done @!p0 $0x0  }
0xbf: {  	[sflag:s0] =	ssyncadd.s32 @!p0 s1  }
0xc0: {  	[bflag:$0x3] =	sbarrier.arrive $0xFFFF  }
0xc1: {  	_ =	shalt  }

</sc_bundles>
